<compile_context>
chip_gen: v7x
topology: tpu7x:2x2x1
jax: 0.10.2.dev20260603
libtpu: 0.0.44.dev20260713+nightly
codegen_flags: <defaults>
</compile_context>

<pallas_src>
import jax
import jax.numpy as jnp
from jax import lax
from jax.experimental import pallas as pl
from jax.experimental.pallas import tpu as pltpu
from jax.experimental.pallas import tpu_sc as plsc

_N, _C, _E = 100000, 128, 4096
_NS, _L = 16, 16
_NW = _NS
_EPW = _E // _NW
_NG = _EPW // 128
_SCCH = _E // _NW // _L


def _rsqrt(x):
    i = plsc.bitcast(x, jnp.int32)
    i = jnp.int32(0x5F3759DF) - (i >> 1)
    y = plsc.bitcast(i, jnp.float32)
    for _ in range(3):
        y = y * (1.5 - 0.5 * x * y * y)
    return y


def _body(student, ta, src, dst, out,
          idx_s, idx_d, rows_s, rows_d, ta_v, mm_small, mm_all, part,
          shared, sem):
    wid = lax.axis_index("s")
    base = wid * _EPW

    pltpu.sync_copy(src.at[pl.ds(base, _EPW)], idx_s)
    pltpu.sync_copy(dst.at[pl.ds(base, _EPW)], idx_d)
    copies = []
    for k in range(_NG):
        copies.append(pltpu.async_copy(
            student.at[idx_s.at[pl.ds(k * 128, 128)]],
            rows_s.at[pl.ds(k * 128, 128)], sem))
        copies.append(pltpu.async_copy(
            student.at[idx_d.at[pl.ds(k * 128, 128)]],
            rows_d.at[pl.ds(k * 128, 128)], sem))

    pltpu.sync_copy(ta.at[pl.ds(base, _EPW)], ta_v)
    mn_v = ta_v[pl.ds(0, _L)]
    mx_v = mn_v
    for i in range(1, _SCCH):
        v = ta_v[pl.ds(i * _L, _L)]
        mn_v = jnp.minimum(mn_v, v)
        mx_v = jnp.maximum(mx_v, v)

    mm_small[0, :] = mn_v
    mm_small[1, :] = mx_v
    pltpu.sync_copy(mm_small, shared.at[wid])
    plsc.subcore_barrier()
    pltpu.sync_copy(shared, mm_all)
    for r in range(_NW):
        mn_v = jnp.minimum(mn_v, mm_all[r, 0, :])
        mx_v = jnp.maximum(mx_v, mm_all[r, 1, :])
    mn = mn_v[0]
    mx = mx_v[0]
    for i in range(1, _L):
        mn = jnp.minimum(mn, mn_v[i])
        mx = jnp.maximum(mx, mx_v[i])
    mn_b = jnp.broadcast_to(mn, (_L,))
    scale = 1.0 / (jnp.broadcast_to(mx, (_L,)) - mn_b + 1e-8)

    for cp in copies:
        cp.wait()

    lane = lax.iota(jnp.int32, _L)

    def group_body(g, acc):
        e_vec = g * _L + lane
        dot = jnp.zeros((_L,), jnp.float32)
        ns = jnp.zeros((_L,), jnp.float32)
        nd = jnp.zeros((_L,), jnp.float32)
        for c in range(_C):
            cv = jnp.full((_L,), c, jnp.int32)
            us = jnp.exp(plsc.load_gather(rows_s, [e_vec, cv]))
            ud = jnp.exp(plsc.load_gather(rows_d, [e_vec, cv]))
            dot = dot + us * ud
            ns = ns + us * us
            nd = nd + ud * ud
        sim = (dot * _rsqrt(ns * nd) + 1.0) * 0.5
        t = (ta_v[pl.ds(g * _L, _L)] - mn_b) * scale
        diff = sim - t
        return acc + diff * diff

    acc = lax.fori_loop(0, _EPW // _L, group_body,
                        jnp.zeros((_L,), jnp.float32))
    part[...] = acc
    pltpu.sync_copy(part, out.at[wid])


def kernel(student_out, teacher_attn, edge_index):
    src = edge_index[0].astype(jnp.int32)
    dst = edge_index[1].astype(jnp.int32)
    mesh = plsc.VectorSubcoreMesh(
        core_axis_name="c", subcore_axis_name="s",
        num_cores=1, num_subcores=_NS)
    k = pl.kernel(
        _body,
        out_type=jax.ShapeDtypeStruct((_NW, _L), jnp.float32),
        mesh=mesh,
        compiler_params=pltpu.CompilerParams(needs_layout_passes=False),
        scratch_types=[
            pltpu.VMEM((_EPW,), jnp.int32),
            pltpu.VMEM((_EPW,), jnp.int32),
            pltpu.VMEM((_EPW, _C), jnp.float32),
            pltpu.VMEM((_EPW, _C), jnp.float32),
            pltpu.VMEM((_EPW,), jnp.float32),
            pltpu.VMEM((2, _L), jnp.float32),
            pltpu.VMEM((_NW, 2, _L), jnp.float32),
            pltpu.VMEM((_L,), jnp.float32),
            pltpu.VMEM_SHARED((_NW, 2, _L), jnp.float32),
            pltpu.SemaphoreType.DMA,
        ],
    )
    part = k(student_out, teacher_attn, src, dst)
    return jnp.sum(part) / _E

# --- scband reference (transcript-rebuilt; emitter-appended) ---
"""Pipeline reference for scband-soft-topology-loss-4698694222570 (READ-ONLY COPY).

The authoritative reference and input builder live on the scoring server;
editing this copy changes nothing except your own understanding.
"""

import jax, jax.numpy as jnp
import numpy as np

N, C, E = 100000, 128, 4096
TEMPERATURE = 1.0

def setup_inputs(seed: int = 0) -> dict:
    key = jax.random.key(seed)
    k1, k2, k3 = jax.random.split(key, 3)
    student_out = jax.random.normal(k1, (N, C), dtype=jnp.float32)
    teacher_attn = jax.random.uniform(k2, (E,), dtype=jnp.float32)
    edge_index = jax.random.randint(k3, (2, E), 0, N).astype(jnp.int64)
    return {"student_out": student_out, "teacher_attn": teacher_attn, "edge_index": edge_index}

def reference(student_out, teacher_attn, edge_index):
    # student_feat = L2-normalize(softmax(student_out / T, dim=1), dim=1)
    p = jax.nn.softmax(student_out / TEMPERATURE, axis=1)
    norm = jnp.linalg.norm(p, ord=2, axis=1, keepdims=True)
    student_feat = p / jnp.maximum(norm, 1e-12)
    src = edge_index[0]
    dst = edge_index[1]
    # num_edges == 4096, so the torch randperm subsampling branch is NOT taken
    student_sim = jnp.sum(student_feat[src] * student_feat[dst], axis=1)
    student_sim = (student_sim + 1.0) / 2.0
    # teacher_attn is 1-D, so no mean over heads
    ta_min = jnp.min(teacher_attn)
    ta_max = jnp.max(teacher_attn)
    ta = (teacher_attn - ta_min) / (ta_max - ta_min + 1e-08)
    loss = jnp.mean((student_sim - ta) ** 2)
    return loss

if __name__ == "__main__":
    import jax
    _d = setup_inputs()
    print(jax.jit(kernel)(*tuple(_d.values())))

</pallas_src>

<mosaic_0001>
#map = affine_map<(d0, d1) -> (0, 0)>
#map1 = affine_map<(d0, d1) -> (0)>
module attributes {stable_mosaic.version = 14 : i64} {
  func.func @_body(%arg0: i32, %arg1: i32, %arg2: memref<100000x128xf32, #tpu.memory_space<hbm>>, %arg3: memref<4096xf32, #tpu.memory_space<hbm>>, %arg4: memref<4096xi32, #tpu.memory_space<hbm>>, %arg5: memref<4096xi32, #tpu.memory_space<hbm>>, %arg6: memref<16x16xf32, #tpu.memory_space<hbm>>, %arg7: memref<256xi32, #tpu.memory_space<vmem>>, %arg8: memref<256xi32, #tpu.memory_space<vmem>>, %arg9: memref<256x128xf32, #tpu.memory_space<vmem>>, %arg10: memref<256x128xf32, #tpu.memory_space<vmem>>, %arg11: memref<256xf32, #tpu.memory_space<vmem>>, %arg12: memref<2x16xf32, #tpu.memory_space<vmem>>, %arg13: memref<16x2x16xf32, #tpu.memory_space<vmem>>, %arg14: memref<16xf32, #tpu.memory_space<vmem>>, %arg15: memref<16x2x16xf32, #tpu.memory_space<vmem_shared>>, %arg16: memref<!tpu.dma_semaphore, #tpu.memory_space<semaphore_mem>>) attributes {dimension_semantics = [#tpu.dimension_semantics<core_parallel>, #tpu.dimension_semantics<subcore_parallel>], iteration_bounds = array<i64: 1, 16>, scalar_prefetch = 0 : i64, scratch_operands = 10 : i64, tpu.core_type = #tpu.core_type<sc_vector_subcore>, window_params = [{transform_indices = #map}, {transform_indices = #map1}, {transform_indices = #map1}, {transform_indices = #map1}, {transform_indices = #map}]} {
    %mul3A = arith.constant 256 : i32
    %mul3A_0 = arith.muli %arg1, %mul3A : i32
    "tpu.region"() ({
      %run_scoped3A = tpu.sem_alloc : memref<!tpu.dma_semaphore, #tpu.memory_space<semaphore_mem>>
      %dma_start3A_459 = tpu.memref_slice %arg4[%mul3A_0] : memref<4096xi32, #tpu.memory_space<hbm>> -> memref<256xi32, #tpu.memory_space<hbm>>
      %dma_start3A_460 = tpu.memref_slice %arg4[%mul3A_0] : memref<4096xi32, #tpu.memory_space<hbm>> -> memref<256xi32, #tpu.memory_space<hbm>>
      tpu.enqueue_dma source(%dma_start3A_460 : memref<256xi32, #tpu.memory_space<hbm>>) target(%arg7 : memref<256xi32, #tpu.memory_space<vmem>>) target_semaphore(%run_scoped3A : memref<!tpu.dma_semaphore, #tpu.memory_space<semaphore_mem>>)
      %dma_wait3A_461 = tpu.memref_slice %arg4[%mul3A_0] : memref<4096xi32, #tpu.memory_space<hbm>> -> memref<256xi32, #tpu.memory_space<hbm>>
      %dma_wait3A_462 = tpu.memref_slice %arg4[%mul3A_0] : memref<4096xi32, #tpu.memory_space<hbm>> -> memref<256xi32, #tpu.memory_space<hbm>>
      tpu.wait_dma2 semaphore(%run_scoped3A : memref<!tpu.dma_semaphore, #tpu.memory_space<semaphore_mem>>) src(%dma_wait3A_462 : memref<256xi32, #tpu.memory_space<hbm>>) dst(%arg7 : memref<256xi32, #tpu.memory_space<vmem>>)
      tpu.yield
    }) : () -> ()
    "tpu.region"() ({
      %run_scoped3A = tpu.sem_alloc : memref<!tpu.dma_semaphore, #tpu.memory_space<semaphore_mem>>
      %dma_start3A_459 = tpu.memref_slice %arg5[%mul3A_0] : memref<4096xi32, #tpu.memory_space<hbm>> -> memref<256xi32, #tpu.memory_space<hbm>>
      %dma_start3A_460 = tpu.memref_slice %arg5[%mul3A_0] : memref<4096xi32, #tpu.memory_space<hbm>> -> memref<256xi32, #tpu.memory_space<hbm>>
      tpu.enqueue_dma source(%dma_start3A_460 : memref<256xi32, #tpu.memory_space<hbm>>) target(%arg8 : memref<256xi32, #tpu.memory_space<vmem>>) target_semaphore(%run_scoped3A : memref<!tpu.dma_semaphore, #tpu.memory_space<semaphore_mem>>)
      %dma_wait3A_461 = tpu.memref_slice %arg5[%mul3A_0] : memref<4096xi32, #tpu.memory_space<hbm>> -> memref<256xi32, #tpu.memory_space<hbm>>
      %dma_wait3A_462 = tpu.memref_slice %arg5[%mul3A_0] : memref<4096xi32, #tpu.memory_space<hbm>> -> memref<256xi32, #tpu.memory_space<hbm>>
      tpu.wait_dma2 semaphore(%run_scoped3A : memref<!tpu.dma_semaphore, #tpu.memory_space<semaphore_mem>>) src(%dma_wait3A_462 : memref<256xi32, #tpu.memory_space<hbm>>) dst(%arg8 : memref<256xi32, #tpu.memory_space<vmem>>)
      tpu.yield
    }) : () -> ()
    %dma_start3A = arith.constant 0 : i32
    %dma_start3A_1 = arith.constant 0 : i32
    %dma_start3A_2 = tpu.memref_slice %arg9[%dma_start3A, %dma_start3A_1] : memref<256x128xf32, #tpu.memory_space<vmem>> -> memref<128x128xf32, #tpu.memory_space<vmem>>
    %dma_start3A_3 = arith.constant 0 : i32
    %dma_start3A_4 = tpu.memref_slice %arg7[%dma_start3A_3] : memref<256xi32, #tpu.memory_space<vmem>> -> memref<128xi32, #tpu.memory_space<vmem>>
    %dma_start3A_5 = arith.constant 0 : i32
    %dma_start3A_6 = arith.constant 0 : i32
    %dma_start3A_7 = tpu.memref_slice %arg2[%dma_start3A_5, %dma_start3A_6] : memref<100000x128xf32, #tpu.memory_space<hbm>> -> memref<100000x128xf32, #tpu.memory_space<hbm>>
    tpu.enqueue_indirect_dma source(%dma_start3A_7 : memref<100000x128xf32, #tpu.memory_space<hbm>>) target(%dma_start3A_2 : memref<128x128xf32, #tpu.memory_space<vmem>>) offsets(%dma_start3A_4 : memref<128xi32, #tpu.memory_space<vmem>>) semaphore(%arg16 : memref<!tpu.dma_semaphore, #tpu.memory_space<semaphore_mem>>)
    %dma_start3A_8 = arith.constant 0 : i32
    %dma_start3A_9 = arith.constant 0 : i32
    %dma_start3A_10 = tpu.memref_slice %arg10[%dma_start3A_8, %dma_start3A_9] : memref<256x128xf32, #tpu.memory_space<vmem>> -> memref<128x128xf32, #tpu.memory_space<vmem>>
    %dma_start3A_11 = arith.constant 0 : i32
    %dma_start3A_12 = tpu.memref_slice %arg8[%dma_start3A_11] : memref<256xi32, #tpu.memory_space<vmem>> -> memref<128xi32, #tpu.memory_space<vmem>>
    %dma_start3A_13 = arith.constant 0 : i32
    %dma_start3A_14 = arith.constant 0 : i32
    %dma_start3A_15 = tpu.memref_slice %arg2[%dma_start3A_13, %dma_start3A_14] : memref<100000x128xf32, #tpu.memory_space<hbm>> -> memref<100000x128xf32, #tpu.memory_space<hbm>>
    tpu.enqueue_indirect_dma source(%dma_start3A_15 : memref<100000x128xf32, #tpu.memory_space<hbm>>) target(%dma_start3A_10 : memref<128x128xf32, #tpu.memory_space<vmem>>) offsets(%dma_start3A_12 : memref<128xi32, #tpu.memory_space<vmem>>) semaphore(%arg16 : memref<!tpu.dma_semaphore, #tpu.memory_space<semaphore_mem>>)
    %dma_start3A_16 = arith.constant 128 : i32
    %dma_start3A_17 = arith.constant 0 : i32
    %dma_start3A_18 = tpu.memref_slice %arg9[%dma_start3A_16, %dma_start3A_17] : memref<256x128xf32, #tpu.memory_space<vmem>> -> memref<128x128xf32, #tpu.memory_space<vmem>>
    %dma_start3A_19 = arith.constant 128 : i32
    %dma_start3A_20 = tpu.memref_slice %arg7[%dma_start3A_19] : memref<256xi32, #tpu.memory_space<vmem>> -> memref<128xi32, #tpu.memory_space<vmem>>
    %dma_start3A_21 = arith.constant 0 : i32
    %dma_start3A_22 = arith.constant 0 : i32
    %dma_start3A_23 = tpu.memref_slice %arg2[%dma_start3A_21, %dma_start3A_22] : memref<100000x128xf32, #tpu.memory_space<hbm>> -> memref<100000x128xf32, #tpu.memory_space<hbm>>
    tpu.enqueue_indirect_dma source(%dma_start3A_23 : memref<100000x128xf32, #tpu.memory_space<hbm>>) target(%dma_start3A_18 : memref<128x128xf32, #tpu.memory_space<vmem>>) offsets(%dma_start3A_20 : memref<128xi32, #tpu.memory_space<vmem>>) semaphore(%arg16 : memref<!tpu.dma_semaphore, #tpu.memory_space<semaphore_mem>>)
    %dma_start3A_24 = arith.constant 128 : i32
    %dma_start3A_25 = arith.constant 0 : i32
    %dma_start3A_26 = tpu.memref_slice %arg10[%dma_start3A_24, %dma_start3A_25] : memref<256x128xf32, #tpu.memory_space<vmem>> -> memref<128x128xf32, #tpu.memory_space<vmem>>
    %dma_start3A_27 = arith.constant 128 : i32
    %dma_start3A_28 = tpu.memref_slice %arg8[%dma_start3A_27] : memref<256xi32, #tpu.memory_space<vmem>> -> memref<128xi32, #tpu.memory_space<vmem>>
    %dma_start3A_29 = arith.constant 0 : i32
    %dma_start3A_30 = arith.constant 0 : i32
    %dma_start3A_31 = tpu.memref_slice %arg2[%dma_start3A_29, %dma_start3A_30] : memref<100000x128xf32, #tpu.memory_space<hbm>> -> memref<100000x128xf32, #tpu.memory_space<hbm>>
    tpu.enqueue_indirect_dma source(%dma_start3A_31 : memref<100000x128xf32, #tpu.memory_space<hbm>>) target(%dma_start3A_26 : memref<128x128xf32, #tpu.memory_space<vmem>>) offsets(%dma_start3A_28 : memref<128xi32, #tpu.memory_space<vmem>>) semaphore(%arg16 : memref<!tpu.dma_semaphore, #tpu.memory_space<semaphore_mem>>)
    "tpu.region"() ({
      %run_scoped3A = tpu.sem_alloc : memref<!tpu.dma_semaphore, #tpu.memory_space<semaphore_mem>>
      %dma_start3A_459 = tpu.memref_slice %arg3[%mul3A_0] : memref<4096xf32, #tpu.memory_space<hbm>> -> memref<256xf32, #tpu.memory_space<hbm>>
      %dma_start3A_460 = tpu.memref_slice %arg3[%mul3A_0] : memref<4096xf32, #tpu.memory_space<hbm>> -> memref<256xf32, #tpu.memory_space<hbm>>
      tpu.enqueue_dma source(%dma_start3A_460 : memref<256xf32, #tpu.memory_space<hbm>>) target(%arg11 : memref<256xf32, #tpu.memory_space<vmem>>) target_semaphore(%run_scoped3A : memref<!tpu.dma_semaphore, #tpu.memory_space<semaphore_mem>>)
      %dma_wait3A_461 = tpu.memref_slice %arg3[%mul3A_0] : memref<4096xf32, #tpu.memory_space<hbm>> -> memref<256xf32, #tpu.memory_space<hbm>>
      %dma_wait3A_462 = tpu.memref_slice %arg3[%mul3A_0] : memref<4096xf32, #tpu.memory_space<hbm>> -> memref<256xf32, #tpu.memory_space<hbm>>
      tpu.wait_dma2 semaphore(%run_scoped3A : memref<!tpu.dma_semaphore, #tpu.memory_space<semaphore_mem>>) src(%dma_wait3A_462 : memref<256xf32, #tpu.memory_space<hbm>>) dst(%arg11 : memref<256xf32, #tpu.memory_space<vmem>>)
      tpu.yield
    }) : () -> ()
    %get3A = arith.constant 0 : index
    %get3A_32 = tpu.vector_load %arg11[%get3A] {strides = array<i32>} : memref<256xf32, #tpu.memory_space<vmem>>, vector<16xf32>,
    %get3A_33 = arith.constant 16 : index
    %get3A_34 = tpu.vector_load %arg11[%get3A_33] {strides = array<i32>} : memref<256xf32, #tpu.memory_space<vmem>>, vector<16xf32>,
    %min3A = arith.minimumf %get3A_32, %get3A_34 : vector<16xf32>
    %max3A = arith.maximumf %get3A_32, %get3A_34 : vector<16xf32>
    %get3A_35 = arith.constant 32 : index
    %get3A_36 = tpu.vector_load %arg11[%get3A_35] {strides = array<i32>} : memref<256xf32, #tpu.memory_space<vmem>>, vector<16xf32>,
    %min3A_37 = arith.minimumf %min3A, %get3A_36 : vector<16xf32>
    %max3A_38 = arith.maximumf %max3A, %get3A_36 : vector<16xf32>
    %get3A_39 = arith.constant 48 : index
    %get3A_40 = tpu.vector_load %arg11[%get3A_39] {strides = array<i32>} : memref<256xf32, #tpu.memory_space<vmem>>, vector<16xf32>,
    %min3A_41 = arith.minimumf %min3A_37, %get3A_40 : vector<16xf32>
    %max3A_42 = arith.maximumf %max3A_38, %get3A_40 : vector<16xf32>
    %get3A_43 = arith.constant 64 : index
    %get3A_44 = tpu.vector_load %arg11[%get3A_43] {strides = array<i32>} : memref<256xf32, #tpu.memory_space<vmem>>, vector<16xf32>,
    %min3A_45 = arith.minimumf %min3A_41, %get3A_44 : vector<16xf32>
    %max3A_46 = arith.maximumf %max3A_42, %get3A_44 : vector<16xf32>
    %get3A_47 = arith.constant 80 : index
    %get3A_48 = tpu.vector_load %arg11[%get3A_47] {strides = array<i32>} : memref<256xf32, #tpu.memory_space<vmem>>, vector<16xf32>,
    %min3A_49 = arith.minimumf %min3A_45, %get3A_48 : vector<16xf32>
    %max3A_50 = arith.maximumf %max3A_46, %get3A_48 : vector<16xf32>
    %get3A_51 = arith.constant 96 : index
    %get3A_52 = tpu.vector_load %arg11[%get3A_51] {strides = array<i32>} : memref<256xf32, #tpu.memory_space<vmem>>, vector<16xf32>,
    %min3A_53 = arith.minimumf %min3A_49, %get3A_52 : vector<16xf32>
    %max3A_54 = arith.maximumf %max3A_50, %get3A_52 : vector<16xf32>
    %get3A_55 = arith.constant 112 : index
    %get3A_56 = tpu.vector_load %arg11[%get3A_55] {strides = array<i32>} : memref<256xf32, #tpu.memory_space<vmem>>, vector<16xf32>,
    %min3A_57 = arith.minimumf %min3A_53, %get3A_56 : vector<16xf32>
    %max3A_58 = arith.maximumf %max3A_54, %get3A_56 : vector<16xf32>
    %get3A_59 = arith.constant 128 : index
    %get3A_60 = tpu.vector_load %arg11[%get3A_59] {strides = array<i32>} : memref<256xf32, #tpu.memory_space<vmem>>, vector<16xf32>,
    %min3A_61 = arith.minimumf %min3A_57, %get3A_60 : vector<16xf32>
    %max3A_62 = arith.maximumf %max3A_58, %get3A_60 : vector<16xf32>
    %get3A_63 = arith.constant 144 : index
    %get3A_64 = tpu.vector_load %arg11[%get3A_63] {strides = array<i32>} : memref<256xf32, #tpu.memory_space<vmem>>, vector<16xf32>,
    %min3A_65 = arith.minimumf %min3A_61, %get3A_64 : vector<16xf32>
    %max3A_66 = arith.maximumf %max3A_62, %get3A_64 : vector<16xf32>
    %get3A_67 = arith.constant 160 : index
    %get3A_68 = tpu.vector_load %arg11[%get3A_67] {strides = array<i32>} : memref<256xf32, #tpu.memory_space<vmem>>, vector<16xf32>,
    %min3A_69 = arith.minimumf %min3A_65, %get3A_68 : vector<16xf32>
    %max3A_70 = arith.maximumf %max3A_66, %get3A_68 : vector<16xf32>
    %get3A_71 = arith.constant 176 : index
    %get3A_72 = tpu.vector_load %arg11[%get3A_71] {strides = array<i32>} : memref<256xf32, #tpu.memory_space<vmem>>, vector<16xf32>,
    %min3A_73 = arith.minimumf %min3A_69, %get3A_72 : vector<16xf32>
    %max3A_74 = arith.maximumf %max3A_70, %get3A_72 : vector<16xf32>
    %get3A_75 = arith.constant 192 : index
    %get3A_76 = tpu.vector_load %arg11[%get3A_75] {strides = array<i32>} : memref<256xf32, #tpu.memory_space<vmem>>, vector<16xf32>,
    %min3A_77 = arith.minimumf %min3A_73, %get3A_76 : vector<16xf32>
    %max3A_78 = arith.maximumf %max3A_74, %get3A_76 : vector<16xf32>
    %get3A_79 = arith.constant 208 : index
    %get3A_80 = tpu.vector_load %arg11[%get3A_79] {strides = array<i32>} : memref<256xf32, #tpu.memory_space<vmem>>, vector<16xf32>,
    %min3A_81 = arith.minimumf %min3A_77, %get3A_80 : vector<16xf32>
    %max3A_82 = arith.maximumf %max3A_78, %get3A_80 : vector<16xf32>
    %get3A_83 = arith.constant 224 : index
    %get3A_84 = tpu.vector_load %arg11[%get3A_83] {strides = array<i32>} : memref<256xf32, #tpu.memory_space<vmem>>, vector<16xf32>,
    %min3A_85 = arith.minimumf %min3A_81, %get3A_84 : vector<16xf32>
    %max3A_86 = arith.maximumf %max3A_82, %get3A_84 : vector<16xf32>
    %get3A_87 = arith.constant 240 : index
    %get3A_88 = tpu.vector_load %arg11[%get3A_87] {strides = array<i32>} : memref<256xf32, #tpu.memory_space<vmem>>, vector<16xf32>,
    %min3A_89 = arith.minimumf %min3A_85, %get3A_88 : vector<16xf32>
    %max3A_90 = arith.maximumf %max3A_86, %get3A_88 : vector<16xf32>
    %swap3A = arith.constant 0 : i32
    %swap3A_91 = arith.index_cast %swap3A : i32 to index
    %swap3A_92 = arith.constant 0 : index
    %swap3A_93 = tpu.vector_load %arg12[%swap3A_91, %swap3A_92] {strides = array<i32>} : memref<2x16xf32, #tpu.memory_space<vmem>>, vector<16xf32>,
    tpu.vector_store %arg12[%swap3A_91, %swap3A_92], %min3A_89 {strides = array<i32>} : memref<2x16xf32, #tpu.memory_space<vmem>>, vector<16xf32>,
    %swap3A_94 = arith.constant 1 : i32
    %swap3A_95 = arith.index_cast %swap3A_94 : i32 to index
    %swap3A_96 = arith.constant 0 : index
    %swap3A_97 = tpu.vector_load %arg12[%swap3A_95, %swap3A_96] {strides = array<i32>} : memref<2x16xf32, #tpu.memory_space<vmem>>, vector<16xf32>,
    tpu.vector_store %arg12[%swap3A_95, %swap3A_96], %max3A_90 {strides = array<i32>} : memref<2x16xf32, #tpu.memory_space<vmem>>, vector<16xf32>,
    "tpu.region"() ({
      %run_scoped3A = tpu.sem_alloc : memref<!tpu.dma_semaphore, #tpu.memory_space<semaphore_mem>>
      %dma_start3A_459 = arith.constant 0 : i32
      %dma_start3A_460 = arith.constant 0 : i32
      %dma_start3A_461 = tpu.memref_slice %arg15[%arg1, %dma_start3A_459, %dma_start3A_460] : memref<16x2x16xf32, #tpu.memory_space<vmem_shared>> -> memref<1x2x16xf32, #tpu.memory_space<vmem_shared>>
      %dma_start3A_462 = tpu.memref_squeeze %dma_start3A_461 : memref<1x2x16xf32, #tpu.memory_space<vmem_shared>> -> memref<2x16xf32, #tpu.memory_space<vmem_shared>>
      %dma_start3A_463 = arith.constant 0 : i32
      %dma_start3A_464 = arith.constant 0 : i32
      %dma_start3A_465 = tpu.memref_slice %arg15[%arg1, %dma_start3A_463, %dma_start3A_464] : memref<16x2x16xf32, #tpu.memory_space<vmem_shared>> -> memref<1x2x16xf32, #tpu.memory_space<vmem_shared>>
      %dma_start3A_466 = tpu.memref_squeeze %dma_start3A_465 : memref<1x2x16xf32, #tpu.memory_space<vmem_shared>> -> memref<2x16xf32, #tpu.memory_space<vmem_shared>>
      tpu.enqueue_dma source(%arg12 : memref<2x16xf32, #tpu.memory_space<vmem>>) target(%dma_start3A_466 : memref<2x16xf32, #tpu.memory_space<vmem_shared>>) target_semaphore(%run_scoped3A : memref<!tpu.dma_semaphore, #tpu.memory_space<semaphore_mem>>)
      %dma_wait3A_467 = arith.constant 0 : i32
      %dma_wait3A_468 = arith.constant 0 : i32
      %dma_wait3A_469 = tpu.memref_slice %arg15[%arg1, %dma_wait3A_467, %dma_wait3A_468] : memref<16x2x16xf32, #tpu.memory_space<vmem_shared>> -> memref<1x2x16xf32, #tpu.memory_space<vmem_shared>>
      %dma_wait3A_470 = tpu.memref_squeeze %dma_wait3A_469 : memref<1x2x16xf32, #tpu.memory_space<vmem_shared>> -> memref<2x16xf32, #tpu.memory_space<vmem_shared>>
      %dma_wait3A_471 = arith.constant 0 : i32
      %dma_wait3A_472 = arith.constant 0 : i32
      %dma_wait3A_473 = tpu.memref_slice %arg15[%arg1, %dma_wait3A_471, %dma_wait3A_472] : memref<16x2x16xf32, #tpu.memory_space<vmem_shared>> -> memref<1x2x16xf32, #tpu.memory_space<vmem_shared>>
      %dma_wait3A_474 = tpu.memref_squeeze %dma_wait3A_473 : memref<1x2x16xf32, #tpu.memory_space<vmem_shared>> -> memref<2x16xf32, #tpu.memory_space<vmem_shared>>
      tpu.wait_dma2 semaphore(%run_scoped3A : memref<!tpu.dma_semaphore, #tpu.memory_space<semaphore_mem>>) src(%arg12 : memref<2x16xf32, #tpu.memory_space<vmem>>) dst(%dma_wait3A_474 : memref<2x16xf32, #tpu.memory_space<vmem_shared>>)
      tpu.yield
    }) : () -> ()
    %barrier3A = arith.constant 0 : index
    tpu.barrier barrier_id(%barrier3A)
    "tpu.region"() ({
      %run_scoped3A = tpu.sem_alloc : memref<!tpu.dma_semaphore, #tpu.memory_space<semaphore_mem>>
      tpu.enqueue_dma source(%arg15 : memref<16x2x16xf32, #tpu.memory_space<vmem_shared>>) target(%arg13 : memref<16x2x16xf32, #tpu.memory_space<vmem>>) target_semaphore(%run_scoped3A : memref<!tpu.dma_semaphore, #tpu.memory_space<semaphore_mem>>)
      tpu.wait_dma2 semaphore(%run_scoped3A : memref<!tpu.dma_semaphore, #tpu.memory_space<semaphore_mem>>) src(%arg15 : memref<16x2x16xf32, #tpu.memory_space<vmem_shared>>) dst(%arg13 : memref<16x2x16xf32, #tpu.memory_space<vmem>>)
      tpu.yield
    }) : () -> ()
    %get3A_98 = arith.constant 0 : i32
    %get3A_99 = arith.constant 0 : i32
    %get3A_100 = arith.index_cast %get3A_98 : i32 to index
    %get3A_101 = arith.index_cast %get3A_99 : i32 to index
    %get3A_102 = arith.constant 0 : index
    %get3A_103 = tpu.vector_load %arg13[%get3A_100, %get3A_101, %get3A_102] {strides = array<i32>} : memref<16x2x16xf32, #tpu.memory_space<vmem>>, vector<16xf32>,
    %min3A_104 = arith.minimumf %min3A_89, %get3A_103 : vector<16xf32>
    %get3A_105 = arith.constant 0 : i32
    %get3A_106 = arith.constant 1 : i32
    %get3A_107 = arith.index_cast %get3A_105 : i32 to index
    %get3A_108 = arith.index_cast %get3A_106 : i32 to index
    %get3A_109 = arith.constant 0 : index
    %get3A_110 = tpu.vector_load %arg13[%get3A_107, %get3A_108, %get3A_109] {strides = array<i32>} : memref<16x2x16xf32, #tpu.memory_space<vmem>>, vector<16xf32>,
    %max3A_111 = arith.maximumf %max3A_90, %get3A_110 : vector<16xf32>
    %get3A_112 = arith.constant 1 : i32
    %get3A_113 = arith.constant 0 : i32
    %get3A_114 = arith.index_cast %get3A_112 : i32 to index
    %get3A_115 = arith.index_cast %get3A_113 : i32 to index
    %get3A_116 = arith.constant 0 : index
    %get3A_117 = tpu.vector_load %arg13[%get3A_114, %get3A_115, %get3A_116] {strides = array<i32>} : memref<16x2x16xf32, #tpu.memory_space<vmem>>, vector<16xf32>,
    %min3A_118 = arith.minimumf %min3A_104, %get3A_117 : vector<16xf32>
    %get3A_119 = arith.constant 1 : i32
    %get3A_120 = arith.constant 1 : i32
    %get3A_121 = arith.index_cast %get3A_119 : i32 to index
    %get3A_122 = arith.index_cast %get3A_120 : i32 to index
    %get3A_123 = arith.constant 0 : index
    %get3A_124 = tpu.vector_load %arg13[%get3A_121, %get3A_122, %get3A_123] {strides = array<i32>} : memref<16x2x16xf32, #tpu.memory_space<vmem>>, vector<16xf32>,
    %max3A_125 = arith.maximumf %max3A_111, %get3A_124 : vector<16xf32>
    %get3A_126 = arith.constant 2 : i32
    %get3A_127 = arith.constant 0 : i32
    %get3A_128 = arith.index_cast %get3A_126 : i32 to index
    %get3A_129 = arith.index_cast %get3A_127 : i32 to index
    %get3A_130 = arith.constant 0 : index
    %get3A_131 = tpu.vector_load %arg13[%get3A_128, %get3A_129, %get3A_130] {strides = array<i32>} : memref<16x2x16xf32, #tpu.memory_space<vmem>>, vector<16xf32>,
    %min3A_132 = arith.minimumf %min3A_118, %get3A_131 : vector<16xf32>
    %get3A_133 = arith.constant 2 : i32
    %get3A_134 = arith.constant 1 : i32
    %get3A_135 = arith.index_cast %get3A_133 : i32 to index
    %get3A_136 = arith.index_cast %get3A_134 : i32 to index
    %get3A_137 = arith.constant 0 : index
    %get3A_138 = tpu.vector_load %arg13[%get3A_135, %get3A_136, %get3A_137] {strides = array<i32>} : memref<16x2x16xf32, #tpu.memory_space<vmem>>, vector<16xf32>,
    %max3A_139 = arith.maximumf %max3A_125, %get3A_138 : vector<16xf32>
    %get3A_140 = arith.constant 3 : i32
    %get3A_141 = arith.constant 0 : i32
    %get3A_142 = arith.index_cast %get3A_140 : i32 to index
    %get3A_143 = arith.index_cast %get3A_141 : i32 to index
    %get3A_144 = arith.constant 0 : index
    %get3A_145 = tpu.vector_load %arg13[%get3A_142, %get3A_143, %get3A_144] {strides = array<i32>} : memref<16x2x16xf32, #tpu.memory_space<vmem>>, vector<16xf32>,
    %min3A_146 = arith.minimumf %min3A_132, %get3A_145 : vector<16xf32>
    %get3A_147 = arith.constant 3 : i32
    %get3A_148 = arith.constant 1 : i32
    %get3A_149 = arith.index_cast %get3A_147 : i32 to index
    %get3A_150 = arith.index_cast %get3A_148 : i32 to index
    %get3A_151 = arith.constant 0 : index
    %get3A_152 = tpu.vector_load %arg13[%get3A_149, %get3A_150, %get3A_151] {strides = array<i32>} : memref<16x2x16xf32, #tpu.memory_space<vmem>>, vector<16xf32>,
    %max3A_153 = arith.maximumf %max3A_139, %get3A_152 : vector<16xf32>
    %get3A_154 = arith.constant 4 : i32
    %get3A_155 = arith.constant 0 : i32
    %get3A_156 = arith.index_cast %get3A_154 : i32 to index
    %get3A_157 = arith.index_cast %get3A_155 : i32 to index
    %get3A_158 = arith.constant 0 : index
    %get3A_159 = tpu.vector_load %arg13[%get3A_156, %get3A_157, %get3A_158] {strides = array<i32>} : memref<16x2x16xf32, #tpu.memory_space<vmem>>, vector<16xf32>,
    %min3A_160 = arith.minimumf %min3A_146, %get3A_159 : vector<16xf32>
    %get3A_161 = arith.constant 4 : i32
    %get3A_162 = arith.constant 1 : i32
    %get3A_163 = arith.index_cast %get3A_161 : i32 to index
    %get3A_164 = arith.index_cast %get3A_162 : i32 to index
    %get3A_165 = arith.constant 0 : index
    %get3A_166 = tpu.vector_load %arg13[%get3A_163, %get3A_164, %get3A_165] {strides = array<i32>} : memref<16x2x16xf32, #tpu.memory_space<vmem>>, vector<16xf32>,
    %max3A_167 = arith.maximumf %max3A_153, %get3A_166 : vector<16xf32>
    %get3A_168 = arith.constant 5 : i32
    %get3A_169 = arith.constant 0 : i32
    %get3A_170 = arith.index_cast %get3A_168 : i32 to index
    %get3A_171 = arith.index_cast %get3A_169 : i32 to index
    %get3A_172 = arith.constant 0 : index
    %get3A_173 = tpu.vector_load %arg13[%get3A_170, %get3A_171, %get3A_172] {strides = array<i32>} : memref<16x2x16xf32, #tpu.memory_space<vmem>>, vector<16xf32>,
    %min3A_174 = arith.minimumf %min3A_160, %get3A_173 : vector<16xf32>
    %get3A_175 = arith.constant 5 : i32
    %get3A_176 = arith.constant 1 : i32
    %get3A_177 = arith.index_cast %get3A_175 : i32 to index
    %get3A_178 = arith.index_cast %get3A_176 : i32 to index
    %get3A_179 = arith.constant 0 : index
    %get3A_180 = tpu.vector_load %arg13[%get3A_177, %get3A_178, %get3A_179] {strides = array<i32>} : memref<16x2x16xf32, #tpu.memory_space<vmem>>, vector<16xf32>,
    %max3A_181 = arith.maximumf %max3A_167, %get3A_180 : vector<16xf32>
    %get3A_182 = arith.constant 6 : i32
    %get3A_183 = arith.constant 0 : i32
    %get3A_184 = arith.index_cast %get3A_182 : i32 to index
    %get3A_185 = arith.index_cast %get3A_183 : i32 to index
    %get3A_186 = arith.constant 0 : index
    %get3A_187 = tpu.vector_load %arg13[%get3A_184, %get3A_185, %get3A_186] {strides = array<i32>} : memref<16x2x16xf32, #tpu.memory_space<vmem>>, vector<16xf32>,
    %min3A_188 = arith.minimumf %min3A_174, %get3A_187 : vector<16xf32>
    %get3A_189 = arith.constant 6 : i32
    %get3A_190 = arith.constant 1 : i32
    %get3A_191 = arith.index_cast %get3A_189 : i32 to index
    %get3A_192 = arith.index_cast %get3A_190 : i32 to index
    %get3A_193 = arith.constant 0 : index
    %get3A_194 = tpu.vector_load %arg13[%get3A_191, %get3A_192, %get3A_193] {strides = array<i32>} : memref<16x2x16xf32, #tpu.memory_space<vmem>>, vector<16xf32>,
    %max3A_195 = arith.maximumf %max3A_181, %get3A_194 : vector<16xf32>
    %get3A_196 = arith.constant 7 : i32
    %get3A_197 = arith.constant 0 : i32
    %get3A_198 = arith.index_cast %get3A_196 : i32 to index
    %get3A_199 = arith.index_cast %get3A_197 : i32 to index
    %get3A_200 = arith.constant 0 : index
    %get3A_201 = tpu.vector_load %arg13[%get3A_198, %get3A_199, %get3A_200] {strides = array<i32>} : memref<16x2x16xf32, #tpu.memory_space<vmem>>, vector<16xf32>,
    %min3A_202 = arith.minimumf %min3A_188, %get3A_201 : vector<16xf32>
    %get3A_203 = arith.constant 7 : i32
    %get3A_204 = arith.constant 1 : i32
    %get3A_205 = arith.index_cast %get3A_203 : i32 to index
    %get3A_206 = arith.index_cast %get3A_204 : i32 to index
    %get3A_207 = arith.constant 0 : index
    %get3A_208 = tpu.vector_load %arg13[%get3A_205, %get3A_206, %get3A_207] {strides = array<i32>} : memref<16x2x16xf32, #tpu.memory_space<vmem>>, vector<16xf32>,
    %max3A_209 = arith.maximumf %max3A_195, %get3A_208 : vector<16xf32>
    %get3A_210 = arith.constant 8 : i32
    %get3A_211 = arith.constant 0 : i32
    %get3A_212 = arith.index_cast %get3A_210 : i32 to index
    %get3A_213 = arith.index_cast %get3A_211 : i32 to index
    %get3A_214 = arith.constant 0 : index
    %get3A_215 = tpu.vector_load %arg13[%get3A_212, %get3A_213, %get3A_214] {strides = array<i32>} : memref<16x2x16xf32, #tpu.memory_space<vmem>>, vector<16xf32>,
    %min3A_216 = arith.minimumf %min3A_202, %get3A_215 : vector<16xf32>
    %get3A_217 = arith.constant 8 : i32
    %get3A_218 = arith.constant 1 : i32
    %get3A_219 = arith.index_cast %get3A_217 : i32 to index
    %get3A_220 = arith.index_cast %get3A_218 : i32 to index
    %get3A_221 = arith.constant 0 : index
    %get3A_222 = tpu.vector_load %arg13[%get3A_219, %get3A_220, %get3A_221] {strides = array<i32>} : memref<16x2x16xf32, #tpu.memory_space<vmem>>, vector<16xf32>,
    %max3A_223 = arith.maximumf %max3A_209, %get3A_222 : vector<16xf32>
    %get3A_224 = arith.constant 9 : i32
    %get3A_225 = arith.constant 0 : i32
    %get3A_226 = arith.index_cast %get3A_224 : i32 to index
    %get3A_227 = arith.index_cast %get3A_225 : i32 to index
    %get3A_228 = arith.constant 0 : index
    %get3A_229 = tpu.vector_load %arg13[%get3A_226, %get3A_227, %get3A_228] {strides = array<i32>} : memref<16x2x16xf32, #tpu.memory_space<vmem>>, vector<16xf32>,
    %min3A_230 = arith.minimumf %min3A_216, %get3A_229 : vector<16xf32>
    %get3A_231 = arith.constant 9 : i32
    %get3A_232 = arith.constant 1 : i32
    %get3A_233 = arith.index_cast %get3A_231 : i32 to index
    %get3A_234 = arith.index_cast %get3A_232 : i32 to index
    %get3A_235 = arith.constant 0 : index
    %get3A_236 = tpu.vector_load %arg13[%get3A_233, %get3A_234, %get3A_235] {strides = array<i32>} : memref<16x2x16xf32, #tpu.memory_space<vmem>>, vector<16xf32>,
    %max3A_237 = arith.maximumf %max3A_223, %get3A_236 : vector<16xf32>
    %get3A_238 = arith.constant 10 : i32
    %get3A_239 = arith.constant 0 : i32
    %get3A_240 = arith.index_cast %get3A_238 : i32 to index
    %get3A_241 = arith.index_cast %get3A_239 : i32 to index
    %get3A_242 = arith.constant 0 : index
    %get3A_243 = tpu.vector_load %arg13[%get3A_240, %get3A_241, %get3A_242] {strides = array<i32>} : memref<16x2x16xf32, #tpu.memory_space<vmem>>, vector<16xf32>,
    %min3A_244 = arith.minimumf %min3A_230, %get3A_243 : vector<16xf32>
    %get3A_245 = arith.constant 10 : i32
    %get3A_246 = arith.constant 1 : i32
    %get3A_247 = arith.index_cast %get3A_245 : i32 to index
    %get3A_248 = arith.index_cast %get3A_246 : i32 to index
    %get3A_249 = arith.constant 0 : index
    %get3A_250 = tpu.vector_load %arg13[%get3A_247, %get3A_248, %get3A_249] {strides = array<i32>} : memref<16x2x16xf32, #tpu.memory_space<vmem>>, vector<16xf32>,
    %max3A_251 = arith.maximumf %max3A_237, %get3A_250 : vector<16xf32>
    %get3A_252 = arith.constant 11 : i32
    %get3A_253 = arith.constant 0 : i32
    %get3A_254 = arith.index_cast %get3A_252 : i32 to index
    %get3A_255 = arith.index_cast %get3A_253 : i32 to index
    %get3A_256 = arith.constant 0 : index
    %get3A_257 = tpu.vector_load %arg13[%get3A_254, %get3A_255, %get3A_256] {strides = array<i32>} : memref<16x2x16xf32, #tpu.memory_space<vmem>>, vector<16xf32>,
    %min3A_258 = arith.minimumf %min3A_244, %get3A_257 : vector<16xf32>
    %get3A_259 = arith.constant 11 : i32
    %get3A_260 = arith.constant 1 : i32
    %get3A_261 = arith.index_cast %get3A_259 : i32 to index
    %get3A_262 = arith.index_cast %get3A_260 : i32 to index
    %get3A_263 = arith.constant 0 : index
    %get3A_264 = tpu.vector_load %arg13[%get3A_261, %get3A_262, %get3A_263] {strides = array<i32>} : memref<16x2x16xf32, #tpu.memory_space<vmem>>, vector<16xf32>,
    %max3A_265 = arith.maximumf %max3A_251, %get3A_264 : vector<16xf32>
    %get3A_266 = arith.constant 12 : i32
    %get3A_267 = arith.constant 0 : i32
    %get3A_268 = arith.index_cast %get3A_266 : i32 to index
    %get3A_269 = arith.index_cast %get3A_267 : i32 to index
    %get3A_270 = arith.constant 0 : index
    %get3A_271 = tpu.vector_load %arg13[%get3A_268, %get3A_269, %get3A_270] {strides = array<i32>} : memref<16x2x16xf32, #tpu.memory_space<vmem>>, vector<16xf32>,
    %min3A_272 = arith.minimumf %min3A_258, %get3A_271 : vector<16xf32>
    %get3A_273 = arith.constant 12 : i32
    %get3A_274 = arith.constant 1 : i32
    %get3A_275 = arith.index_cast %get3A_273 : i32 to index
    %get3A_276 = arith.index_cast %get3A_274 : i32 to index
    %get3A_277 = arith.constant 0 : index
    %get3A_278 = tpu.vector_load %arg13[%get3A_275, %get3A_276, %get3A_277] {strides = array<i32>} : memref<16x2x16xf32, #tpu.memory_space<vmem>>, vector<16xf32>,
    %max3A_279 = arith.maximumf %max3A_265, %get3A_278 : vector<16xf32>
    %get3A_280 = arith.constant 13 : i32
    %get3A_281 = arith.constant 0 : i32
    %get3A_282 = arith.index_cast %get3A_280 : i32 to index
    %get3A_283 = arith.index_cast %get3A_281 : i32 to index
    %get3A_284 = arith.constant 0 : index
    %get3A_285 = tpu.vector_load %arg13[%get3A_282, %get3A_283, %get3A_284] {strides = array<i32>} : memref<16x2x16xf32, #tpu.memory_space<vmem>>, vector<16xf32>,
    %min3A_286 = arith.minimumf %min3A_272, %get3A_285 : vector<16xf32>
    %get3A_287 = arith.constant 13 : i32
    %get3A_288 = arith.constant 1 : i32
    %get3A_289 = arith.index_cast %get3A_287 : i32 to index
    %get3A_290 = arith.index_cast %get3A_288 : i32 to index
    %get3A_291 = arith.constant 0 : index
    %get3A_292 = tpu.vector_load %arg13[%get3A_289, %get3A_290, %get3A_291] {strides = array<i32>} : memref<16x2x16xf32, #tpu.memory_space<vmem>>, vector<16xf32>,
    %max3A_293 = arith.maximumf %max3A_279, %get3A_292 : vector<16xf32>
    %get3A_294 = arith.constant 14 : i32
    %get3A_295 = arith.constant 0 : i32
    %get3A_296 = arith.index_cast %get3A_294 : i32 to index
    %get3A_297 = arith.index_cast %get3A_295 : i32 to index
    %get3A_298 = arith.constant 0 : index
    %get3A_299 = tpu.vector_load %arg13[%get3A_296, %get3A_297, %get3A_298] {strides = array<i32>} : memref<16x2x16xf32, #tpu.memory_space<vmem>>, vector<16xf32>,
    %min3A_300 = arith.minimumf %min3A_286, %get3A_299 : vector<16xf32>
    %get3A_301 = arith.constant 14 : i32
    %get3A_302 = arith.constant 1 : i32
    %get3A_303 = arith.index_cast %get3A_301 : i32 to index
    %get3A_304 = arith.index_cast %get3A_302 : i32 to index
    %get3A_305 = arith.constant 0 : index
    %get3A_306 = tpu.vector_load %arg13[%get3A_303, %get3A_304, %get3A_305] {strides = array<i32>} : memref<16x2x16xf32, #tpu.memory_space<vmem>>, vector<16xf32>,
    %max3A_307 = arith.maximumf %max3A_293, %get3A_306 : vector<16xf32>
    %get3A_308 = arith.constant 15 : i32
    %get3A_309 = arith.constant 0 : i32
    %get3A_310 = arith.index_cast %get3A_308 : i32 to index
    %get3A_311 = arith.index_cast %get3A_309 : i32 to index
    %get3A_312 = arith.constant 0 : index
    %get3A_313 = tpu.vector_load %arg13[%get3A_310, %get3A_311, %get3A_312] {strides = array<i32>} : memref<16x2x16xf32, #tpu.memory_space<vmem>>, vector<16xf32>,
    %min3A_314 = arith.minimumf %min3A_300, %get3A_313 : vector<16xf32>
    %get3A_315 = arith.constant 15 : i32
    %get3A_316 = arith.constant 1 : i32
    %get3A_317 = arith.index_cast %get3A_315 : i32 to index
    %get3A_318 = arith.index_cast %get3A_316 : i32 to index
    %get3A_319 = arith.constant 0 : index
    %get3A_320 = tpu.vector_load %arg13[%get3A_317, %get3A_318, %get3A_319] {strides = array<i32>} : memref<16x2x16xf32, #tpu.memory_space<vmem>>, vector<16xf32>,
    %max3A_321 = arith.maximumf %max3A_307, %get3A_320 : vector<16xf32>
    %slice3A = vector.extract_strided_slice %min3A_314 {offsets = [0], sizes = [1], strides = [1]} : vector<16xf32> to vector<1xf32>
    %squeeze3A = vector.extract %slice3A[0] : f32 from vector<1xf32>
    %slice3A_322 = vector.extract_strided_slice %max3A_321 {offsets = [0], sizes = [1], strides = [1]} : vector<16xf32> to vector<1xf32>
    %squeeze3A_323 = vector.extract %slice3A_322[0] : f32 from vector<1xf32>
    %slice3A_324 = vector.extract_strided_slice %min3A_314 {offsets = [1], sizes = [1], strides = [1]} : vector<16xf32> to vector<1xf32>
    %squeeze3A_325 = vector.extract %slice3A_324[0] : f32 from vector<1xf32>
    %min3A_326 = arith.minimumf %squeeze3A, %squeeze3A_325 : f32
    %slice3A_327 = vector.extract_strided_slice %max3A_321 {offsets = [1], sizes = [1], strides = [1]} : vector<16xf32> to vector<1xf32>
    %squeeze3A_328 = vector.extract %slice3A_327[0] : f32 from vector<1xf32>
    %max3A_329 = arith.maximumf %squeeze3A_323, %squeeze3A_328 : f32
    %slice3A_330 = vector.extract_strided_slice %min3A_314 {offsets = [2], sizes = [1], strides = [1]} : vector<16xf32> to vector<1xf32>
    %squeeze3A_331 = vector.extract %slice3A_330[0] : f32 from vector<1xf32>
    %min3A_332 = arith.minimumf %min3A_326, %squeeze3A_331 : f32
    %slice3A_333 = vector.extract_strided_slice %max3A_321 {offsets = [2], sizes = [1], strides = [1]} : vector<16xf32> to vector<1xf32>
    %squeeze3A_334 = vector.extract %slice3A_333[0] : f32 from vector<1xf32>
    %max3A_335 = arith.maximumf %max3A_329, %squeeze3A_334 : f32
    %slice3A_336 = vector.extract_strided_slice %min3A_314 {offsets = [3], sizes = [1], strides = [1]} : vector<16xf32> to vector<1xf32>
    %squeeze3A_337 = vector.extract %slice3A_336[0] : f32 from vector<1xf32>
    %min3A_338 = arith.minimumf %min3A_332, %squeeze3A_337 : f32
    %slice3A_339 = vector.extract_strided_slice %max3A_321 {offsets = [3], sizes = [1], strides = [1]} : vector<16xf32> to vector<1xf32>
    %squeeze3A_340 = vector.extract %slice3A_339[0] : f32 from vector<1xf32>
    %max3A_341 = arith.maximumf %max3A_335, %squeeze3A_340 : f32
    %slice3A_342 = vector.extract_strided_slice %min3A_314 {offsets = [4], sizes = [1], strides = [1]} : vector<16xf32> to vector<1xf32>
    %squeeze3A_343 = vector.extract %slice3A_342[0] : f32 from vector<1xf32>
    %min3A_344 = arith.minimumf %min3A_338, %squeeze3A_343 : f32
    %slice3A_345 = vector.extract_strided_slice %max3A_321 {offsets = [4], sizes = [1], strides = [1]} : vector<16xf32> to vector<1xf32>
    %squeeze3A_346 = vector.extract %slice3A_345[0] : f32 from vector<1xf32>
    %max3A_347 = arith.maximumf %max3A_341, %squeeze3A_346 : f32
    %slice3A_348 = vector.extract_strided_slice %min3A_314 {offsets = [5], sizes = [1], strides = [1]} : vector<16xf32> to vector<1xf32>
    %squeeze3A_349 = vector.extract %slice3A_348[0] : f32 from vector<1xf32>
    %min3A_350 = arith.minimumf %min3A_344, %squeeze3A_349 : f32
    %slice3A_351 = vector.extract_strided_slice %max3A_321 {offsets = [5], sizes = [1], strides = [1]} : vector<16xf32> to vector<1xf32>
    %squeeze3A_352 = vector.extract %slice3A_351[0] : f32 from vector<1xf32>
    %max3A_353 = arith.maximumf %max3A_347, %squeeze3A_352 : f32
    %slice3A_354 = vector.extract_strided_slice %min3A_314 {offsets = [6], sizes = [1], strides = [1]} : vector<16xf32> to vector<1xf32>
    %squeeze3A_355 = vector.extract %slice3A_354[0] : f32 from vector<1xf32>
    %min3A_356 = arith.minimumf %min3A_350, %squeeze3A_355 : f32
    %slice3A_357 = vector.extract_strided_slice %max3A_321 {offsets = [6], sizes = [1], strides = [1]} : vector<16xf32> to vector<1xf32>
    %squeeze3A_358 = vector.extract %slice3A_357[0] : f32 from vector<1xf32>
    %max3A_359 = arith.maximumf %max3A_353, %squeeze3A_358 : f32
    %slice3A_360 = vector.extract_strided_slice %min3A_314 {offsets = [7], sizes = [1], strides = [1]} : vector<16xf32> to vector<1xf32>
    %squeeze3A_361 = vector.extract %slice3A_360[0] : f32 from vector<1xf32>
    %min3A_362 = arith.minimumf %min3A_356, %squeeze3A_361 : f32
    %slice3A_363 = vector.extract_strided_slice %max3A_321 {offsets = [7], sizes = [1], strides = [1]} : vector<16xf32> to vector<1xf32>
    %squeeze3A_364 = vector.extract %slice3A_363[0] : f32 from vector<1xf32>
    %max3A_365 = arith.maximumf %max3A_359, %squeeze3A_364 : f32
    %slice3A_366 = vector.extract_strided_slice %min3A_314 {offsets = [8], sizes = [1], strides = [1]} : vector<16xf32> to vector<1xf32>
    %squeeze3A_367 = vector.extract %slice3A_366[0] : f32 from vector<1xf32>
    %min3A_368 = arith.minimumf %min3A_362, %squeeze3A_367 : f32
    %slice3A_369 = vector.extract_strided_slice %max3A_321 {offsets = [8], sizes = [1], strides = [1]} : vector<16xf32> to vector<1xf32>
    %squeeze3A_370 = vector.extract %slice3A_369[0] : f32 from vector<1xf32>
    %max3A_371 = arith.maximumf %max3A_365, %squeeze3A_370 : f32
    %slice3A_372 = vector.extract_strided_slice %min3A_314 {offsets = [9], sizes = [1], strides = [1]} : vector<16xf32> to vector<1xf32>
    %squeeze3A_373 = vector.extract %slice3A_372[0] : f32 from vector<1xf32>
    %min3A_374 = arith.minimumf %min3A_368, %squeeze3A_373 : f32
    %slice3A_375 = vector.extract_strided_slice %max3A_321 {offsets = [9], sizes = [1], strides = [1]} : vector<16xf32> to vector<1xf32>
    %squeeze3A_376 = vector.extract %slice3A_375[0] : f32 from vector<1xf32>
    %max3A_377 = arith.maximumf %max3A_371, %squeeze3A_376 : f32
    %slice3A_378 = vector.extract_strided_slice %min3A_314 {offsets = [10], sizes = [1], strides = [1]} : vector<16xf32> to vector<1xf32>
    %squeeze3A_379 = vector.extract %slice3A_378[0] : f32 from vector<1xf32>
    %min3A_380 = arith.minimumf %min3A_374, %squeeze3A_379 : f32
    %slice3A_381 = vector.extract_strided_slice %max3A_321 {offsets = [10], sizes = [1], strides = [1]} : vector<16xf32> to vector<1xf32>
    %squeeze3A_382 = vector.extract %slice3A_381[0] : f32 from vector<1xf32>
    %max3A_383 = arith.maximumf %max3A_377, %squeeze3A_382 : f32
    %slice3A_384 = vector.extract_strided_slice %min3A_314 {offsets = [11], sizes = [1], strides = [1]} : vector<16xf32> to vector<1xf32>
    %squeeze3A_385 = vector.extract %slice3A_384[0] : f32 from vector<1xf32>
    %min3A_386 = arith.minimumf %min3A_380, %squeeze3A_385 : f32
    %slice3A_387 = vector.extract_strided_slice %max3A_321 {offsets = [11], sizes = [1], strides = [1]} : vector<16xf32> to vector<1xf32>
    %squeeze3A_388 = vector.extract %slice3A_387[0] : f32 from vector<1xf32>
    %max3A_389 = arith.maximumf %max3A_383, %squeeze3A_388 : f32
    %slice3A_390 = vector.extract_strided_slice %min3A_314 {offsets = [12], sizes = [1], strides = [1]} : vector<16xf32> to vector<1xf32>
    %squeeze3A_391 = vector.extract %slice3A_390[0] : f32 from vector<1xf32>
    %min3A_392 = arith.minimumf %min3A_386, %squeeze3A_391 : f32
    %slice3A_393 = vector.extract_strided_slice %max3A_321 {offsets = [12], sizes = [1], strides = [1]} : vector<16xf32> to vector<1xf32>
    %squeeze3A_394 = vector.extract %slice3A_393[0] : f32 from vector<1xf32>
    %max3A_395 = arith.maximumf %max3A_389, %squeeze3A_394 : f32
    %slice3A_396 = vector.extract_strided_slice %min3A_314 {offsets = [13], sizes = [1], strides = [1]} : vector<16xf32> to vector<1xf32>
    %squeeze3A_397 = vector.extract %slice3A_396[0] : f32 from vector<1xf32>
    %min3A_398 = arith.minimumf %min3A_392, %squeeze3A_397 : f32
    %slice3A_399 = vector.extract_strided_slice %max3A_321 {offsets = [13], sizes = [1], strides = [1]} : vector<16xf32> to vector<1xf32>
    %squeeze3A_400 = vector.extract %slice3A_399[0] : f32 from vector<1xf32>
    %max3A_401 = arith.maximumf %max3A_395, %squeeze3A_400 : f32
    %slice3A_402 = vector.extract_strided_slice %min3A_314 {offsets = [14], sizes = [1], strides = [1]} : vector<16xf32> to vector<1xf32>
    %squeeze3A_403 = vector.extract %slice3A_402[0] : f32 from vector<1xf32>
    %min3A_404 = arith.minimumf %min3A_398, %squeeze3A_403 : f32
    %slice3A_405 = vector.extract_strided_slice %max3A_321 {offsets = [14], sizes = [1], strides = [1]} : vector<16xf32> to vector<1xf32>
    %squeeze3A_406 = vector.extract %slice3A_405[0] : f32 from vector<1xf32>
    %max3A_407 = arith.maximumf %max3A_401, %squeeze3A_406 : f32
    %slice3A_408 = vector.extract_strided_slice %min3A_314 {offsets = [15], sizes = [1], strides = [1]} : vector<16xf32> to vector<1xf32>
    %squeeze3A_409 = vector.extract %slice3A_408[0] : f32 from vector<1xf32>
    %min3A_410 = arith.minimumf %min3A_404, %squeeze3A_409 : f32
    %slice3A_411 = vector.extract_strided_slice %max3A_321 {offsets = [15], sizes = [1], strides = [1]} : vector<16xf32> to vector<1xf32>
    %squeeze3A_412 = vector.extract %slice3A_411[0] : f32 from vector<1xf32>
    %max3A_413 = arith.maximumf %max3A_407, %squeeze3A_412 : f32
    %broadcast_in_dim3A = vector.broadcast %min3A_410 : f32 to vector<16xf32>
    %broadcast_in_dim3A_414 = vector.broadcast %max3A_413 : f32 to vector<16xf32>
    %sub3A = arith.subf %broadcast_in_dim3A_414, %broadcast_in_dim3A : vector<16xf32>
    %add3A = arith.constant 9.99999993E-9 : f32
    %add3A_415 = vector.broadcast %add3A : f32 to vector<16xf32>
    %add3A_416 = arith.addf %sub3A, %add3A_415 : vector<16xf32>
    %div3A = arith.constant 1.000000e+00 : f32
    %div3A_417 = vector.broadcast %div3A : f32 to vector<16xf32>
    %div3A_418 = arith.divf %div3A_417, %add3A_416 : vector<16xf32>
    %dma_wait3A = arith.constant 0 : i32
    %dma_wait3A_419 = arith.constant 0 : i32
    %dma_wait3A_420 = tpu.memref_slice %arg9[%dma_wait3A, %dma_wait3A_419] : memref<256x128xf32, #tpu.memory_space<vmem>> -> memref<128x128xf32, #tpu.memory_space<vmem>>
    %dma_wait3A_421 = arith.constant 0 : i32
    %dma_wait3A_422 = tpu.memref_slice %arg7[%dma_wait3A_421] : memref<256xi32, #tpu.memory_space<vmem>> -> memref<128xi32, #tpu.memory_space<vmem>>
    %dma_wait3A_423 = arith.constant 0 : i32
    %dma_wait3A_424 = arith.constant 0 : i32
    %dma_wait3A_425 = tpu.memref_slice %arg2[%dma_wait3A_423, %dma_wait3A_424] : memref<100000x128xf32, #tpu.memory_space<hbm>> -> memref<100000x128xf32, #tpu.memory_space<hbm>>
    tpu.wait_indirect_dma semaphore(%arg16 : memref<!tpu.dma_semaphore, #tpu.memory_space<semaphore_mem>>) src(%dma_wait3A_425 : memref<100000x128xf32, #tpu.memory_space<hbm>>) dst(%dma_wait3A_420 : memref<128x128xf32, #tpu.memory_space<vmem>>)
    %dma_wait3A_426 = arith.constant 0 : i32
    %dma_wait3A_427 = arith.constant 0 : i32
    %dma_wait3A_428 = tpu.memref_slice %arg10[%dma_wait3A_426, %dma_wait3A_427] : memref<256x128xf32, #tpu.memory_space<vmem>> -> memref<128x128xf32, #tpu.memory_space<vmem>>
    %dma_wait3A_429 = arith.constant 0 : i32
    %dma_wait3A_430 = tpu.memref_slice %arg8[%dma_wait3A_429] : memref<256xi32, #tpu.memory_space<vmem>> -> memref<128xi32, #tpu.memory_space<vmem>>
    %dma_wait3A_431 = arith.constant 0 : i32
    %dma_wait3A_432 = arith.constant 0 : i32
    %dma_wait3A_433 = tpu.memref_slice %arg2[%dma_wait3A_431, %dma_wait3A_432] : memref<100000x128xf32, #tpu.memory_space<hbm>> -> memref<100000x128xf32, #tpu.memory_space<hbm>>
    tpu.wait_indirect_dma semaphore(%arg16 : memref<!tpu.dma_semaphore, #tpu.memory_space<semaphore_mem>>) src(%dma_wait3A_433 : memref<100000x128xf32, #tpu.memory_space<hbm>>) dst(%dma_wait3A_428 : memref<128x128xf32, #tpu.memory_space<vmem>>)
    %dma_wait3A_434 = arith.constant 128 : i32
    %dma_wait3A_435 = arith.constant 0 : i32
    %dma_wait3A_436 = tpu.memref_slice %arg9[%dma_wait3A_434, %dma_wait3A_435] : memref<256x128xf32, #tpu.memory_space<vmem>> -> memref<128x128xf32, #tpu.memory_space<vmem>>
    %dma_wait3A_437 = arith.constant 128 : i32
    %dma_wait3A_438 = tpu.memref_slice %arg7[%dma_wait3A_437] : memref<256xi32, #tpu.memory_space<vmem>> -> memref<128xi32, #tpu.memory_space<vmem>>
    %dma_wait3A_439 = arith.constant 0 : i32
    %dma_wait3A_440 = arith.constant 0 : i32
    %dma_wait3A_441 = tpu.memref_slice %arg2[%dma_wait3A_439, %dma_wait3A_440] : memref<100000x128xf32, #tpu.memory_space<hbm>> -> memref<100000x128xf32, #tpu.memory_space<hbm>>
    tpu.wait_indirect_dma semaphore(%arg16 : memref<!tpu.dma_semaphore, #tpu.memory_space<semaphore_mem>>) src(%dma_wait3A_441 : memref<100000x128xf32, #tpu.memory_space<hbm>>) dst(%dma_wait3A_436 : memref<128x128xf32, #tpu.memory_space<vmem>>)
    %dma_wait3A_442 = arith.constant 128 : i32
    %dma_wait3A_443 = arith.constant 0 : i32
    %dma_wait3A_444 = tpu.memref_slice %arg10[%dma_wait3A_442, %dma_wait3A_443] : memref<256x128xf32, #tpu.memory_space<vmem>> -> memref<128x128xf32, #tpu.memory_space<vmem>>
    %dma_wait3A_445 = arith.constant 128 : i32
    %dma_wait3A_446 = tpu.memref_slice %arg8[%dma_wait3A_445] : memref<256xi32, #tpu.memory_space<vmem>> -> memref<128xi32, #tpu.memory_space<vmem>>
    %dma_wait3A_447 = arith.constant 0 : i32
    %dma_wait3A_448 = arith.constant 0 : i32
    %dma_wait3A_449 = tpu.memref_slice %arg2[%dma_wait3A_447, %dma_wait3A_448] : memref<100000x128xf32, #tpu.memory_space<hbm>> -> memref<100000x128xf32, #tpu.memory_space<hbm>>
    tpu.wait_indirect_dma semaphore(%arg16 : memref<!tpu.dma_semaphore, #tpu.memory_space<semaphore_mem>>) src(%dma_wait3A_449 : memref<100000x128xf32, #tpu.memory_space<hbm>>) dst(%dma_wait3A_444 : memref<128x128xf32, #tpu.memory_space<vmem>>)
    %iota3A = tpu.iota {dimensions = array<i32: 0>} : vector<16xi32>
    %broadcast_in_dim3A_450 = arith.constant 0.000000e+00 : f32
    %broadcast_in_dim3A_451 = vector.broadcast %broadcast_in_dim3A_450 : f32 to vector<16xf32>
    %scan3A = arith.constant 0 : i32
    %scan3A_452 = arith.constant 16 : i32
    %scan3A_453 = arith.addi %scan3A, %scan3A_452 : i32
    %scan3A_454 = arith.constant 1 : i32
    %scan3A_455 = scf.for %scan3A_459 = %scan3A to %scan3A_453 step %scan3A_454 iter_args(%scan3A_460 = %broadcast_in_dim3A_451) -> (vector<16xf32>)  : i32 {
      %mul3A_461 = arith.constant 16 : i32
      %mul3A_462 = arith.muli %scan3A_459, %mul3A_461 : i32
      %add3A_463 = vector.broadcast %mul3A_462 : i32 to vector<16xi32>
      %add3A_464 = arith.addi %add3A_463, %iota3A : vector<16xi32>
      %broadcast_in_dim3A_465 = arith.constant 0.000000e+00 : f32
      %broadcast_in_dim3A_466 = vector.broadcast %broadcast_in_dim3A_465 : f32 to vector<16xf32>
      %broadcast_in_dim3A_467 = arith.constant 0.000000e+00 : f32
      %broadcast_in_dim3A_468 = vector.broadcast %broadcast_in_dim3A_467 : f32 to vector<16xf32>
      %broadcast_in_dim3A_469 = arith.constant 0.000000e+00 : f32
      %broadcast_in_dim3A_470 = vector.broadcast %broadcast_in_dim3A_469 : f32 to vector<16xf32>
      %broadcast_in_dim3A_471 = arith.constant 0 : i32
      %broadcast_in_dim3A_472 = vector.broadcast %broadcast_in_dim3A_471 : i32 to vector<16xi32>
      %gather3A = tpu.vector_load_idx %arg9[%add3A_464, %broadcast_in_dim3A_472] : memref<256x128xf32, #tpu.memory_space<vmem>>[vector<16xi32>, vector<16xi32>], vector<16xf32>,
      %exp3A = math.exp %gather3A : vector<16xf32>
      %gather3A_473 = tpu.vector_load_idx %arg10[%add3A_464, %broadcast_in_dim3A_472] : memref<256x128xf32, #tpu.memory_space<vmem>>[vector<16xi32>, vector<16xi32>], vector<16xf32>,
      %exp3A_474 = math.exp %gather3A_473 : vector<16xf32>
      %mul3A_475 = arith.mulf %exp3A, %exp3A_474 : vector<16xf32>
      %add3A_476 = arith.addf %broadcast_in_dim3A_466, %mul3A_475 : vector<16xf32>
      %mul3A_477 = arith.mulf %exp3A, %exp3A : vector<16xf32>
      %add3A_478 = arith.addf %broadcast_in_dim3A_468, %mul3A_477 : vector<16xf32>
      %mul3A_479 = arith.mulf %exp3A_474, %exp3A_474 : vector<16xf32>
      %add3A_480 = arith.addf %broadcast_in_dim3A_470, %mul3A_479 : vector<16xf32>
      %broadcast_in_dim3A_481 = arith.constant 1 : i32
      %broadcast_in_dim3A_482 = vector.broadcast %broadcast_in_dim3A_481 : i32 to vector<16xi32>
      %gather3A_483 = tpu.vector_load_idx %arg9[%add3A_464, %broadcast_in_dim3A_482] : memref<256x128xf32, #tpu.memory_space<vmem>>[vector<16xi32>, vector<16xi32>], vector<16xf32>,
      %exp3A_484 = math.exp %gather3A_483 : vector<16xf32>
      %gather3A_485 = tpu.vector_load_idx %arg10[%add3A_464, %broadcast_in_dim3A_482] : memref<256x128xf32, #tpu.memory_space<vmem>>[vector<16xi32>, vector<16xi32>], vector<16xf32>,
      %exp3A_486 = math.exp %gather3A_485 : vector<16xf32>
      %mul3A_487 = arith.mulf %exp3A_484, %exp3A_486 : vector<16xf32>
      %add3A_488 = arith.addf %add3A_476, %mul3A_487 : vector<16xf32>
      %mul3A_489 = arith.mulf %exp3A_484, %exp3A_484 : vector<16xf32>
      %add3A_490 = arith.addf %add3A_478, %mul3A_489 : vector<16xf32>
      %mul3A_491 = arith.mulf %exp3A_486, %exp3A_486 : vector<16xf32>
      %add3A_492 = arith.addf %add3A_480, %mul3A_491 : vector<16xf32>
      %broadcast_in_dim3A_493 = arith.constant 2 : i32
      %broadcast_in_dim3A_494 = vector.broadcast %broadcast_in_dim3A_493 : i32 to vector<16xi32>
      %gather3A_495 = tpu.vector_load_idx %arg9[%add3A_464, %broadcast_in_dim3A_494] : memref<256x128xf32, #tpu.memory_space<vmem>>[vector<16xi32>, vector<16xi32>], vector<16xf32>,
      %exp3A_496 = math.exp %gather3A_495 : vector<16xf32>
      %gather3A_497 = tpu.vector_load_idx %arg10[%add3A_464, %broadcast_in_dim3A_494] : memref<256x128xf32, #tpu.memory_space<vmem>>[vector<16xi32>, vector<16xi32>], vector<16xf32>,
      %exp3A_498 = math.exp %gather3A_497 : vector<16xf32>
      %mul3A_499 = arith.mulf %exp3A_496, %exp3A_498 : vector<16xf32>
      %add3A_500 = arith.addf %add3A_488, %mul3A_499 : vector<16xf32>
      %mul3A_501 = arith.mulf %exp3A_496, %exp3A_496 : vector<16xf32>
      %add3A_502 = arith.addf %add3A_490, %mul3A_501 : vector<16xf32>
      %mul3A_503 = arith.mulf %exp3A_498, %exp3A_498 : vector<16xf32>
      %add3A_504 = arith.addf %add3A_492, %mul3A_503 : vector<16xf32>
      %broadcast_in_dim3A_505 = arith.constant 3 : i32
      %broadcast_in_dim3A_506 = vector.broadcast %broadcast_in_dim3A_505 : i32 to vector<16xi32>
      %gather3A_507 = tpu.vector_load_idx %arg9[%add3A_464, %broadcast_in_dim3A_506] : memref<256x128xf32, #tpu.memory_space<vmem>>[vector<16xi32>, vector<16xi32>], vector<16xf32>,
      %exp3A_508 = math.exp %gather3A_507 : vector<16xf32>
      %gather3A_509 = tpu.vector_load_idx %arg10[%add3A_464, %broadcast_in_dim3A_506] : memref<256x128xf32, #tpu.memory_space<vmem>>[vector<16xi32>, vector<16xi32>], vector<16xf32>,
      %exp3A_510 = math.exp %gather3A_509 : vector<16xf32>
      %mul3A_511 = arith.mulf %exp3A_508, %exp3A_510 : vector<16xf32>
      %add3A_512 = arith.addf %add3A_500, %mul3A_511 : vector<16xf32>
      %mul3A_513 = arith.mulf %exp3A_508, %exp3A_508 : vector<16xf32>
      %add3A_514 = arith.addf %add3A_502, %mul3A_513 : vector<16xf32>
      %mul3A_515 = arith.mulf %exp3A_510, %exp3A_510 : vector<16xf32>
      %add3A_516 = arith.addf %add3A_504, %mul3A_515 : vector<16xf32>
      %broadcast_in_dim3A_517 = arith.constant 4 : i32
      %broadcast_in_dim3A_518 = vector.broadcast %broadcast_in_dim3A_517 : i32 to vector<16xi32>
      %gather3A_519 = tpu.vector_load_idx %arg9[%add3A_464, %broadcast_in_dim3A_518] : memref<256x128xf32, #tpu.memory_space<vmem>>[vector<16xi32>, vector<16xi32>], vector<16xf32>,
      %exp3A_520 = math.exp %gather3A_519 : vector<16xf32>
      %gather3A_521 = tpu.vector_load_idx %arg10[%add3A_464, %broadcast_in_dim3A_518] : memref<256x128xf32, #tpu.memory_space<vmem>>[vector<16xi32>, vector<16xi32>], vector<16xf32>,
      %exp3A_522 = math.exp %gather3A_521 : vector<16xf32>
      %mul3A_523 = arith.mulf %exp3A_520, %exp3A_522 : vector<16xf32>
      %add3A_524 = arith.addf %add3A_512, %mul3A_523 : vector<16xf32>
      %mul3A_525 = arith.mulf %exp3A_520, %exp3A_520 : vector<16xf32>
      %add3A_526 = arith.addf %add3A_514, %mul3A_525 : vector<16xf32>
      %mul3A_527 = arith.mulf %exp3A_522, %exp3A_522 : vector<16xf32>
      %add3A_528 = arith.addf %add3A_516, %mul3A_527 : vector<16xf32>
      %broadcast_in_dim3A_529 = arith.constant 5 : i32
      %broadcast_in_dim3A_530 = vector.broadcast %broadcast_in_dim3A_529 : i32 to vector<16xi32>
      %gather3A_531 = tpu.vector_load_idx %arg9[%add3A_464, %broadcast_in_dim3A_530] : memref<256x128xf32, #tpu.memory_space<vmem>>[vector<16xi32>, vector<16xi32>], vector<16xf32>,
      %exp3A_532 = math.exp %gather3A_531 : vector<16xf32>
      %gather3A_533 = tpu.vector_load_idx %arg10[%add3A_464, %broadcast_in_dim3A_530] : memref<256x128xf32, #tpu.memory_space<vmem>>[vector<16xi32>, vector<16xi32>], vector<16xf32>,
      %exp3A_534 = math.exp %gather3A_533 : vector<16xf32>
      %mul3A_535 = arith.mulf %exp3A_532, %exp3A_534 : vector<16xf32>
      %add3A_536 = arith.addf %add3A_524, %mul3A_535 : vector<16xf32>
      %mul3A_537 = arith.mulf %exp3A_532, %exp3A_532 : vector<16xf32>
      %add3A_538 = arith.addf %add3A_526, %mul3A_537 : vector<16xf32>
      %mul3A_539 = arith.mulf %exp3A_534, %exp3A_534 : vector<16xf32>
      %add3A_540 = arith.addf %add3A_528, %mul3A_539 : vector<16xf32>
      %broadcast_in_dim3A_541 = arith.constant 6 : i32
      %broadcast_in_dim3A_542 = vector.broadcast %broadcast_in_dim3A_541 : i32 to vector<16xi32>
      %gather3A_543 = tpu.vector_load_idx %arg9[%add3A_464, %broadcast_in_dim3A_542] : memref<256x128xf32, #tpu.memory_space<vmem>>[vector<16xi32>, vector<16xi32>], vector<16xf32>,
      %exp3A_544 = math.exp %gather3A_543 : vector<16xf32>
      %gather3A_545 = tpu.vector_load_idx %arg10[%add3A_464, %broadcast_in_dim3A_542] : memref<256x128xf32, #tpu.memory_space<vmem>>[vector<16xi32>, vector<16xi32>], vector<16xf32>,
      %exp3A_546 = math.exp %gather3A_545 : vector<16xf32>
      %mul3A_547 = arith.mulf %exp3A_544, %exp3A_546 : vector<16xf32>
      %add3A_548 = arith.addf %add3A_536, %mul3A_547 : vector<16xf32>
      %mul3A_549 = arith.mulf %exp3A_544, %exp3A_544 : vector<16xf32>
      %add3A_550 = arith.addf %add3A_538, %mul3A_549 : vector<16xf32>
      %mul3A_551 = arith.mulf %exp3A_546, %exp3A_546 : vector<16xf32>
      %add3A_552 = arith.addf %add3A_540, %mul3A_551 : vector<16xf32>
      %broadcast_in_dim3A_553 = arith.constant 7 : i32
      %broadcast_in_dim3A_554 = vector.broadcast %broadcast_in_dim3A_553 : i32 to vector<16xi32>
      %gather3A_555 = tpu.vector_load_idx %arg9[%add3A_464, %broadcast_in_dim3A_554] : memref<256x128xf32, #tpu.memory_space<vmem>>[vector<16xi32>, vector<16xi32>], vector<16xf32>,
      %exp3A_556 = math.exp %gather3A_555 : vector<16xf32>
      %gather3A_557 = tpu.vector_load_idx %arg10[%add3A_464, %broadcast_in_dim3A_554] : memref<256x128xf32, #tpu.memory_space<vmem>>[vector<16xi32>, vector<16xi32>], vector<16xf32>,
      %exp3A_558 = math.exp %gather3A_557 : vector<16xf32>
      %mul3A_559 = arith.mulf %exp3A_556, %exp3A_558 : vector<16xf32>
      %add3A_560 = arith.addf %add3A_548, %mul3A_559 : vector<16xf32>
      %mul3A_561 = arith.mulf %exp3A_556, %exp3A_556 : vector<16xf32>
      %add3A_562 = arith.addf %add3A_550, %mul3A_561 : vector<16xf32>
      %mul3A_563 = arith.mulf %exp3A_558, %exp3A_558 : vector<16xf32>
      %add3A_564 = arith.addf %add3A_552, %mul3A_563 : vector<16xf32>
      %broadcast_in_dim3A_565 = arith.constant 8 : i32
      %broadcast_in_dim3A_566 = vector.broadcast %broadcast_in_dim3A_565 : i32 to vector<16xi32>
      %gather3A_567 = tpu.vector_load_idx %arg9[%add3A_464, %broadcast_in_dim3A_566] : memref<256x128xf32, #tpu.memory_space<vmem>>[vector<16xi32>, vector<16xi32>], vector<16xf32>,
      %exp3A_568 = math.exp %gather3A_567 : vector<16xf32>
      %gather3A_569 = tpu.vector_load_idx %arg10[%add3A_464, %broadcast_in_dim3A_566] : memref<256x128xf32, #tpu.memory_space<vmem>>[vector<16xi32>, vector<16xi32>], vector<16xf32>,
      %exp3A_570 = math.exp %gather3A_569 : vector<16xf32>
      %mul3A_571 = arith.mulf %exp3A_568, %exp3A_570 : vector<16xf32>
      %add3A_572 = arith.addf %add3A_560, %mul3A_571 : vector<16xf32>
      %mul3A_573 = arith.mulf %exp3A_568, %exp3A_568 : vector<16xf32>
      %add3A_574 = arith.addf %add3A_562, %mul3A_573 : vector<16xf32>
      %mul3A_575 = arith.mulf %exp3A_570, %exp3A_570 : vector<16xf32>
      %add3A_576 = arith.addf %add3A_564, %mul3A_575 : vector<16xf32>
      %broadcast_in_dim3A_577 = arith.constant 9 : i32
      %broadcast_in_dim3A_578 = vector.broadcast %broadcast_in_dim3A_577 : i32 to vector<16xi32>
      %gather3A_579 = tpu.vector_load_idx %arg9[%add3A_464, %broadcast_in_dim3A_578] : memref<256x128xf32, #tpu.memory_space<vmem>>[vector<16xi32>, vector<16xi32>], vector<16xf32>,
      %exp3A_580 = math.exp %gather3A_579 : vector<16xf32>
      %gather3A_581 = tpu.vector_load_idx %arg10[%add3A_464, %broadcast_in_dim3A_578] : memref<256x128xf32, #tpu.memory_space<vmem>>[vector<16xi32>, vector<16xi32>], vector<16xf32>,
      %exp3A_582 = math.exp %gather3A_581 : vector<16xf32>
      %mul3A_583 = arith.mulf %exp3A_580, %exp3A_582 : vector<16xf32>
      %add3A_584 = arith.addf %add3A_572, %mul3A_583 : vector<16xf32>
      %mul3A_585 = arith.mulf %exp3A_580, %exp3A_580 : vector<16xf32>
      %add3A_586 = arith.addf %add3A_574, %mul3A_585 : vector<16xf32>
      %mul3A_587 = arith.mulf %exp3A_582, %exp3A_582 : vector<16xf32>
      %add3A_588 = arith.addf %add3A_576, %mul3A_587 : vector<16xf32>
      %broadcast_in_dim3A_589 = arith.constant 10 : i32
      %broadcast_in_dim3A_590 = vector.broadcast %broadcast_in_dim3A_589 : i32 to vector<16xi32>
      %gather3A_591 = tpu.vector_load_idx %arg9[%add3A_464, %broadcast_in_dim3A_590] : memref<256x128xf32, #tpu.memory_space<vmem>>[vector<16xi32>, vector<16xi32>], vector<16xf32>,
      %exp3A_592 = math.exp %gather3A_591 : vector<16xf32>
      %gather3A_593 = tpu.vector_load_idx %arg10[%add3A_464, %broadcast_in_dim3A_590] : memref<256x128xf32, #tpu.memory_space<vmem>>[vector<16xi32>, vector<16xi32>], vector<16xf32>,
      %exp3A_594 = math.exp %gather3A_593 : vector<16xf32>
      %mul3A_595 = arith.mulf %exp3A_592, %exp3A_594 : vector<16xf32>
      %add3A_596 = arith.addf %add3A_584, %mul3A_595 : vector<16xf32>
      %mul3A_597 = arith.mulf %exp3A_592, %exp3A_592 : vector<16xf32>
      %add3A_598 = arith.addf %add3A_586, %mul3A_597 : vector<16xf32>
      %mul3A_599 = arith.mulf %exp3A_594, %exp3A_594 : vector<16xf32>
      %add3A_600 = arith.addf %add3A_588, %mul3A_599 : vector<16xf32>
      %broadcast_in_dim3A_601 = arith.constant 11 : i32
      %broadcast_in_dim3A_602 = vector.broadcast %broadcast_in_dim3A_601 : i32 to vector<16xi32>
      %gather3A_603 = tpu.vector_load_idx %arg9[%add3A_464, %broadcast_in_dim3A_602] : memref<256x128xf32, #tpu.memory_space<vmem>>[vector<16xi32>, vector<16xi32>], vector<16xf32>,
      %exp3A_604 = math.exp %gather3A_603 : vector<16xf32>
      %gather3A_605 = tpu.vector_load_idx %arg10[%add3A_464, %broadcast_in_dim3A_602] : memref<256x128xf32, #tpu.memory_space<vmem>>[vector<16xi32>, vector<16xi32>], vector<16xf32>,
      %exp3A_606 = math.exp %gather3A_605 : vector<16xf32>
      %mul3A_607 = arith.mulf %exp3A_604, %exp3A_606 : vector<16xf32>
      %add3A_608 = arith.addf %add3A_596, %mul3A_607 : vector<16xf32>
      %mul3A_609 = arith.mulf %exp3A_604, %exp3A_604 : vector<16xf32>
      %add3A_610 = arith.addf %add3A_598, %mul3A_609 : vector<16xf32>
      %mul3A_611 = arith.mulf %exp3A_606, %exp3A_606 : vector<16xf32>
      %add3A_612 = arith.addf %add3A_600, %mul3A_611 : vector<16xf32>
      %broadcast_in_dim3A_613 = arith.constant 12 : i32
      %broadcast_in_dim3A_614 = vector.broadcast %broadcast_in_dim3A_613 : i32 to vector<16xi32>
      %gather3A_615 = tpu.vector_load_idx %arg9[%add3A_464, %broadcast_in_dim3A_614] : memref<256x128xf32, #tpu.memory_space<vmem>>[vector<16xi32>, vector<16xi32>], vector<16xf32>,
      %exp3A_616 = math.exp %gather3A_615 : vector<16xf32>
      %gather3A_617 = tpu.vector_load_idx %arg10[%add3A_464, %broadcast_in_dim3A_614] : memref<256x128xf32, #tpu.memory_space<vmem>>[vector<16xi32>, vector<16xi32>], vector<16xf32>,
      %exp3A_618 = math.exp %gather3A_617 : vector<16xf32>
      %mul3A_619 = arith.mulf %exp3A_616, %exp3A_618 : vector<16xf32>
      %add3A_620 = arith.addf %add3A_608, %mul3A_619 : vector<16xf32>
      %mul3A_621 = arith.mulf %exp3A_616, %exp3A_616 : vector<16xf32>
      %add3A_622 = arith.addf %add3A_610, %mul3A_621 : vector<16xf32>
      %mul3A_623 = arith.mulf %exp3A_618, %exp3A_618 : vector<16xf32>
      %add3A_624 = arith.addf %add3A_612, %mul3A_623 : vector<16xf32>
      %broadcast_in_dim3A_625 = arith.constant 13 : i32
      %broadcast_in_dim3A_626 = vector.broadcast %broadcast_in_dim3A_625 : i32 to vector<16xi32>
      %gather3A_627 = tpu.vector_load_idx %arg9[%add3A_464, %broadcast_in_dim3A_626] : memref<256x128xf32, #tpu.memory_space<vmem>>[vector<16xi32>, vector<16xi32>], vector<16xf32>,
      %exp3A_628 = math.exp %gather3A_627 : vector<16xf32>
      %gather3A_629 = tpu.vector_load_idx %arg10[%add3A_464, %broadcast_in_dim3A_626] : memref<256x128xf32, #tpu.memory_space<vmem>>[vector<16xi32>, vector<16xi32>], vector<16xf32>,
      %exp3A_630 = math.exp %gather3A_629 : vector<16xf32>
      %mul3A_631 = arith.mulf %exp3A_628, %exp3A_630 : vector<16xf32>
      %add3A_632 = arith.addf %add3A_620, %mul3A_631 : vector<16xf32>
      %mul3A_633 = arith.mulf %exp3A_628, %exp3A_628 : vector<16xf32>
      %add3A_634 = arith.addf %add3A_622, %mul3A_633 : vector<16xf32>
      %mul3A_635 = arith.mulf %exp3A_630, %exp3A_630 : vector<16xf32>
      %add3A_636 = arith.addf %add3A_624, %mul3A_635 : vector<16xf32>
      %broadcast_in_dim3A_637 = arith.constant 14 : i32
      %broadcast_in_dim3A_638 = vector.broadcast %broadcast_in_dim3A_637 : i32 to vector<16xi32>
      %gather3A_639 = tpu.vector_load_idx %arg9[%add3A_464, %broadcast_in_dim3A_638] : memref<256x128xf32, #tpu.memory_space<vmem>>[vector<16xi32>, vector<16xi32>], vector<16xf32>,
      %exp3A_640 = math.exp %gather3A_639 : vector<16xf32>
      %gather3A_641 = tpu.vector_load_idx %arg10[%add3A_464, %broadcast_in_dim3A_638] : memref<256x128xf32, #tpu.memory_space<vmem>>[vector<16xi32>, vector<16xi32>], vector<16xf32>,
      %exp3A_642 = math.exp %gather3A_641 : vector<16xf32>
      %mul3A_643 = arith.mulf %exp3A_640, %exp3A_642 : vector<16xf32>
      %add3A_644 = arith.addf %add3A_632, %mul3A_643 : vector<16xf32>
      %mul3A_645 = arith.mulf %exp3A_640, %exp3A_640 : vector<16xf32>
      %add3A_646 = arith.addf %add3A_634, %mul3A_645 : vector<16xf32>
      %mul3A_647 = arith.mulf %exp3A_642, %exp3A_642 : vector<16xf32>
      %add3A_648 = arith.addf %add3A_636, %mul3A_647 : vector<16xf32>
      %broadcast_in_dim3A_649 = arith.constant 15 : i32
      %broadcast_in_dim3A_650 = vector.broadcast %broadcast_in_dim3A_649 : i32 to vector<16xi32>
      %gather3A_651 = tpu.vector_load_idx %arg9[%add3A_464, %broadcast_in_dim3A_650] : memref<256x128xf32, #tpu.memory_space<vmem>>[vector<16xi32>, vector<16xi32>], vector<16xf32>,
      %exp3A_652 = math.exp %gather3A_651 : vector<16xf32>
      %gather3A_653 = tpu.vector_load_idx %arg10[%add3A_464, %broadcast_in_dim3A_650] : memref<256x128xf32, #tpu.memory_space<vmem>>[vector<16xi32>, vector<16xi32>], vector<16xf32>,
      %exp3A_654 = math.exp %gather3A_653 : vector<16xf32>
      %mul3A_655 = arith.mulf %exp3A_652, %exp3A_654 : vector<16xf32>
      %add3A_656 = arith.addf %add3A_644, %mul3A_655 : vector<16xf32>
      %mul3A_657 = arith.mulf %exp3A_652, %exp3A_652 : vector<16xf32>
      %add3A_658 = arith.addf %add3A_646, %mul3A_657 : vector<16xf32>
      %mul3A_659 = arith.mulf %exp3A_654, %exp3A_654 : vector<16xf32>
      %add3A_660 = arith.addf %add3A_648, %mul3A_659 : vector<16xf32>
      %broadcast_in_dim3A_661 = arith.constant 16 : i32
      %broadcast_in_dim3A_662 = vector.broadcast %broadcast_in_dim3A_661 : i32 to vector<16xi32>
      %gather3A_663 = tpu.vector_load_idx %arg9[%add3A_464, %broadcast_in_dim3A_662] : memref<256x128xf32, #tpu.memory_space<vmem>>[vector<16xi32>, vector<16xi32>], vector<16xf32>,
      %exp3A_664 = math.exp %gather3A_663 : vector<16xf32>
      %gather3A_665 = tpu.vector_load_idx %arg10[%add3A_464, %broadcast_in_dim3A_662] : memref<256x128xf32, #tpu.memory_space<vmem>>[vector<16xi32>, vector<16xi32>], vector<16xf32>,
      %exp3A_666 = math.exp %gather3A_665 : vector<16xf32>
      %mul3A_667 = arith.mulf %exp3A_664, %exp3A_666 : vector<16xf32>
      %add3A_668 = arith.addf %add3A_656, %mul3A_667 : vector<16xf32>
      %mul3A_669 = arith.mulf %exp3A_664, %exp3A_664 : vector<16xf32>
      %add3A_670 = arith.addf %add3A_658, %mul3A_669 : vector<16xf32>
      %mul3A_671 = arith.mulf %exp3A_666, %exp3A_666 : vector<16xf32>
      %add3A_672 = arith.addf %add3A_660, %mul3A_671 : vector<16xf32>
      %broadcast_in_dim3A_673 = arith.constant 17 : i32
      %broadcast_in_dim3A_674 = vector.broadcast %broadcast_in_dim3A_673 : i32 to vector<16xi32>
      %gather3A_675 = tpu.vector_load_idx %arg9[%add3A_464, %broadcast_in_dim3A_674] : memref<256x128xf32, #tpu.memory_space<vmem>>[vector<16xi32>, vector<16xi32>], vector<16xf32>,
      %exp3A_676 = math.exp %gather3A_675 : vector<16xf32>
      %gather3A_677 = tpu.vector_load_idx %arg10[%add3A_464, %broadcast_in_dim3A_674] : memref<256x128xf32, #tpu.memory_space<vmem>>[vector<16xi32>, vector<16xi32>], vector<16xf32>,
      %exp3A_678 = math.exp %gather3A_677 : vector<16xf32>
      %mul3A_679 = arith.mulf %exp3A_676, %exp3A_678 : vector<16xf32>
      %add3A_680 = arith.addf %add3A_668, %mul3A_679 : vector<16xf32>
      %mul3A_681 = arith.mulf %exp3A_676, %exp3A_676 : vector<16xf32>
      %add3A_682 = arith.addf %add3A_670, %mul3A_681 : vector<16xf32>
      %mul3A_683 = arith.mulf %exp3A_678, %exp3A_678 : vector<16xf32>
      %add3A_684 = arith.addf %add3A_672, %mul3A_683 : vector<16xf32>
      %broadcast_in_dim3A_685 = arith.constant 18 : i32
      %broadcast_in_dim3A_686 = vector.broadcast %broadcast_in_dim3A_685 : i32 to vector<16xi32>
      %gather3A_687 = tpu.vector_load_idx %arg9[%add3A_464, %broadcast_in_dim3A_686] : memref<256x128xf32, #tpu.memory_space<vmem>>[vector<16xi32>, vector<16xi32>], vector<16xf32>,
      %exp3A_688 = math.exp %gather3A_687 : vector<16xf32>
      %gather3A_689 = tpu.vector_load_idx %arg10[%add3A_464, %broadcast_in_dim3A_686] : memref<256x128xf32, #tpu.memory_space<vmem>>[vector<16xi32>, vector<16xi32>], vector<16xf32>,
      %exp3A_690 = math.exp %gather3A_689 : vector<16xf32>
      %mul3A_691 = arith.mulf %exp3A_688, %exp3A_690 : vector<16xf32>
      %add3A_692 = arith.addf %add3A_680, %mul3A_691 : vector<16xf32>
      %mul3A_693 = arith.mulf %exp3A_688, %exp3A_688 : vector<16xf32>
      %add3A_694 = arith.addf %add3A_682, %mul3A_693 : vector<16xf32>
      %mul3A_695 = arith.mulf %exp3A_690, %exp3A_690 : vector<16xf32>
      %add3A_696 = arith.addf %add3A_684, %mul3A_695 : vector<16xf32>
      %broadcast_in_dim3A_697 = arith.constant 19 : i32
      %broadcast_in_dim3A_698 = vector.broadcast %broadcast_in_dim3A_697 : i32 to vector<16xi32>
      %gather3A_699 = tpu.vector_load_idx %arg9[%add3A_464, %broadcast_in_dim3A_698] : memref<256x128xf32, #tpu.memory_space<vmem>>[vector<16xi32>, vector<16xi32>], vector<16xf32>,
      %exp3A_700 = math.exp %gather3A_699 : vector<16xf32>
      %gather3A_701 = tpu.vector_load_idx %arg10[%add3A_464, %broadcast_in_dim3A_698] : memref<256x128xf32, #tpu.memory_space<vmem>>[vector<16xi32>, vector<16xi32>], vector<16xf32>,
      %exp3A_702 = math.exp %gather3A_701 : vector<16xf32>
      %mul3A_703 = arith.mulf %exp3A_700, %exp3A_702 : vector<16xf32>
      %add3A_704 = arith.addf %add3A_692, %mul3A_703 : vector<16xf32>
      %mul3A_705 = arith.mulf %exp3A_700, %exp3A_700 : vector<16xf32>
      %add3A_706 = arith.addf %add3A_694, %mul3A_705 : vector<16xf32>
      %mul3A_707 = arith.mulf %exp3A_702, %exp3A_702 : vector<16xf32>
      %add3A_708 = arith.addf %add3A_696, %mul3A_707 : vector<16xf32>
      %broadcast_in_dim3A_709 = arith.constant 20 : i32
      %broadcast_in_dim3A_710 = vector.broadcast %broadcast_in_dim3A_709 : i32 to vector<16xi32>
      %gather3A_711 = tpu.vector_load_idx %arg9[%add3A_464, %broadcast_in_dim3A_710] : memref<256x128xf32, #tpu.memory_space<vmem>>[vector<16xi32>, vector<16xi32>], vector<16xf32>,
      %exp3A_712 = math.exp %gather3A_711 : vector<16xf32>
      %gather3A_713 = tpu.vector_load_idx %arg10[%add3A_464, %broadcast_in_dim3A_710] : memref<256x128xf32, #tpu.memory_space<vmem>>[vector<16xi32>, vector<16xi32>], vector<16xf32>,
      %exp3A_714 = math.exp %gather3A_713 : vector<16xf32>
      %mul3A_715 = arith.mulf %exp3A_712, %exp3A_714 : vector<16xf32>
      %add3A_716 = arith.addf %add3A_704, %mul3A_715 : vector<16xf32>
      %mul3A_717 = arith.mulf %exp3A_712, %exp3A_712 : vector<16xf32>
      %add3A_718 = arith.addf %add3A_706, %mul3A_717 : vector<16xf32>
      %mul3A_719 = arith.mulf %exp3A_714, %exp3A_714 : vector<16xf32>
      %add3A_720 = arith.addf %add3A_708, %mul3A_719 : vector<16xf32>
      %broadcast_in_dim3A_721 = arith.constant 21 : i32
      %broadcast_in_dim3A_722 = vector.broadcast %broadcast_in_dim3A_721 : i32 to vector<16xi32>
      %gather3A_723 = tpu.vector_load_idx %arg9[%add3A_464, %broadcast_in_dim3A_722] : memref<256x128xf32, #tpu.memory_space<vmem>>[vector<16xi32>, vector<16xi32>], vector<16xf32>,
      %exp3A_724 = math.exp %gather3A_723 : vector<16xf32>
      %gather3A_725 = tpu.vector_load_idx %arg10[%add3A_464, %broadcast_in_dim3A_722] : memref<256x128xf32, #tpu.memory_space<vmem>>[vector<16xi32>, vector<16xi32>], vector<16xf32>,
      %exp3A_726 = math.exp %gather3A_725 : vector<16xf32>
      %mul3A_727 = arith.mulf %exp3A_724, %exp3A_726 : vector<16xf32>
      %add3A_728 = arith.addf %add3A_716, %mul3A_727 : vector<16xf32>
      %mul3A_729 = arith.mulf %exp3A_724, %exp3A_724 : vector<16xf32>
      %add3A_730 = arith.addf %add3A_718, %mul3A_729 : vector<16xf32>
      %mul3A_731 = arith.mulf %exp3A_726, %exp3A_726 : vector<16xf32>
      %add3A_732 = arith.addf %add3A_720, %mul3A_731 : vector<16xf32>
      %broadcast_in_dim3A_733 = arith.constant 22 : i32
      %broadcast_in_dim3A_734 = vector.broadcast %broadcast_in_dim3A_733 : i32 to vector<16xi32>
      %gather3A_735 = tpu.vector_load_idx %arg9[%add3A_464, %broadcast_in_dim3A_734] : memref<256x128xf32, #tpu.memory_space<vmem>>[vector<16xi32>, vector<16xi32>], vector<16xf32>,
      %exp3A_736 = math.exp %gather3A_735 : vector<16xf32>
      %gather3A_737 = tpu.vector_load_idx %arg10[%add3A_464, %broadcast_in_dim3A_734] : memref<256x128xf32, #tpu.memory_space<vmem>>[vector<16xi32>, vector<16xi32>], vector<16xf32>,
      %exp3A_738 = math.exp %gather3A_737 : vector<16xf32>
      %mul3A_739 = arith.mulf %exp3A_736, %exp3A_738 : vector<16xf32>
      %add3A_740 = arith.addf %add3A_728, %mul3A_739 : vector<16xf32>
      %mul3A_741 = arith.mulf %exp3A_736, %exp3A_736 : vector<16xf32>
      %add3A_742 = arith.addf %add3A_730, %mul3A_741 : vector<16xf32>
      %mul3A_743 = arith.mulf %exp3A_738, %exp3A_738 : vector<16xf32>
      %add3A_744 = arith.addf %add3A_732, %mul3A_743 : vector<16xf32>
      %broadcast_in_dim3A_745 = arith.constant 23 : i32
      %broadcast_in_dim3A_746 = vector.broadcast %broadcast_in_dim3A_745 : i32 to vector<16xi32>
      %gather3A_747 = tpu.vector_load_idx %arg9[%add3A_464, %broadcast_in_dim3A_746] : memref<256x128xf32, #tpu.memory_space<vmem>>[vector<16xi32>, vector<16xi32>], vector<16xf32>,
      %exp3A_748 = math.exp %gather3A_747 : vector<16xf32>
      %gather3A_749 = tpu.vector_load_idx %arg10[%add3A_464, %broadcast_in_dim3A_746] : memref<256x128xf32, #tpu.memory_space<vmem>>[vector<16xi32>, vector<16xi32>], vector<16xf32>,
      %exp3A_750 = math.exp %gather3A_749 : vector<16xf32>
      %mul3A_751 = arith.mulf %exp3A_748, %exp3A_750 : vector<16xf32>
      %add3A_752 = arith.addf %add3A_740, %mul3A_751 : vector<16xf32>
      %mul3A_753 = arith.mulf %exp3A_748, %exp3A_748 : vector<16xf32>
      %add3A_754 = arith.addf %add3A_742, %mul3A_753 : vector<16xf32>
      %mul3A_755 = arith.mulf %exp3A_750, %exp3A_750 : vector<16xf32>
      %add3A_756 = arith.addf %add3A_744, %mul3A_755 : vector<16xf32>
      %broadcast_in_dim3A_757 = arith.constant 24 : i32
      %broadcast_in_dim3A_758 = vector.broadcast %broadcast_in_dim3A_757 : i32 to vector<16xi32>
      %gather3A_759 = tpu.vector_load_idx %arg9[%add3A_464, %broadcast_in_dim3A_758] : memref<256x128xf32, #tpu.memory_space<vmem>>[vector<16xi32>, vector<16xi32>], vector<16xf32>,
      %exp3A_760 = math.exp %gather3A_759 : vector<16xf32>
      %gather3A_761 = tpu.vector_load_idx %arg10[%add3A_464, %broadcast_in_dim3A_758] : memref<256x128xf32, #tpu.memory_space<vmem>>[vector<16xi32>, vector<16xi32>], vector<16xf32>,
      %exp3A_762 = math.exp %gather3A_761 : vector<16xf32>
      %mul3A_763 = arith.mulf %exp3A_760, %exp3A_762 : vector<16xf32>
      %add3A_764 = arith.addf %add3A_752, %mul3A_763 : vector<16xf32>
      %mul3A_765 = arith.mulf %exp3A_760, %exp3A_760 : vector<16xf32>
      %add3A_766 = arith.addf %add3A_754, %mul3A_765 : vector<16xf32>
      %mul3A_767 = arith.mulf %exp3A_762, %exp3A_762 : vector<16xf32>
      %add3A_768 = arith.addf %add3A_756, %mul3A_767 : vector<16xf32>
      %broadcast_in_dim3A_769 = arith.constant 25 : i32
      %broadcast_in_dim3A_770 = vector.broadcast %broadcast_in_dim3A_769 : i32 to vector<16xi32>
      %gather3A_771 = tpu.vector_load_idx %arg9[%add3A_464, %broadcast_in_dim3A_770] : memref<256x128xf32, #tpu.memory_space<vmem>>[vector<16xi32>, vector<16xi32>], vector<16xf32>,
      %exp3A_772 = math.exp %gather3A_771 : vector<16xf32>
      %gather3A_773 = tpu.vector_load_idx %arg10[%add3A_464, %broadcast_in_dim3A_770] : memref<256x128xf32, #tpu.memory_space<vmem>>[vector<16xi32>, vector<16xi32>], vector<16xf32>,
      %exp3A_774 = math.exp %gather3A_773 : vector<16xf32>
      %mul3A_775 = arith.mulf %exp3A_772, %exp3A_774 : vector<16xf32>
      %add3A_776 = arith.addf %add3A_764, %mul3A_775 : vector<16xf32>
      %mul3A_777 = arith.mulf %exp3A_772, %exp3A_772 : vector<16xf32>
      %add3A_778 = arith.addf %add3A_766, %mul3A_777 : vector<16xf32>
      %mul3A_779 = arith.mulf %exp3A_774, %exp3A_774 : vector<16xf32>
      %add3A_780 = arith.addf %add3A_768, %mul3A_779 : vector<16xf32>
      %broadcast_in_dim3A_781 = arith.constant 26 : i32
      %broadcast_in_dim3A_782 = vector.broadcast %broadcast_in_dim3A_781 : i32 to vector<16xi32>
      %gather3A_783 = tpu.vector_load_idx %arg9[%add3A_464, %broadcast_in_dim3A_782] : memref<256x128xf32, #tpu.memory_space<vmem>>[vector<16xi32>, vector<16xi32>], vector<16xf32>,
      %exp3A_784 = math.exp %gather3A_783 : vector<16xf32>
      %gather3A_785 = tpu.vector_load_idx %arg10[%add3A_464, %broadcast_in_dim3A_782] : memref<256x128xf32, #tpu.memory_space<vmem>>[vector<16xi32>, vector<16xi32>], vector<16xf32>,
      %exp3A_786 = math.exp %gather3A_785 : vector<16xf32>
      %mul3A_787 = arith.mulf %exp3A_784, %exp3A_786 : vector<16xf32>
      %add3A_788 = arith.addf %add3A_776, %mul3A_787 : vector<16xf32>
      %mul3A_789 = arith.mulf %exp3A_784, %exp3A_784 : vector<16xf32>
      %add3A_790 = arith.addf %add3A_778, %mul3A_789 : vector<16xf32>
      %mul3A_791 = arith.mulf %exp3A_786, %exp3A_786 : vector<16xf32>
      %add3A_792 = arith.addf %add3A_780, %mul3A_791 : vector<16xf32>
      %broadcast_in_dim3A_793 = arith.constant 27 : i32
      %broadcast_in_dim3A_794 = vector.broadcast %broadcast_in_dim3A_793 : i32 to vector<16xi32>
      %gather3A_795 = tpu.vector_load_idx %arg9[%add3A_464, %broadcast_in_dim3A_794] : memref<256x128xf32, #tpu.memory_space<vmem>>[vector<16xi32>, vector<16xi32>], vector<16xf32>,
      %exp3A_796 = math.exp %gather3A_795 : vector<16xf32>
      %gather3A_797 = tpu.vector_load_idx %arg10[%add3A_464, %broadcast_in_dim3A_794] : memref<256x128xf32, #tpu.memory_space<vmem>>[vector<16xi32>, vector<16xi32>], vector<16xf32>,
      %exp3A_798 = math.exp %gather3A_797 : vector<16xf32>
      %mul3A_799 = arith.mulf %exp3A_796, %exp3A_798 : vector<16xf32>
      %add3A_800 = arith.addf %add3A_788, %mul3A_799 : vector<16xf32>
      %mul3A_801 = arith.mulf %exp3A_796, %exp3A_796 : vector<16xf32>
      %add3A_802 = arith.addf %add3A_790, %mul3A_801 : vector<16xf32>
      %mul3A_803 = arith.mulf %exp3A_798, %exp3A_798 : vector<16xf32>
      %add3A_804 = arith.addf %add3A_792, %mul3A_803 : vector<16xf32>
      %broadcast_in_dim3A_805 = arith.constant 28 : i32
      %broadcast_in_dim3A_806 = vector.broadcast %broadcast_in_dim3A_805 : i32 to vector<16xi32>
      %gather3A_807 = tpu.vector_load_idx %arg9[%add3A_464, %broadcast_in_dim3A_806] : memref<256x128xf32, #tpu.memory_space<vmem>>[vector<16xi32>, vector<16xi32>], vector<16xf32>,
      %exp3A_808 = math.exp %gather3A_807 : vector<16xf32>
      %gather3A_809 = tpu.vector_load_idx %arg10[%add3A_464, %broadcast_in_dim3A_806] : memref<256x128xf32, #tpu.memory_space<vmem>>[vector<16xi32>, vector<16xi32>], vector<16xf32>,
      %exp3A_810 = math.exp %gather3A_809 : vector<16xf32>
      %mul3A_811 = arith.mulf %exp3A_808, %exp3A_810 : vector<16xf32>
      %add3A_812 = arith.addf %add3A_800, %mul3A_811 : vector<16xf32>
      %mul3A_813 = arith.mulf %exp3A_808, %exp3A_808 : vector<16xf32>
      %add3A_814 = arith.addf %add3A_802, %mul3A_813 : vector<16xf32>
      %mul3A_815 = arith.mulf %exp3A_810, %exp3A_810 : vector<16xf32>
      %add3A_816 = arith.addf %add3A_804, %mul3A_815 : vector<16xf32>
      %broadcast_in_dim3A_817 = arith.constant 29 : i32
      %broadcast_in_dim3A_818 = vector.broadcast %broadcast_in_dim3A_817 : i32 to vector<16xi32>
      %gather3A_819 = tpu.vector_load_idx %arg9[%add3A_464, %broadcast_in_dim3A_818] : memref<256x128xf32, #tpu.memory_space<vmem>>[vector<16xi32>, vector<16xi32>], vector<16xf32>,
      %exp3A_820 = math.exp %gather3A_819 : vector<16xf32>
      %gather3A_821 = tpu.vector_load_idx %arg10[%add3A_464, %broadcast_in_dim3A_818] : memref<256x128xf32, #tpu.memory_space<vmem>>[vector<16xi32>, vector<16xi32>], vector<16xf32>,
      %exp3A_822 = math.exp %gather3A_821 : vector<16xf32>
      %mul3A_823 = arith.mulf %exp3A_820, %exp3A_822 : vector<16xf32>
      %add3A_824 = arith.addf %add3A_812, %mul3A_823 : vector<16xf32>
      %mul3A_825 = arith.mulf %exp3A_820, %exp3A_820 : vector<16xf32>
      %add3A_826 = arith.addf %add3A_814, %mul3A_825 : vector<16xf32>
      %mul3A_827 = arith.mulf %exp3A_822, %exp3A_822 : vector<16xf32>
      %add3A_828 = arith.addf %add3A_816, %mul3A_827 : vector<16xf32>
      %broadcast_in_dim3A_829 = arith.constant 30 : i32
      %broadcast_in_dim3A_830 = vector.broadcast %broadcast_in_dim3A_829 : i32 to vector<16xi32>
      %gather3A_831 = tpu.vector_load_idx %arg9[%add3A_464, %broadcast_in_dim3A_830] : memref<256x128xf32, #tpu.memory_space<vmem>>[vector<16xi32>, vector<16xi32>], vector<16xf32>,
      %exp3A_832 = math.exp %gather3A_831 : vector<16xf32>
      %gather3A_833 = tpu.vector_load_idx %arg10[%add3A_464, %broadcast_in_dim3A_830] : memref<256x128xf32, #tpu.memory_space<vmem>>[vector<16xi32>, vector<16xi32>], vector<16xf32>,
      %exp3A_834 = math.exp %gather3A_833 : vector<16xf32>
      %mul3A_835 = arith.mulf %exp3A_832, %exp3A_834 : vector<16xf32>
      %add3A_836 = arith.addf %add3A_824, %mul3A_835 : vector<16xf32>
      %mul3A_837 = arith.mulf %exp3A_832, %exp3A_832 : vector<16xf32>
      %add3A_838 = arith.addf %add3A_826, %mul3A_837 : vector<16xf32>
      %mul3A_839 = arith.mulf %exp3A_834, %exp3A_834 : vector<16xf32>
      %add3A_840 = arith.addf %add3A_828, %mul3A_839 : vector<16xf32>
      %broadcast_in_dim3A_841 = arith.constant 31 : i32
      %broadcast_in_dim3A_842 = vector.broadcast %broadcast_in_dim3A_841 : i32 to vector<16xi32>
      %gather3A_843 = tpu.vector_load_idx %arg9[%add3A_464, %broadcast_in_dim3A_842] : memref<256x128xf32, #tpu.memory_space<vmem>>[vector<16xi32>, vector<16xi32>], vector<16xf32>,
      %exp3A_844 = math.exp %gather3A_843 : vector<16xf32>
      %gather3A_845 = tpu.vector_load_idx %arg10[%add3A_464, %broadcast_in_dim3A_842] : memref<256x128xf32, #tpu.memory_space<vmem>>[vector<16xi32>, vector<16xi32>], vector<16xf32>,
      %exp3A_846 = math.exp %gather3A_845 : vector<16xf32>
      %mul3A_847 = arith.mulf %exp3A_844, %exp3A_846 : vector<16xf32>
      %add3A_848 = arith.addf %add3A_836, %mul3A_847 : vector<16xf32>
      %mul3A_849 = arith.mulf %exp3A_844, %exp3A_844 : vector<16xf32>
      %add3A_850 = arith.addf %add3A_838, %mul3A_849 : vector<16xf32>
      %mul3A_851 = arith.mulf %exp3A_846, %exp3A_846 : vector<16xf32>
      %add3A_852 = arith.addf %add3A_840, %mul3A_851 : vector<16xf32>
      %broadcast_in_dim3A_853 = arith.constant 32 : i32
      %broadcast_in_dim3A_854 = vector.broadcast %broadcast_in_dim3A_853 : i32 to vector<16xi32>
      %gather3A_855 = tpu.vector_load_idx %arg9[%add3A_464, %broadcast_in_dim3A_854] : memref<256x128xf32, #tpu.memory_space<vmem>>[vector<16xi32>, vector<16xi32>], vector<16xf32>,
      %exp3A_856 = math.exp %gather3A_855 : vector<16xf32>
      %gather3A_857 = tpu.vector_load_idx %arg10[%add3A_464, %broadcast_in_dim3A_854] : memref<256x128xf32, #tpu.memory_space<vmem>>[vector<16xi32>, vector<16xi32>], vector<16xf32>,
      %exp3A_858 = math.exp %gather3A_857 : vector<16xf32>
      %mul3A_859 = arith.mulf %exp3A_856, %exp3A_858 : vector<16xf32>
      %add3A_860 = arith.addf %add3A_848, %mul3A_859 : vector<16xf32>
      %mul3A_861 = arith.mulf %exp3A_856, %exp3A_856 : vector<16xf32>
      %add3A_862 = arith.addf %add3A_850, %mul3A_861 : vector<16xf32>
      %mul3A_863 = arith.mulf %exp3A_858, %exp3A_858 : vector<16xf32>
      %add3A_864 = arith.addf %add3A_852, %mul3A_863 : vector<16xf32>
      %broadcast_in_dim3A_865 = arith.constant 33 : i32
      %broadcast_in_dim3A_866 = vector.broadcast %broadcast_in_dim3A_865 : i32 to vector<16xi32>
      %gather3A_867 = tpu.vector_load_idx %arg9[%add3A_464, %broadcast_in_dim3A_866] : memref<256x128xf32, #tpu.memory_space<vmem>>[vector<16xi32>, vector<16xi32>], vector<16xf32>,
      %exp3A_868 = math.exp %gather3A_867 : vector<16xf32>
      %gather3A_869 = tpu.vector_load_idx %arg10[%add3A_464, %broadcast_in_dim3A_866] : memref<256x128xf32, #tpu.memory_space<vmem>>[vector<16xi32>, vector<16xi32>], vector<16xf32>,
      %exp3A_870 = math.exp %gather3A_869 : vector<16xf32>
      %mul3A_871 = arith.mulf %exp3A_868, %exp3A_870 : vector<16xf32>
      %add3A_872 = arith.addf %add3A_860, %mul3A_871 : vector<16xf32>
      %mul3A_873 = arith.mulf %exp3A_868, %exp3A_868 : vector<16xf32>
      %add3A_874 = arith.addf %add3A_862, %mul3A_873 : vector<16xf32>
      %mul3A_875 = arith.mulf %exp3A_870, %exp3A_870 : vector<16xf32>
      %add3A_876 = arith.addf %add3A_864, %mul3A_875 : vector<16xf32>
      %broadcast_in_dim3A_877 = arith.constant 34 : i32
      %broadcast_in_dim3A_878 = vector.broadcast %broadcast_in_dim3A_877 : i32 to vector<16xi32>
      %gather3A_879 = tpu.vector_load_idx %arg9[%add3A_464, %broadcast_in_dim3A_878] : memref<256x128xf32, #tpu.memory_space<vmem>>[vector<16xi32>, vector<16xi32>], vector<16xf32>,
      %exp3A_880 = math.exp %gather3A_879 : vector<16xf32>
      %gather3A_881 = tpu.vector_load_idx %arg10[%add3A_464, %broadcast_in_dim3A_878] : memref<256x128xf32, #tpu.memory_space<vmem>>[vector<16xi32>, vector<16xi32>], vector<16xf32>,
      %exp3A_882 = math.exp %gather3A_881 : vector<16xf32>
      %mul3A_883 = arith.mulf %exp3A_880, %exp3A_882 : vector<16xf32>
      %add3A_884 = arith.addf %add3A_872, %mul3A_883 : vector<16xf32>
      %mul3A_885 = arith.mulf %exp3A_880, %exp3A_880 : vector<16xf32>
      %add3A_886 = arith.addf %add3A_874, %mul3A_885 : vector<16xf32>
      %mul3A_887 = arith.mulf %exp3A_882, %exp3A_882 : vector<16xf32>
      %add3A_888 = arith.addf %add3A_876, %mul3A_887 : vector<16xf32>
      %broadcast_in_dim3A_889 = arith.constant 35 : i32
      %broadcast_in_dim3A_890 = vector.broadcast %broadcast_in_dim3A_889 : i32 to vector<16xi32>
      %gather3A_891 = tpu.vector_load_idx %arg9[%add3A_464, %broadcast_in_dim3A_890] : memref<256x128xf32, #tpu.memory_space<vmem>>[vector<16xi32>, vector<16xi32>], vector<16xf32>,
      %exp3A_892 = math.exp %gather3A_891 : vector<16xf32>
      %gather3A_893 = tpu.vector_load_idx %arg10[%add3A_464, %broadcast_in_dim3A_890] : memref<256x128xf32, #tpu.memory_space<vmem>>[vector<16xi32>, vector<16xi32>], vector<16xf32>,
      %exp3A_894 = math.exp %gather3A_893 : vector<16xf32>
      %mul3A_895 = arith.mulf %exp3A_892, %exp3A_894 : vector<16xf32>
      %add3A_896 = arith.addf %add3A_884, %mul3A_895 : vector<16xf32>
      %mul3A_897 = arith.mulf %exp3A_892, %exp3A_892 : vector<16xf32>
      %add3A_898 = arith.addf %add3A_886, %mul3A_897 : vector<16xf32>
      %mul3A_899 = arith.mulf %exp3A_894, %exp3A_894 : vector<16xf32>
      %add3A_900 = arith.addf %add3A_888, %mul3A_899 : vector<16xf32>
      %broadcast_in_dim3A_901 = arith.constant 36 : i32
      %broadcast_in_dim3A_902 = vector.broadcast %broadcast_in_dim3A_901 : i32 to vector<16xi32>
      %gather3A_903 = tpu.vector_load_idx %arg9[%add3A_464, %broadcast_in_dim3A_902] : memref<256x128xf32, #tpu.memory_space<vmem>>[vector<16xi32>, vector<16xi32>], vector<16xf32>,
      %exp3A_904 = math.exp %gather3A_903 : vector<16xf32>
      %gather3A_905 = tpu.vector_load_idx %arg10[%add3A_464, %broadcast_in_dim3A_902] : memref<256x128xf32, #tpu.memory_space<vmem>>[vector<16xi32>, vector<16xi32>], vector<16xf32>,
      %exp3A_906 = math.exp %gather3A_905 : vector<16xf32>
      %mul3A_907 = arith.mulf %exp3A_904, %exp3A_906 : vector<16xf32>
      %add3A_908 = arith.addf %add3A_896, %mul3A_907 : vector<16xf32>
      %mul3A_909 = arith.mulf %exp3A_904, %exp3A_904 : vector<16xf32>
      %add3A_910 = arith.addf %add3A_898, %mul3A_909 : vector<16xf32>
      %mul3A_911 = arith.mulf %exp3A_906, %exp3A_906 : vector<16xf32>
      %add3A_912 = arith.addf %add3A_900, %mul3A_911 : vector<16xf32>
      %broadcast_in_dim3A_913 = arith.constant 37 : i32
      %broadcast_in_dim3A_914 = vector.broadcast %broadcast_in_dim3A_913 : i32 to vector<16xi32>
      %gather3A_915 = tpu.vector_load_idx %arg9[%add3A_464, %broadcast_in_dim3A_914] : memref<256x128xf32, #tpu.memory_space<vmem>>[vector<16xi32>, vector<16xi32>], vector<16xf32>,
      %exp3A_916 = math.exp %gather3A_915 : vector<16xf32>
      %gather3A_917 = tpu.vector_load_idx %arg10[%add3A_464, %broadcast_in_dim3A_914] : memref<256x128xf32, #tpu.memory_space<vmem>>[vector<16xi32>, vector<16xi32>], vector<16xf32>,
      %exp3A_918 = math.exp %gather3A_917 : vector<16xf32>
      %mul3A_919 = arith.mulf %exp3A_916, %exp3A_918 : vector<16xf32>
      %add3A_920 = arith.addf %add3A_908, %mul3A_919 : vector<16xf32>
      %mul3A_921 = arith.mulf %exp3A_916, %exp3A_916 : vector<16xf32>
      %add3A_922 = arith.addf %add3A_910, %mul3A_921 : vector<16xf32>
      %mul3A_923 = arith.mulf %exp3A_918, %exp3A_918 : vector<16xf32>
      %add3A_924 = arith.addf %add3A_912, %mul3A_923 : vector<16xf32>
      %broadcast_in_dim3A_925 = arith.constant 38 : i32
      %broadcast_in_dim3A_926 = vector.broadcast %broadcast_in_dim3A_925 : i32 to vector<16xi32>
      %gather3A_927 = tpu.vector_load_idx %arg9[%add3A_464, %broadcast_in_dim3A_926] : memref<256x128xf32, #tpu.memory_space<vmem>>[vector<16xi32>, vector<16xi32>], vector<16xf32>,
      %exp3A_928 = math.exp %gather3A_927 : vector<16xf32>
      %gather3A_929 = tpu.vector_load_idx %arg10[%add3A_464, %broadcast_in_dim3A_926] : memref<256x128xf32, #tpu.memory_space<vmem>>[vector<16xi32>, vector<16xi32>], vector<16xf32>,
      %exp3A_930 = math.exp %gather3A_929 : vector<16xf32>
      %mul3A_931 = arith.mulf %exp3A_928, %exp3A_930 : vector<16xf32>
      %add3A_932 = arith.addf %add3A_920, %mul3A_931 : vector<16xf32>
      %mul3A_933 = arith.mulf %exp3A_928, %exp3A_928 : vector<16xf32>
      %add3A_934 = arith.addf %add3A_922, %mul3A_933 : vector<16xf32>
      %mul3A_935 = arith.mulf %exp3A_930, %exp3A_930 : vector<16xf32>
      %add3A_936 = arith.addf %add3A_924, %mul3A_935 : vector<16xf32>
      %broadcast_in_dim3A_937 = arith.constant 39 : i32
      %broadcast_in_dim3A_938 = vector.broadcast %broadcast_in_dim3A_937 : i32 to vector<16xi32>
      %gather3A_939 = tpu.vector_load_idx %arg9[%add3A_464, %broadcast_in_dim3A_938] : memref<256x128xf32, #tpu.memory_space<vmem>>[vector<16xi32>, vector<16xi32>], vector<16xf32>,
      %exp3A_940 = math.exp %gather3A_939 : vector<16xf32>
      %gather3A_941 = tpu.vector_load_idx %arg10[%add3A_464, %broadcast_in_dim3A_938] : memref<256x128xf32, #tpu.memory_space<vmem>>[vector<16xi32>, vector<16xi32>], vector<16xf32>,
      %exp3A_942 = math.exp %gather3A_941 : vector<16xf32>
      %mul3A_943 = arith.mulf %exp3A_940, %exp3A_942 : vector<16xf32>
      %add3A_944 = arith.addf %add3A_932, %mul3A_943 : vector<16xf32>
      %mul3A_945 = arith.mulf %exp3A_940, %exp3A_940 : vector<16xf32>
      %add3A_946 = arith.addf %add3A_934, %mul3A_945 : vector<16xf32>
      %mul3A_947 = arith.mulf %exp3A_942, %exp3A_942 : vector<16xf32>
      %add3A_948 = arith.addf %add3A_936, %mul3A_947 : vector<16xf32>
      %broadcast_in_dim3A_949 = arith.constant 40 : i32
      %broadcast_in_dim3A_950 = vector.broadcast %broadcast_in_dim3A_949 : i32 to vector<16xi32>
      %gather3A_951 = tpu.vector_load_idx %arg9[%add3A_464, %broadcast_in_dim3A_950] : memref<256x128xf32, #tpu.memory_space<vmem>>[vector<16xi32>, vector<16xi32>], vector<16xf32>,
      %exp3A_952 = math.exp %gather3A_951 : vector<16xf32>
      %gather3A_953 = tpu.vector_load_idx %arg10[%add3A_464, %broadcast_in_dim3A_950] : memref<256x128xf32, #tpu.memory_space<vmem>>[vector<16xi32>, vector<16xi32>], vector<16xf32>,
      %exp3A_954 = math.exp %gather3A_953 : vector<16xf32>
      %mul3A_955 = arith.mulf %exp3A_952, %exp3A_954 : vector<16xf32>
      %add3A_956 = arith.addf %add3A_944, %mul3A_955 : vector<16xf32>
      %mul3A_957 = arith.mulf %exp3A_952, %exp3A_952 : vector<16xf32>
      %add3A_958 = arith.addf %add3A_946, %mul3A_957 : vector<16xf32>
      %mul3A_959 = arith.mulf %exp3A_954, %exp3A_954 : vector<16xf32>
      %add3A_960 = arith.addf %add3A_948, %mul3A_959 : vector<16xf32>
      %broadcast_in_dim3A_961 = arith.constant 41 : i32
      %broadcast_in_dim3A_962 = vector.broadcast %broadcast_in_dim3A_961 : i32 to vector<16xi32>
      %gather3A_963 = tpu.vector_load_idx %arg9[%add3A_464, %broadcast_in_dim3A_962] : memref<256x128xf32, #tpu.memory_space<vmem>>[vector<16xi32>, vector<16xi32>], vector<16xf32>,
      %exp3A_964 = math.exp %gather3A_963 : vector<16xf32>
      %gather3A_965 = tpu.vector_load_idx %arg10[%add3A_464, %broadcast_in_dim3A_962] : memref<256x128xf32, #tpu.memory_space<vmem>>[vector<16xi32>, vector<16xi32>], vector<16xf32>,
      %exp3A_966 = math.exp %gather3A_965 : vector<16xf32>
      %mul3A_967 = arith.mulf %exp3A_964, %exp3A_966 : vector<16xf32>
      %add3A_968 = arith.addf %add3A_956, %mul3A_967 : vector<16xf32>
      %mul3A_969 = arith.mulf %exp3A_964, %exp3A_964 : vector<16xf32>
      %add3A_970 = arith.addf %add3A_958, %mul3A_969 : vector<16xf32>
      %mul3A_971 = arith.mulf %exp3A_966, %exp3A_966 : vector<16xf32>
      %add3A_972 = arith.addf %add3A_960, %mul3A_971 : vector<16xf32>
      %broadcast_in_dim3A_973 = arith.constant 42 : i32
      %broadcast_in_dim3A_974 = vector.broadcast %broadcast_in_dim3A_973 : i32 to vector<16xi32>
      %gather3A_975 = tpu.vector_load_idx %arg9[%add3A_464, %broadcast_in_dim3A_974] : memref<256x128xf32, #tpu.memory_space<vmem>>[vector<16xi32>, vector<16xi32>], vector<16xf32>,
      %exp3A_976 = math.exp %gather3A_975 : vector<16xf32>
      %gather3A_977 = tpu.vector_load_idx %arg10[%add3A_464, %broadcast_in_dim3A_974] : memref<256x128xf32, #tpu.memory_space<vmem>>[vector<16xi32>, vector<16xi32>], vector<16xf32>,
      %exp3A_978 = math.exp %gather3A_977 : vector<16xf32>
      %mul3A_979 = arith.mulf %exp3A_976, %exp3A_978 : vector<16xf32>
      %add3A_980 = arith.addf %add3A_968, %mul3A_979 : vector<16xf32>
      %mul3A_981 = arith.mulf %exp3A_976, %exp3A_976 : vector<16xf32>
      %add3A_982 = arith.addf %add3A_970, %mul3A_981 : vector<16xf32>
      %mul3A_983 = arith.mulf %exp3A_978, %exp3A_978 : vector<16xf32>
      %add3A_984 = arith.addf %add3A_972, %mul3A_983 : vector<16xf32>
      %broadcast_in_dim3A_985 = arith.constant 43 : i32
      %broadcast_in_dim3A_986 = vector.broadcast %broadcast_in_dim3A_985 : i32 to vector<16xi32>
      %gather3A_987 = tpu.vector_load_idx %arg9[%add3A_464, %broadcast_in_dim3A_986] : memref<256x128xf32, #tpu.memory_space<vmem>>[vector<16xi32>, vector<16xi32>], vector<16xf32>,
      %exp3A_988 = math.exp %gather3A_987 : vector<16xf32>
      %gather3A_989 = tpu.vector_load_idx %arg10[%add3A_464, %broadcast_in_dim3A_986] : memref<256x128xf32, #tpu.memory_space<vmem>>[vector<16xi32>, vector<16xi32>], vector<16xf32>,
      %exp3A_990 = math.exp %gather3A_989 : vector<16xf32>
      %mul3A_991 = arith.mulf %exp3A_988, %exp3A_990 : vector<16xf32>
      %add3A_992 = arith.addf %add3A_980, %mul3A_991 : vector<16xf32>
      %mul3A_993 = arith.mulf %exp3A_988, %exp3A_988 : vector<16xf32>
      %add3A_994 = arith.addf %add3A_982, %mul3A_993 : vector<16xf32>
      %mul3A_995 = arith.mulf %exp3A_990, %exp3A_990 : vector<16xf32>
      %add3A_996 = arith.addf %add3A_984, %mul3A_995 : vector<16xf32>
      %broadcast_in_dim3A_997 = arith.constant 44 : i32
      %broadcast_in_dim3A_998 = vector.broadcast %broadcast_in_dim3A_997 : i32 to vector<16xi32>
      %gather3A_999 = tpu.vector_load_idx %arg9[%add3A_464, %broadcast_in_dim3A_998] : memref<256x128xf32, #tpu.memory_space<vmem>>[vector<16xi32>, vector<16xi32>], vector<16xf32>,
      %exp3A_1000 = math.exp %gather3A_999 : vector<16xf32>
      %gather3A_1001 = tpu.vector_load_idx %arg10[%add3A_464, %broadcast_in_dim3A_998] : memref<256x128xf32, #tpu.memory_space<vmem>>[vector<16xi32>, vector<16xi32>], vector<16xf32>,
      %exp3A_1002 = math.exp %gather3A_1001 : vector<16xf32>
      %mul3A_1003 = arith.mulf %exp3A_1000, %exp3A_1002 : vector<16xf32>
      %add3A_1004 = arith.addf %add3A_992, %mul3A_1003 : vector<16xf32>
      %mul3A_1005 = arith.mulf %exp3A_1000, %exp3A_1000 : vector<16xf32>
      %add3A_1006 = arith.addf %add3A_994, %mul3A_1005 : vector<16xf32>
      %mul3A_1007 = arith.mulf %exp3A_1002, %exp3A_1002 : vector<16xf32>
      %add3A_1008 = arith.addf %add3A_996, %mul3A_1007 : vector<16xf32>
      %broadcast_in_dim3A_1009 = arith.constant 45 : i32
      %broadcast_in_dim3A_1010 = vector.broadcast %broadcast_in_dim3A_1009 : i32 to vector<16xi32>
      %gather3A_1011 = tpu.vector_load_idx %arg9[%add3A_464, %broadcast_in_dim3A_1010] : memref<256x128xf32, #tpu.memory_space<vmem>>[vector<16xi32>, vector<16xi32>], vector<16xf32>,
      %exp3A_1012 = math.exp %gather3A_1011 : vector<16xf32>
      %gather3A_1013 = tpu.vector_load_idx %arg10[%add3A_464, %broadcast_in_dim3A_1010] : memref<256x128xf32, #tpu.memory_space<vmem>>[vector<16xi32>, vector<16xi32>], vector<16xf32>,
      %exp3A_1014 = math.exp %gather3A_1013 : vector<16xf32>
      %mul3A_1015 = arith.mulf %exp3A_1012, %exp3A_1014 : vector<16xf32>
      %add3A_1016 = arith.addf %add3A_1004, %mul3A_1015 : vector<16xf32>
      %mul3A_1017 = arith.mulf %exp3A_1012, %exp3A_1012 : vector<16xf32>
      %add3A_1018 = arith.addf %add3A_1006, %mul3A_1017 : vector<16xf32>
      %mul3A_1019 = arith.mulf %exp3A_1014, %exp3A_1014 : vector<16xf32>
      %add3A_1020 = arith.addf %add3A_1008, %mul3A_1019 : vector<16xf32>
      %broadcast_in_dim3A_1021 = arith.constant 46 : i32
      %broadcast_in_dim3A_1022 = vector.broadcast %broadcast_in_dim3A_1021 : i32 to vector<16xi32>
      %gather3A_1023 = tpu.vector_load_idx %arg9[%add3A_464, %broadcast_in_dim3A_1022] : memref<256x128xf32, #tpu.memory_space<vmem>>[vector<16xi32>, vector<16xi32>], vector<16xf32>,
      %exp3A_1024 = math.exp %gather3A_1023 : vector<16xf32>
      %gather3A_1025 = tpu.vector_load_idx %arg10[%add3A_464, %broadcast_in_dim3A_1022] : memref<256x128xf32, #tpu.memory_space<vmem>>[vector<16xi32>, vector<16xi32>], vector<16xf32>,
      %exp3A_1026 = math.exp %gather3A_1025 : vector<16xf32>
      %mul3A_1027 = arith.mulf %exp3A_1024, %exp3A_1026 : vector<16xf32>
      %add3A_1028 = arith.addf %add3A_1016, %mul3A_1027 : vector<16xf32>
      %mul3A_1029 = arith.mulf %exp3A_1024, %exp3A_1024 : vector<16xf32>
      %add3A_1030 = arith.addf %add3A_1018, %mul3A_1029 : vector<16xf32>
      %mul3A_1031 = arith.mulf %exp3A_1026, %exp3A_1026 : vector<16xf32>
      %add3A_1032 = arith.addf %add3A_1020, %mul3A_1031 : vector<16xf32>
      %broadcast_in_dim3A_1033 = arith.constant 47 : i32
      %broadcast_in_dim3A_1034 = vector.broadcast %broadcast_in_dim3A_1033 : i32 to vector<16xi32>
      %gather3A_1035 = tpu.vector_load_idx %arg9[%add3A_464, %broadcast_in_dim3A_1034] : memref<256x128xf32, #tpu.memory_space<vmem>>[vector<16xi32>, vector<16xi32>], vector<16xf32>,
      %exp3A_1036 = math.exp %gather3A_1035 : vector<16xf32>
      %gather3A_1037 = tpu.vector_load_idx %arg10[%add3A_464, %broadcast_in_dim3A_1034] : memref<256x128xf32, #tpu.memory_space<vmem>>[vector<16xi32>, vector<16xi32>], vector<16xf32>,
      %exp3A_1038 = math.exp %gather3A_1037 : vector<16xf32>
      %mul3A_1039 = arith.mulf %exp3A_1036, %exp3A_1038 : vector<16xf32>
      %add3A_1040 = arith.addf %add3A_1028, %mul3A_1039 : vector<16xf32>
      %mul3A_1041 = arith.mulf %exp3A_1036, %exp3A_1036 : vector<16xf32>
      %add3A_1042 = arith.addf %add3A_1030, %mul3A_1041 : vector<16xf32>
      %mul3A_1043 = arith.mulf %exp3A_1038, %exp3A_1038 : vector<16xf32>
      %add3A_1044 = arith.addf %add3A_1032, %mul3A_1043 : vector<16xf32>
      %broadcast_in_dim3A_1045 = arith.constant 48 : i32
      %broadcast_in_dim3A_1046 = vector.broadcast %broadcast_in_dim3A_1045 : i32 to vector<16xi32>
      %gather3A_1047 = tpu.vector_load_idx %arg9[%add3A_464, %broadcast_in_dim3A_1046] : memref<256x128xf32, #tpu.memory_space<vmem>>[vector<16xi32>, vector<16xi32>], vector<16xf32>,
      %exp3A_1048 = math.exp %gather3A_1047 : vector<16xf32>
      %gather3A_1049 = tpu.vector_load_idx %arg10[%add3A_464, %broadcast_in_dim3A_1046] : memref<256x128xf32, #tpu.memory_space<vmem>>[vector<16xi32>, vector<16xi32>], vector<16xf32>,
      %exp3A_1050 = math.exp %gather3A_1049 : vector<16xf32>
      %mul3A_1051 = arith.mulf %exp3A_1048, %exp3A_1050 : vector<16xf32>
      %add3A_1052 = arith.addf %add3A_1040, %mul3A_1051 : vector<16xf32>
      %mul3A_1053 = arith.mulf %exp3A_1048, %exp3A_1048 : vector<16xf32>
      %add3A_1054 = arith.addf %add3A_1042, %mul3A_1053 : vector<16xf32>
      %mul3A_1055 = arith.mulf %exp3A_1050, %exp3A_1050 : vector<16xf32>
      %add3A_1056 = arith.addf %add3A_1044, %mul3A_1055 : vector<16xf32>
      %broadcast_in_dim3A_1057 = arith.constant 49 : i32
      %broadcast_in_dim3A_1058 = vector.broadcast %broadcast_in_dim3A_1057 : i32 to vector<16xi32>
      %gather3A_1059 = tpu.vector_load_idx %arg9[%add3A_464, %broadcast_in_dim3A_1058] : memref<256x128xf32, #tpu.memory_space<vmem>>[vector<16xi32>, vector<16xi32>], vector<16xf32>,
      %exp3A_1060 = math.exp %gather3A_1059 : vector<16xf32>
      %gather3A_1061 = tpu.vector_load_idx %arg10[%add3A_464, %broadcast_in_dim3A_1058] : memref<256x128xf32, #tpu.memory_space<vmem>>[vector<16xi32>, vector<16xi32>], vector<16xf32>,
      %exp3A_1062 = math.exp %gather3A_1061 : vector<16xf32>
      %mul3A_1063 = arith.mulf %exp3A_1060, %exp3A_1062 : vector<16xf32>
      %add3A_1064 = arith.addf %add3A_1052, %mul3A_1063 : vector<16xf32>
      %mul3A_1065 = arith.mulf %exp3A_1060, %exp3A_1060 : vector<16xf32>
      %add3A_1066 = arith.addf %add3A_1054, %mul3A_1065 : vector<16xf32>
      %mul3A_1067 = arith.mulf %exp3A_1062, %exp3A_1062 : vector<16xf32>
      %add3A_1068 = arith.addf %add3A_1056, %mul3A_1067 : vector<16xf32>
      %broadcast_in_dim3A_1069 = arith.constant 50 : i32
      %broadcast_in_dim3A_1070 = vector.broadcast %broadcast_in_dim3A_1069 : i32 to vector<16xi32>
      %gather3A_1071 = tpu.vector_load_idx %arg9[%add3A_464, %broadcast_in_dim3A_1070] : memref<256x128xf32, #tpu.memory_space<vmem>>[vector<16xi32>, vector<16xi32>], vector<16xf32>,
      %exp3A_1072 = math.exp %gather3A_1071 : vector<16xf32>
      %gather3A_1073 = tpu.vector_load_idx %arg10[%add3A_464, %broadcast_in_dim3A_1070] : memref<256x128xf32, #tpu.memory_space<vmem>>[vector<16xi32>, vector<16xi32>], vector<16xf32>,
      %exp3A_1074 = math.exp %gather3A_1073 : vector<16xf32>
      %mul3A_1075 = arith.mulf %exp3A_1072, %exp3A_1074 : vector<16xf32>
      %add3A_1076 = arith.addf %add3A_1064, %mul3A_1075 : vector<16xf32>
      %mul3A_1077 = arith.mulf %exp3A_1072, %exp3A_1072 : vector<16xf32>
      %add3A_1078 = arith.addf %add3A_1066, %mul3A_1077 : vector<16xf32>
      %mul3A_1079 = arith.mulf %exp3A_1074, %exp3A_1074 : vector<16xf32>
      %add3A_1080 = arith.addf %add3A_1068, %mul3A_1079 : vector<16xf32>
      %broadcast_in_dim3A_1081 = arith.constant 51 : i32
      %broadcast_in_dim3A_1082 = vector.broadcast %broadcast_in_dim3A_1081 : i32 to vector<16xi32>
      %gather3A_1083 = tpu.vector_load_idx %arg9[%add3A_464, %broadcast_in_dim3A_1082] : memref<256x128xf32, #tpu.memory_space<vmem>>[vector<16xi32>, vector<16xi32>], vector<16xf32>,
      %exp3A_1084 = math.exp %gather3A_1083 : vector<16xf32>
      %gather3A_1085 = tpu.vector_load_idx %arg10[%add3A_464, %broadcast_in_dim3A_1082] : memref<256x128xf32, #tpu.memory_space<vmem>>[vector<16xi32>, vector<16xi32>], vector<16xf32>,
      %exp3A_1086 = math.exp %gather3A_1085 : vector<16xf32>
      %mul3A_1087 = arith.mulf %exp3A_1084, %exp3A_1086 : vector<16xf32>
      %add3A_1088 = arith.addf %add3A_1076, %mul3A_1087 : vector<16xf32>
      %mul3A_1089 = arith.mulf %exp3A_1084, %exp3A_1084 : vector<16xf32>
      %add3A_1090 = arith.addf %add3A_1078, %mul3A_1089 : vector<16xf32>
      %mul3A_1091 = arith.mulf %exp3A_1086, %exp3A_1086 : vector<16xf32>
      %add3A_1092 = arith.addf %add3A_1080, %mul3A_1091 : vector<16xf32>
      %broadcast_in_dim3A_1093 = arith.constant 52 : i32
      %broadcast_in_dim3A_1094 = vector.broadcast %broadcast_in_dim3A_1093 : i32 to vector<16xi32>
      %gather3A_1095 = tpu.vector_load_idx %arg9[%add3A_464, %broadcast_in_dim3A_1094] : memref<256x128xf32, #tpu.memory_space<vmem>>[vector<16xi32>, vector<16xi32>], vector<16xf32>,
      %exp3A_1096 = math.exp %gather3A_1095 : vector<16xf32>
      %gather3A_1097 = tpu.vector_load_idx %arg10[%add3A_464, %broadcast_in_dim3A_1094] : memref<256x128xf32, #tpu.memory_space<vmem>>[vector<16xi32>, vector<16xi32>], vector<16xf32>,
      %exp3A_1098 = math.exp %gather3A_1097 : vector<16xf32>
      %mul3A_1099 = arith.mulf %exp3A_1096, %exp3A_1098 : vector<16xf32>
      %add3A_1100 = arith.addf %add3A_1088, %mul3A_1099 : vector<16xf32>
      %mul3A_1101 = arith.mulf %exp3A_1096, %exp3A_1096 : vector<16xf32>
      %add3A_1102 = arith.addf %add3A_1090, %mul3A_1101 : vector<16xf32>
      %mul3A_1103 = arith.mulf %exp3A_1098, %exp3A_1098 : vector<16xf32>
      %add3A_1104 = arith.addf %add3A_1092, %mul3A_1103 : vector<16xf32>
      %broadcast_in_dim3A_1105 = arith.constant 53 : i32
      %broadcast_in_dim3A_1106 = vector.broadcast %broadcast_in_dim3A_1105 : i32 to vector<16xi32>
      %gather3A_1107 = tpu.vector_load_idx %arg9[%add3A_464, %broadcast_in_dim3A_1106] : memref<256x128xf32, #tpu.memory_space<vmem>>[vector<16xi32>, vector<16xi32>], vector<16xf32>,
      %exp3A_1108 = math.exp %gather3A_1107 : vector<16xf32>
      %gather3A_1109 = tpu.vector_load_idx %arg10[%add3A_464, %broadcast_in_dim3A_1106] : memref<256x128xf32, #tpu.memory_space<vmem>>[vector<16xi32>, vector<16xi32>], vector<16xf32>,
      %exp3A_1110 = math.exp %gather3A_1109 : vector<16xf32>
      %mul3A_1111 = arith.mulf %exp3A_1108, %exp3A_1110 : vector<16xf32>
      %add3A_1112 = arith.addf %add3A_1100, %mul3A_1111 : vector<16xf32>
      %mul3A_1113 = arith.mulf %exp3A_1108, %exp3A_1108 : vector<16xf32>
      %add3A_1114 = arith.addf %add3A_1102, %mul3A_1113 : vector<16xf32>
      %mul3A_1115 = arith.mulf %exp3A_1110, %exp3A_1110 : vector<16xf32>
      %add3A_1116 = arith.addf %add3A_1104, %mul3A_1115 : vector<16xf32>
      %broadcast_in_dim3A_1117 = arith.constant 54 : i32
      %broadcast_in_dim3A_1118 = vector.broadcast %broadcast_in_dim3A_1117 : i32 to vector<16xi32>
      %gather3A_1119 = tpu.vector_load_idx %arg9[%add3A_464, %broadcast_in_dim3A_1118] : memref<256x128xf32, #tpu.memory_space<vmem>>[vector<16xi32>, vector<16xi32>], vector<16xf32>,
      %exp3A_1120 = math.exp %gather3A_1119 : vector<16xf32>
      %gather3A_1121 = tpu.vector_load_idx %arg10[%add3A_464, %broadcast_in_dim3A_1118] : memref<256x128xf32, #tpu.memory_space<vmem>>[vector<16xi32>, vector<16xi32>], vector<16xf32>,
      %exp3A_1122 = math.exp %gather3A_1121 : vector<16xf32>
      %mul3A_1123 = arith.mulf %exp3A_1120, %exp3A_1122 : vector<16xf32>
      %add3A_1124 = arith.addf %add3A_1112, %mul3A_1123 : vector<16xf32>
      %mul3A_1125 = arith.mulf %exp3A_1120, %exp3A_1120 : vector<16xf32>
      %add3A_1126 = arith.addf %add3A_1114, %mul3A_1125 : vector<16xf32>
      %mul3A_1127 = arith.mulf %exp3A_1122, %exp3A_1122 : vector<16xf32>
      %add3A_1128 = arith.addf %add3A_1116, %mul3A_1127 : vector<16xf32>
      %broadcast_in_dim3A_1129 = arith.constant 55 : i32
      %broadcast_in_dim3A_1130 = vector.broadcast %broadcast_in_dim3A_1129 : i32 to vector<16xi32>
      %gather3A_1131 = tpu.vector_load_idx %arg9[%add3A_464, %broadcast_in_dim3A_1130] : memref<256x128xf32, #tpu.memory_space<vmem>>[vector<16xi32>, vector<16xi32>], vector<16xf32>,
      %exp3A_1132 = math.exp %gather3A_1131 : vector<16xf32>
      %gather3A_1133 = tpu.vector_load_idx %arg10[%add3A_464, %broadcast_in_dim3A_1130] : memref<256x128xf32, #tpu.memory_space<vmem>>[vector<16xi32>, vector<16xi32>], vector<16xf32>,
      %exp3A_1134 = math.exp %gather3A_1133 : vector<16xf32>
      %mul3A_1135 = arith.mulf %exp3A_1132, %exp3A_1134 : vector<16xf32>
      %add3A_1136 = arith.addf %add3A_1124, %mul3A_1135 : vector<16xf32>
      %mul3A_1137 = arith.mulf %exp3A_1132, %exp3A_1132 : vector<16xf32>
      %add3A_1138 = arith.addf %add3A_1126, %mul3A_1137 : vector<16xf32>
      %mul3A_1139 = arith.mulf %exp3A_1134, %exp3A_1134 : vector<16xf32>
      %add3A_1140 = arith.addf %add3A_1128, %mul3A_1139 : vector<16xf32>
      %broadcast_in_dim3A_1141 = arith.constant 56 : i32
      %broadcast_in_dim3A_1142 = vector.broadcast %broadcast_in_dim3A_1141 : i32 to vector<16xi32>
      %gather3A_1143 = tpu.vector_load_idx %arg9[%add3A_464, %broadcast_in_dim3A_1142] : memref<256x128xf32, #tpu.memory_space<vmem>>[vector<16xi32>, vector<16xi32>], vector<16xf32>,
      %exp3A_1144 = math.exp %gather3A_1143 : vector<16xf32>
      %gather3A_1145 = tpu.vector_load_idx %arg10[%add3A_464, %broadcast_in_dim3A_1142] : memref<256x128xf32, #tpu.memory_space<vmem>>[vector<16xi32>, vector<16xi32>], vector<16xf32>,
      %exp3A_1146 = math.exp %gather3A_1145 : vector<16xf32>
      %mul3A_1147 = arith.mulf %exp3A_1144, %exp3A_1146 : vector<16xf32>
      %add3A_1148 = arith.addf %add3A_1136, %mul3A_1147 : vector<16xf32>
      %mul3A_1149 = arith.mulf %exp3A_1144, %exp3A_1144 : vector<16xf32>
      %add3A_1150 = arith.addf %add3A_1138, %mul3A_1149 : vector<16xf32>
      %mul3A_1151 = arith.mulf %exp3A_1146, %exp3A_1146 : vector<16xf32>
      %add3A_1152 = arith.addf %add3A_1140, %mul3A_1151 : vector<16xf32>
      %broadcast_in_dim3A_1153 = arith.constant 57 : i32
      %broadcast_in_dim3A_1154 = vector.broadcast %broadcast_in_dim3A_1153 : i32 to vector<16xi32>
      %gather3A_1155 = tpu.vector_load_idx %arg9[%add3A_464, %broadcast_in_dim3A_1154] : memref<256x128xf32, #tpu.memory_space<vmem>>[vector<16xi32>, vector<16xi32>], vector<16xf32>,
      %exp3A_1156 = math.exp %gather3A_1155 : vector<16xf32>
      %gather3A_1157 = tpu.vector_load_idx %arg10[%add3A_464, %broadcast_in_dim3A_1154] : memref<256x128xf32, #tpu.memory_space<vmem>>[vector<16xi32>, vector<16xi32>], vector<16xf32>,
      %exp3A_1158 = math.exp %gather3A_1157 : vector<16xf32>
      %mul3A_1159 = arith.mulf %exp3A_1156, %exp3A_1158 : vector<16xf32>
      %add3A_1160 = arith.addf %add3A_1148, %mul3A_1159 : vector<16xf32>
      %mul3A_1161 = arith.mulf %exp3A_1156, %exp3A_1156 : vector<16xf32>
      %add3A_1162 = arith.addf %add3A_1150, %mul3A_1161 : vector<16xf32>
      %mul3A_1163 = arith.mulf %exp3A_1158, %exp3A_1158 : vector<16xf32>
      %add3A_1164 = arith.addf %add3A_1152, %mul3A_1163 : vector<16xf32>
      %broadcast_in_dim3A_1165 = arith.constant 58 : i32
      %broadcast_in_dim3A_1166 = vector.broadcast %broadcast_in_dim3A_1165 : i32 to vector<16xi32>
      %gather3A_1167 = tpu.vector_load_idx %arg9[%add3A_464, %broadcast_in_dim3A_1166] : memref<256x128xf32, #tpu.memory_space<vmem>>[vector<16xi32>, vector<16xi32>], vector<16xf32>,
      %exp3A_1168 = math.exp %gather3A_1167 : vector<16xf32>
      %gather3A_1169 = tpu.vector_load_idx %arg10[%add3A_464, %broadcast_in_dim3A_1166] : memref<256x128xf32, #tpu.memory_space<vmem>>[vector<16xi32>, vector<16xi32>], vector<16xf32>,
      %exp3A_1170 = math.exp %gather3A_1169 : vector<16xf32>
      %mul3A_1171 = arith.mulf %exp3A_1168, %exp3A_1170 : vector<16xf32>
      %add3A_1172 = arith.addf %add3A_1160, %mul3A_1171 : vector<16xf32>
      %mul3A_1173 = arith.mulf %exp3A_1168, %exp3A_1168 : vector<16xf32>
      %add3A_1174 = arith.addf %add3A_1162, %mul3A_1173 : vector<16xf32>
      %mul3A_1175 = arith.mulf %exp3A_1170, %exp3A_1170 : vector<16xf32>
      %add3A_1176 = arith.addf %add3A_1164, %mul3A_1175 : vector<16xf32>
      %broadcast_in_dim3A_1177 = arith.constant 59 : i32
      %broadcast_in_dim3A_1178 = vector.broadcast %broadcast_in_dim3A_1177 : i32 to vector<16xi32>
      %gather3A_1179 = tpu.vector_load_idx %arg9[%add3A_464, %broadcast_in_dim3A_1178] : memref<256x128xf32, #tpu.memory_space<vmem>>[vector<16xi32>, vector<16xi32>], vector<16xf32>,
      %exp3A_1180 = math.exp %gather3A_1179 : vector<16xf32>
      %gather3A_1181 = tpu.vector_load_idx %arg10[%add3A_464, %broadcast_in_dim3A_1178] : memref<256x128xf32, #tpu.memory_space<vmem>>[vector<16xi32>, vector<16xi32>], vector<16xf32>,
      %exp3A_1182 = math.exp %gather3A_1181 : vector<16xf32>
      %mul3A_1183 = arith.mulf %exp3A_1180, %exp3A_1182 : vector<16xf32>
      %add3A_1184 = arith.addf %add3A_1172, %mul3A_1183 : vector<16xf32>
      %mul3A_1185 = arith.mulf %exp3A_1180, %exp3A_1180 : vector<16xf32>
      %add3A_1186 = arith.addf %add3A_1174, %mul3A_1185 : vector<16xf32>
      %mul3A_1187 = arith.mulf %exp3A_1182, %exp3A_1182 : vector<16xf32>
      %add3A_1188 = arith.addf %add3A_1176, %mul3A_1187 : vector<16xf32>
      %broadcast_in_dim3A_1189 = arith.constant 60 : i32
      %broadcast_in_dim3A_1190 = vector.broadcast %broadcast_in_dim3A_1189 : i32 to vector<16xi32>
      %gather3A_1191 = tpu.vector_load_idx %arg9[%add3A_464, %broadcast_in_dim3A_1190] : memref<256x128xf32, #tpu.memory_space<vmem>>[vector<16xi32>, vector<16xi32>], vector<16xf32>,
      %exp3A_1192 = math.exp %gather3A_1191 : vector<16xf32>
      %gather3A_1193 = tpu.vector_load_idx %arg10[%add3A_464, %broadcast_in_dim3A_1190] : memref<256x128xf32, #tpu.memory_space<vmem>>[vector<16xi32>, vector<16xi32>], vector<16xf32>,
      %exp3A_1194 = math.exp %gather3A_1193 : vector<16xf32>
      %mul3A_1195 = arith.mulf %exp3A_1192, %exp3A_1194 : vector<16xf32>
      %add3A_1196 = arith.addf %add3A_1184, %mul3A_1195 : vector<16xf32>
      %mul3A_1197 = arith.mulf %exp3A_1192, %exp3A_1192 : vector<16xf32>
      %add3A_1198 = arith.addf %add3A_1186, %mul3A_1197 : vector<16xf32>
      %mul3A_1199 = arith.mulf %exp3A_1194, %exp3A_1194 : vector<16xf32>
      %add3A_1200 = arith.addf %add3A_1188, %mul3A_1199 : vector<16xf32>
      %broadcast_in_dim3A_1201 = arith.constant 61 : i32
      %broadcast_in_dim3A_1202 = vector.broadcast %broadcast_in_dim3A_1201 : i32 to vector<16xi32>
      %gather3A_1203 = tpu.vector_load_idx %arg9[%add3A_464, %broadcast_in_dim3A_1202] : memref<256x128xf32, #tpu.memory_space<vmem>>[vector<16xi32>, vector<16xi32>], vector<16xf32>,
      %exp3A_1204 = math.exp %gather3A_1203 : vector<16xf32>
      %gather3A_1205 = tpu.vector_load_idx %arg10[%add3A_464, %broadcast_in_dim3A_1202] : memref<256x128xf32, #tpu.memory_space<vmem>>[vector<16xi32>, vector<16xi32>], vector<16xf32>,
      %exp3A_1206 = math.exp %gather3A_1205 : vector<16xf32>
      %mul3A_1207 = arith.mulf %exp3A_1204, %exp3A_1206 : vector<16xf32>
      %add3A_1208 = arith.addf %add3A_1196, %mul3A_1207 : vector<16xf32>
      %mul3A_1209 = arith.mulf %exp3A_1204, %exp3A_1204 : vector<16xf32>
      %add3A_1210 = arith.addf %add3A_1198, %mul3A_1209 : vector<16xf32>
      %mul3A_1211 = arith.mulf %exp3A_1206, %exp3A_1206 : vector<16xf32>
      %add3A_1212 = arith.addf %add3A_1200, %mul3A_1211 : vector<16xf32>
      %broadcast_in_dim3A_1213 = arith.constant 62 : i32
      %broadcast_in_dim3A_1214 = vector.broadcast %broadcast_in_dim3A_1213 : i32 to vector<16xi32>
      %gather3A_1215 = tpu.vector_load_idx %arg9[%add3A_464, %broadcast_in_dim3A_1214] : memref<256x128xf32, #tpu.memory_space<vmem>>[vector<16xi32>, vector<16xi32>], vector<16xf32>,
      %exp3A_1216 = math.exp %gather3A_1215 : vector<16xf32>
      %gather3A_1217 = tpu.vector_load_idx %arg10[%add3A_464, %broadcast_in_dim3A_1214] : memref<256x128xf32, #tpu.memory_space<vmem>>[vector<16xi32>, vector<16xi32>], vector<16xf32>,
      %exp3A_1218 = math.exp %gather3A_1217 : vector<16xf32>
      %mul3A_1219 = arith.mulf %exp3A_1216, %exp3A_1218 : vector<16xf32>
      %add3A_1220 = arith.addf %add3A_1208, %mul3A_1219 : vector<16xf32>
      %mul3A_1221 = arith.mulf %exp3A_1216, %exp3A_1216 : vector<16xf32>
      %add3A_1222 = arith.addf %add3A_1210, %mul3A_1221 : vector<16xf32>
      %mul3A_1223 = arith.mulf %exp3A_1218, %exp3A_1218 : vector<16xf32>
      %add3A_1224 = arith.addf %add3A_1212, %mul3A_1223 : vector<16xf32>
      %broadcast_in_dim3A_1225 = arith.constant 63 : i32
      %broadcast_in_dim3A_1226 = vector.broadcast %broadcast_in_dim3A_1225 : i32 to vector<16xi32>
      %gather3A_1227 = tpu.vector_load_idx %arg9[%add3A_464, %broadcast_in_dim3A_1226] : memref<256x128xf32, #tpu.memory_space<vmem>>[vector<16xi32>, vector<16xi32>], vector<16xf32>,
      %exp3A_1228 = math.exp %gather3A_1227 : vector<16xf32>
      %gather3A_1229 = tpu.vector_load_idx %arg10[%add3A_464, %broadcast_in_dim3A_1226] : memref<256x128xf32, #tpu.memory_space<vmem>>[vector<16xi32>, vector<16xi32>], vector<16xf32>,
      %exp3A_1230 = math.exp %gather3A_1229 : vector<16xf32>
      %mul3A_1231 = arith.mulf %exp3A_1228, %exp3A_1230 : vector<16xf32>
      %add3A_1232 = arith.addf %add3A_1220, %mul3A_1231 : vector<16xf32>
      %mul3A_1233 = arith.mulf %exp3A_1228, %exp3A_1228 : vector<16xf32>
      %add3A_1234 = arith.addf %add3A_1222, %mul3A_1233 : vector<16xf32>
      %mul3A_1235 = arith.mulf %exp3A_1230, %exp3A_1230 : vector<16xf32>
      %add3A_1236 = arith.addf %add3A_1224, %mul3A_1235 : vector<16xf32>
      %broadcast_in_dim3A_1237 = arith.constant 64 : i32
      %broadcast_in_dim3A_1238 = vector.broadcast %broadcast_in_dim3A_1237 : i32 to vector<16xi32>
      %gather3A_1239 = tpu.vector_load_idx %arg9[%add3A_464, %broadcast_in_dim3A_1238] : memref<256x128xf32, #tpu.memory_space<vmem>>[vector<16xi32>, vector<16xi32>], vector<16xf32>,
      %exp3A_1240 = math.exp %gather3A_1239 : vector<16xf32>
      %gather3A_1241 = tpu.vector_load_idx %arg10[%add3A_464, %broadcast_in_dim3A_1238] : memref<256x128xf32, #tpu.memory_space<vmem>>[vector<16xi32>, vector<16xi32>], vector<16xf32>,
      %exp3A_1242 = math.exp %gather3A_1241 : vector<16xf32>
      %mul3A_1243 = arith.mulf %exp3A_1240, %exp3A_1242 : vector<16xf32>
      %add3A_1244 = arith.addf %add3A_1232, %mul3A_1243 : vector<16xf32>
      %mul3A_1245 = arith.mulf %exp3A_1240, %exp3A_1240 : vector<16xf32>
      %add3A_1246 = arith.addf %add3A_1234, %mul3A_1245 : vector<16xf32>
      %mul3A_1247 = arith.mulf %exp3A_1242, %exp3A_1242 : vector<16xf32>
      %add3A_1248 = arith.addf %add3A_1236, %mul3A_1247 : vector<16xf32>
      %broadcast_in_dim3A_1249 = arith.constant 65 : i32
      %broadcast_in_dim3A_1250 = vector.broadcast %broadcast_in_dim3A_1249 : i32 to vector<16xi32>
      %gather3A_1251 = tpu.vector_load_idx %arg9[%add3A_464, %broadcast_in_dim3A_1250] : memref<256x128xf32, #tpu.memory_space<vmem>>[vector<16xi32>, vector<16xi32>], vector<16xf32>,
      %exp3A_1252 = math.exp %gather3A_1251 : vector<16xf32>
      %gather3A_1253 = tpu.vector_load_idx %arg10[%add3A_464, %broadcast_in_dim3A_1250] : memref<256x128xf32, #tpu.memory_space<vmem>>[vector<16xi32>, vector<16xi32>], vector<16xf32>,
      %exp3A_1254 = math.exp %gather3A_1253 : vector<16xf32>
      %mul3A_1255 = arith.mulf %exp3A_1252, %exp3A_1254 : vector<16xf32>
      %add3A_1256 = arith.addf %add3A_1244, %mul3A_1255 : vector<16xf32>
      %mul3A_1257 = arith.mulf %exp3A_1252, %exp3A_1252 : vector<16xf32>
      %add3A_1258 = arith.addf %add3A_1246, %mul3A_1257 : vector<16xf32>
      %mul3A_1259 = arith.mulf %exp3A_1254, %exp3A_1254 : vector<16xf32>
      %add3A_1260 = arith.addf %add3A_1248, %mul3A_1259 : vector<16xf32>
      %broadcast_in_dim3A_1261 = arith.constant 66 : i32
      %broadcast_in_dim3A_1262 = vector.broadcast %broadcast_in_dim3A_1261 : i32 to vector<16xi32>
      %gather3A_1263 = tpu.vector_load_idx %arg9[%add3A_464, %broadcast_in_dim3A_1262] : memref<256x128xf32, #tpu.memory_space<vmem>>[vector<16xi32>, vector<16xi32>], vector<16xf32>,
      %exp3A_1264 = math.exp %gather3A_1263 : vector<16xf32>
      %gather3A_1265 = tpu.vector_load_idx %arg10[%add3A_464, %broadcast_in_dim3A_1262] : memref<256x128xf32, #tpu.memory_space<vmem>>[vector<16xi32>, vector<16xi32>], vector<16xf32>,
      %exp3A_1266 = math.exp %gather3A_1265 : vector<16xf32>
      %mul3A_1267 = arith.mulf %exp3A_1264, %exp3A_1266 : vector<16xf32>
      %add3A_1268 = arith.addf %add3A_1256, %mul3A_1267 : vector<16xf32>
      %mul3A_1269 = arith.mulf %exp3A_1264, %exp3A_1264 : vector<16xf32>
      %add3A_1270 = arith.addf %add3A_1258, %mul3A_1269 : vector<16xf32>
      %mul3A_1271 = arith.mulf %exp3A_1266, %exp3A_1266 : vector<16xf32>
      %add3A_1272 = arith.addf %add3A_1260, %mul3A_1271 : vector<16xf32>
      %broadcast_in_dim3A_1273 = arith.constant 67 : i32
      %broadcast_in_dim3A_1274 = vector.broadcast %broadcast_in_dim3A_1273 : i32 to vector<16xi32>
      %gather3A_1275 = tpu.vector_load_idx %arg9[%add3A_464, %broadcast_in_dim3A_1274] : memref<256x128xf32, #tpu.memory_space<vmem>>[vector<16xi32>, vector<16xi32>], vector<16xf32>,
      %exp3A_1276 = math.exp %gather3A_1275 : vector<16xf32>
      %gather3A_1277 = tpu.vector_load_idx %arg10[%add3A_464, %broadcast_in_dim3A_1274] : memref<256x128xf32, #tpu.memory_space<vmem>>[vector<16xi32>, vector<16xi32>], vector<16xf32>,
      %exp3A_1278 = math.exp %gather3A_1277 : vector<16xf32>
      %mul3A_1279 = arith.mulf %exp3A_1276, %exp3A_1278 : vector<16xf32>
      %add3A_1280 = arith.addf %add3A_1268, %mul3A_1279 : vector<16xf32>
      %mul3A_1281 = arith.mulf %exp3A_1276, %exp3A_1276 : vector<16xf32>
      %add3A_1282 = arith.addf %add3A_1270, %mul3A_1281 : vector<16xf32>
      %mul3A_1283 = arith.mulf %exp3A_1278, %exp3A_1278 : vector<16xf32>
      %add3A_1284 = arith.addf %add3A_1272, %mul3A_1283 : vector<16xf32>
      %broadcast_in_dim3A_1285 = arith.constant 68 : i32
      %broadcast_in_dim3A_1286 = vector.broadcast %broadcast_in_dim3A_1285 : i32 to vector<16xi32>
      %gather3A_1287 = tpu.vector_load_idx %arg9[%add3A_464, %broadcast_in_dim3A_1286] : memref<256x128xf32, #tpu.memory_space<vmem>>[vector<16xi32>, vector<16xi32>], vector<16xf32>,
      %exp3A_1288 = math.exp %gather3A_1287 : vector<16xf32>
      %gather3A_1289 = tpu.vector_load_idx %arg10[%add3A_464, %broadcast_in_dim3A_1286] : memref<256x128xf32, #tpu.memory_space<vmem>>[vector<16xi32>, vector<16xi32>], vector<16xf32>,
      %exp3A_1290 = math.exp %gather3A_1289 : vector<16xf32>
      %mul3A_1291 = arith.mulf %exp3A_1288, %exp3A_1290 : vector<16xf32>
      %add3A_1292 = arith.addf %add3A_1280, %mul3A_1291 : vector<16xf32>
      %mul3A_1293 = arith.mulf %exp3A_1288, %exp3A_1288 : vector<16xf32>
      %add3A_1294 = arith.addf %add3A_1282, %mul3A_1293 : vector<16xf32>
      %mul3A_1295 = arith.mulf %exp3A_1290, %exp3A_1290 : vector<16xf32>
      %add3A_1296 = arith.addf %add3A_1284, %mul3A_1295 : vector<16xf32>
      %broadcast_in_dim3A_1297 = arith.constant 69 : i32
      %broadcast_in_dim3A_1298 = vector.broadcast %broadcast_in_dim3A_1297 : i32 to vector<16xi32>
      %gather3A_1299 = tpu.vector_load_idx %arg9[%add3A_464, %broadcast_in_dim3A_1298] : memref<256x128xf32, #tpu.memory_space<vmem>>[vector<16xi32>, vector<16xi32>], vector<16xf32>,
      %exp3A_1300 = math.exp %gather3A_1299 : vector<16xf32>
      %gather3A_1301 = tpu.vector_load_idx %arg10[%add3A_464, %broadcast_in_dim3A_1298] : memref<256x128xf32, #tpu.memory_space<vmem>>[vector<16xi32>, vector<16xi32>], vector<16xf32>,
      %exp3A_1302 = math.exp %gather3A_1301 : vector<16xf32>
      %mul3A_1303 = arith.mulf %exp3A_1300, %exp3A_1302 : vector<16xf32>
      %add3A_1304 = arith.addf %add3A_1292, %mul3A_1303 : vector<16xf32>
      %mul3A_1305 = arith.mulf %exp3A_1300, %exp3A_1300 : vector<16xf32>
      %add3A_1306 = arith.addf %add3A_1294, %mul3A_1305 : vector<16xf32>
      %mul3A_1307 = arith.mulf %exp3A_1302, %exp3A_1302 : vector<16xf32>
      %add3A_1308 = arith.addf %add3A_1296, %mul3A_1307 : vector<16xf32>
      %broadcast_in_dim3A_1309 = arith.constant 70 : i32
      %broadcast_in_dim3A_1310 = vector.broadcast %broadcast_in_dim3A_1309 : i32 to vector<16xi32>
      %gather3A_1311 = tpu.vector_load_idx %arg9[%add3A_464, %broadcast_in_dim3A_1310] : memref<256x128xf32, #tpu.memory_space<vmem>>[vector<16xi32>, vector<16xi32>], vector<16xf32>,
      %exp3A_1312 = math.exp %gather3A_1311 : vector<16xf32>
      %gather3A_1313 = tpu.vector_load_idx %arg10[%add3A_464, %broadcast_in_dim3A_1310] : memref<256x128xf32, #tpu.memory_space<vmem>>[vector<16xi32>, vector<16xi32>], vector<16xf32>,
      %exp3A_1314 = math.exp %gather3A_1313 : vector<16xf32>
      %mul3A_1315 = arith.mulf %exp3A_1312, %exp3A_1314 : vector<16xf32>
      %add3A_1316 = arith.addf %add3A_1304, %mul3A_1315 : vector<16xf32>
      %mul3A_1317 = arith.mulf %exp3A_1312, %exp3A_1312 : vector<16xf32>
      %add3A_1318 = arith.addf %add3A_1306, %mul3A_1317 : vector<16xf32>
      %mul3A_1319 = arith.mulf %exp3A_1314, %exp3A_1314 : vector<16xf32>
      %add3A_1320 = arith.addf %add3A_1308, %mul3A_1319 : vector<16xf32>
      %broadcast_in_dim3A_1321 = arith.constant 71 : i32
      %broadcast_in_dim3A_1322 = vector.broadcast %broadcast_in_dim3A_1321 : i32 to vector<16xi32>
      %gather3A_1323 = tpu.vector_load_idx %arg9[%add3A_464, %broadcast_in_dim3A_1322] : memref<256x128xf32, #tpu.memory_space<vmem>>[vector<16xi32>, vector<16xi32>], vector<16xf32>,
      %exp3A_1324 = math.exp %gather3A_1323 : vector<16xf32>
      %gather3A_1325 = tpu.vector_load_idx %arg10[%add3A_464, %broadcast_in_dim3A_1322] : memref<256x128xf32, #tpu.memory_space<vmem>>[vector<16xi32>, vector<16xi32>], vector<16xf32>,
      %exp3A_1326 = math.exp %gather3A_1325 : vector<16xf32>
      %mul3A_1327 = arith.mulf %exp3A_1324, %exp3A_1326 : vector<16xf32>
      %add3A_1328 = arith.addf %add3A_1316, %mul3A_1327 : vector<16xf32>
      %mul3A_1329 = arith.mulf %exp3A_1324, %exp3A_1324 : vector<16xf32>
      %add3A_1330 = arith.addf %add3A_1318, %mul3A_1329 : vector<16xf32>
      %mul3A_1331 = arith.mulf %exp3A_1326, %exp3A_1326 : vector<16xf32>
      %add3A_1332 = arith.addf %add3A_1320, %mul3A_1331 : vector<16xf32>
      %broadcast_in_dim3A_1333 = arith.constant 72 : i32
      %broadcast_in_dim3A_1334 = vector.broadcast %broadcast_in_dim3A_1333 : i32 to vector<16xi32>
      %gather3A_1335 = tpu.vector_load_idx %arg9[%add3A_464, %broadcast_in_dim3A_1334] : memref<256x128xf32, #tpu.memory_space<vmem>>[vector<16xi32>, vector<16xi32>], vector<16xf32>,
      %exp3A_1336 = math.exp %gather3A_1335 : vector<16xf32>
      %gather3A_1337 = tpu.vector_load_idx %arg10[%add3A_464, %broadcast_in_dim3A_1334] : memref<256x128xf32, #tpu.memory_space<vmem>>[vector<16xi32>, vector<16xi32>], vector<16xf32>,
      %exp3A_1338 = math.exp %gather3A_1337 : vector<16xf32>
      %mul3A_1339 = arith.mulf %exp3A_1336, %exp3A_1338 : vector<16xf32>
      %add3A_1340 = arith.addf %add3A_1328, %mul3A_1339 : vector<16xf32>
      %mul3A_1341 = arith.mulf %exp3A_1336, %exp3A_1336 : vector<16xf32>
      %add3A_1342 = arith.addf %add3A_1330, %mul3A_1341 : vector<16xf32>
      %mul3A_1343 = arith.mulf %exp3A_1338, %exp3A_1338 : vector<16xf32>
      %add3A_1344 = arith.addf %add3A_1332, %mul3A_1343 : vector<16xf32>
      %broadcast_in_dim3A_1345 = arith.constant 73 : i32
      %broadcast_in_dim3A_1346 = vector.broadcast %broadcast_in_dim3A_1345 : i32 to vector<16xi32>
      %gather3A_1347 = tpu.vector_load_idx %arg9[%add3A_464, %broadcast_in_dim3A_1346] : memref<256x128xf32, #tpu.memory_space<vmem>>[vector<16xi32>, vector<16xi32>], vector<16xf32>,
      %exp3A_1348 = math.exp %gather3A_1347 : vector<16xf32>
      %gather3A_1349 = tpu.vector_load_idx %arg10[%add3A_464, %broadcast_in_dim3A_1346] : memref<256x128xf32, #tpu.memory_space<vmem>>[vector<16xi32>, vector<16xi32>], vector<16xf32>,
      %exp3A_1350 = math.exp %gather3A_1349 : vector<16xf32>
      %mul3A_1351 = arith.mulf %exp3A_1348, %exp3A_1350 : vector<16xf32>
      %add3A_1352 = arith.addf %add3A_1340, %mul3A_1351 : vector<16xf32>
      %mul3A_1353 = arith.mulf %exp3A_1348, %exp3A_1348 : vector<16xf32>
      %add3A_1354 = arith.addf %add3A_1342, %mul3A_1353 : vector<16xf32>
      %mul3A_1355 = arith.mulf %exp3A_1350, %exp3A_1350 : vector<16xf32>
      %add3A_1356 = arith.addf %add3A_1344, %mul3A_1355 : vector<16xf32>
      %broadcast_in_dim3A_1357 = arith.constant 74 : i32
      %broadcast_in_dim3A_1358 = vector.broadcast %broadcast_in_dim3A_1357 : i32 to vector<16xi32>
      %gather3A_1359 = tpu.vector_load_idx %arg9[%add3A_464, %broadcast_in_dim3A_1358] : memref<256x128xf32, #tpu.memory_space<vmem>>[vector<16xi32>, vector<16xi32>], vector<16xf32>,
      %exp3A_1360 = math.exp %gather3A_1359 : vector<16xf32>
      %gather3A_1361 = tpu.vector_load_idx %arg10[%add3A_464, %broadcast_in_dim3A_1358] : memref<256x128xf32, #tpu.memory_space<vmem>>[vector<16xi32>, vector<16xi32>], vector<16xf32>,
      %exp3A_1362 = math.exp %gather3A_1361 : vector<16xf32>
      %mul3A_1363 = arith.mulf %exp3A_1360, %exp3A_1362 : vector<16xf32>
      %add3A_1364 = arith.addf %add3A_1352, %mul3A_1363 : vector<16xf32>
      %mul3A_1365 = arith.mulf %exp3A_1360, %exp3A_1360 : vector<16xf32>
      %add3A_1366 = arith.addf %add3A_1354, %mul3A_1365 : vector<16xf32>
      %mul3A_1367 = arith.mulf %exp3A_1362, %exp3A_1362 : vector<16xf32>
      %add3A_1368 = arith.addf %add3A_1356, %mul3A_1367 : vector<16xf32>
      %broadcast_in_dim3A_1369 = arith.constant 75 : i32
      %broadcast_in_dim3A_1370 = vector.broadcast %broadcast_in_dim3A_1369 : i32 to vector<16xi32>
      %gather3A_1371 = tpu.vector_load_idx %arg9[%add3A_464, %broadcast_in_dim3A_1370] : memref<256x128xf32, #tpu.memory_space<vmem>>[vector<16xi32>, vector<16xi32>], vector<16xf32>,
      %exp3A_1372 = math.exp %gather3A_1371 : vector<16xf32>
      %gather3A_1373 = tpu.vector_load_idx %arg10[%add3A_464, %broadcast_in_dim3A_1370] : memref<256x128xf32, #tpu.memory_space<vmem>>[vector<16xi32>, vector<16xi32>], vector<16xf32>,
      %exp3A_1374 = math.exp %gather3A_1373 : vector<16xf32>
      %mul3A_1375 = arith.mulf %exp3A_1372, %exp3A_1374 : vector<16xf32>
      %add3A_1376 = arith.addf %add3A_1364, %mul3A_1375 : vector<16xf32>
      %mul3A_1377 = arith.mulf %exp3A_1372, %exp3A_1372 : vector<16xf32>
      %add3A_1378 = arith.addf %add3A_1366, %mul3A_1377 : vector<16xf32>
      %mul3A_1379 = arith.mulf %exp3A_1374, %exp3A_1374 : vector<16xf32>
      %add3A_1380 = arith.addf %add3A_1368, %mul3A_1379 : vector<16xf32>
      %broadcast_in_dim3A_1381 = arith.constant 76 : i32
      %broadcast_in_dim3A_1382 = vector.broadcast %broadcast_in_dim3A_1381 : i32 to vector<16xi32>
      %gather3A_1383 = tpu.vector_load_idx %arg9[%add3A_464, %broadcast_in_dim3A_1382] : memref<256x128xf32, #tpu.memory_space<vmem>>[vector<16xi32>, vector<16xi32>], vector<16xf32>,
      %exp3A_1384 = math.exp %gather3A_1383 : vector<16xf32>
      %gather3A_1385 = tpu.vector_load_idx %arg10[%add3A_464, %broadcast_in_dim3A_1382] : memref<256x128xf32, #tpu.memory_space<vmem>>[vector<16xi32>, vector<16xi32>], vector<16xf32>,
      %exp3A_1386 = math.exp %gather3A_1385 : vector<16xf32>
      %mul3A_1387 = arith.mulf %exp3A_1384, %exp3A_1386 : vector<16xf32>
      %add3A_1388 = arith.addf %add3A_1376, %mul3A_1387 : vector<16xf32>
      %mul3A_1389 = arith.mulf %exp3A_1384, %exp3A_1384 : vector<16xf32>
      %add3A_1390 = arith.addf %add3A_1378, %mul3A_1389 : vector<16xf32>
      %mul3A_1391 = arith.mulf %exp3A_1386, %exp3A_1386 : vector<16xf32>
      %add3A_1392 = arith.addf %add3A_1380, %mul3A_1391 : vector<16xf32>
      %broadcast_in_dim3A_1393 = arith.constant 77 : i32
      %broadcast_in_dim3A_1394 = vector.broadcast %broadcast_in_dim3A_1393 : i32 to vector<16xi32>
      %gather3A_1395 = tpu.vector_load_idx %arg9[%add3A_464, %broadcast_in_dim3A_1394] : memref<256x128xf32, #tpu.memory_space<vmem>>[vector<16xi32>, vector<16xi32>], vector<16xf32>,
      %exp3A_1396 = math.exp %gather3A_1395 : vector<16xf32>
      %gather3A_1397 = tpu.vector_load_idx %arg10[%add3A_464, %broadcast_in_dim3A_1394] : memref<256x128xf32, #tpu.memory_space<vmem>>[vector<16xi32>, vector<16xi32>], vector<16xf32>,
      %exp3A_1398 = math.exp %gather3A_1397 : vector<16xf32>
      %mul3A_1399 = arith.mulf %exp3A_1396, %exp3A_1398 : vector<16xf32>
      %add3A_1400 = arith.addf %add3A_1388, %mul3A_1399 : vector<16xf32>
      %mul3A_1401 = arith.mulf %exp3A_1396, %exp3A_1396 : vector<16xf32>
      %add3A_1402 = arith.addf %add3A_1390, %mul3A_1401 : vector<16xf32>
      %mul3A_1403 = arith.mulf %exp3A_1398, %exp3A_1398 : vector<16xf32>
      %add3A_1404 = arith.addf %add3A_1392, %mul3A_1403 : vector<16xf32>
      %broadcast_in_dim3A_1405 = arith.constant 78 : i32
      %broadcast_in_dim3A_1406 = vector.broadcast %broadcast_in_dim3A_1405 : i32 to vector<16xi32>
      %gather3A_1407 = tpu.vector_load_idx %arg9[%add3A_464, %broadcast_in_dim3A_1406] : memref<256x128xf32, #tpu.memory_space<vmem>>[vector<16xi32>, vector<16xi32>], vector<16xf32>,
      %exp3A_1408 = math.exp %gather3A_1407 : vector<16xf32>
      %gather3A_1409 = tpu.vector_load_idx %arg10[%add3A_464, %broadcast_in_dim3A_1406] : memref<256x128xf32, #tpu.memory_space<vmem>>[vector<16xi32>, vector<16xi32>], vector<16xf32>,
      %exp3A_1410 = math.exp %gather3A_1409 : vector<16xf32>
      %mul3A_1411 = arith.mulf %exp3A_1408, %exp3A_1410 : vector<16xf32>
      %add3A_1412 = arith.addf %add3A_1400, %mul3A_1411 : vector<16xf32>
      %mul3A_1413 = arith.mulf %exp3A_1408, %exp3A_1408 : vector<16xf32>
      %add3A_1414 = arith.addf %add3A_1402, %mul3A_1413 : vector<16xf32>
      %mul3A_1415 = arith.mulf %exp3A_1410, %exp3A_1410 : vector<16xf32>
      %add3A_1416 = arith.addf %add3A_1404, %mul3A_1415 : vector<16xf32>
      %broadcast_in_dim3A_1417 = arith.constant 79 : i32
      %broadcast_in_dim3A_1418 = vector.broadcast %broadcast_in_dim3A_1417 : i32 to vector<16xi32>
      %gather3A_1419 = tpu.vector_load_idx %arg9[%add3A_464, %broadcast_in_dim3A_1418] : memref<256x128xf32, #tpu.memory_space<vmem>>[vector<16xi32>, vector<16xi32>], vector<16xf32>,
      %exp3A_1420 = math.exp %gather3A_1419 : vector<16xf32>
      %gather3A_1421 = tpu.vector_load_idx %arg10[%add3A_464, %broadcast_in_dim3A_1418] : memref<256x128xf32, #tpu.memory_space<vmem>>[vector<16xi32>, vector<16xi32>], vector<16xf32>,
      %exp3A_1422 = math.exp %gather3A_1421 : vector<16xf32>
      %mul3A_1423 = arith.mulf %exp3A_1420, %exp3A_1422 : vector<16xf32>
      %add3A_1424 = arith.addf %add3A_1412, %mul3A_1423 : vector<16xf32>
      %mul3A_1425 = arith.mulf %exp3A_1420, %exp3A_1420 : vector<16xf32>
      %add3A_1426 = arith.addf %add3A_1414, %mul3A_1425 : vector<16xf32>
      %mul3A_1427 = arith.mulf %exp3A_1422, %exp3A_1422 : vector<16xf32>
      %add3A_1428 = arith.addf %add3A_1416, %mul3A_1427 : vector<16xf32>
      %broadcast_in_dim3A_1429 = arith.constant 80 : i32
      %broadcast_in_dim3A_1430 = vector.broadcast %broadcast_in_dim3A_1429 : i32 to vector<16xi32>
      %gather3A_1431 = tpu.vector_load_idx %arg9[%add3A_464, %broadcast_in_dim3A_1430] : memref<256x128xf32, #tpu.memory_space<vmem>>[vector<16xi32>, vector<16xi32>], vector<16xf32>,
      %exp3A_1432 = math.exp %gather3A_1431 : vector<16xf32>
      %gather3A_1433 = tpu.vector_load_idx %arg10[%add3A_464, %broadcast_in_dim3A_1430] : memref<256x128xf32, #tpu.memory_space<vmem>>[vector<16xi32>, vector<16xi32>], vector<16xf32>,
      %exp3A_1434 = math.exp %gather3A_1433 : vector<16xf32>
      %mul3A_1435 = arith.mulf %exp3A_1432, %exp3A_1434 : vector<16xf32>
      %add3A_1436 = arith.addf %add3A_1424, %mul3A_1435 : vector<16xf32>
      %mul3A_1437 = arith.mulf %exp3A_1432, %exp3A_1432 : vector<16xf32>
      %add3A_1438 = arith.addf %add3A_1426, %mul3A_1437 : vector<16xf32>
      %mul3A_1439 = arith.mulf %exp3A_1434, %exp3A_1434 : vector<16xf32>
      %add3A_1440 = arith.addf %add3A_1428, %mul3A_1439 : vector<16xf32>
      %broadcast_in_dim3A_1441 = arith.constant 81 : i32
      %broadcast_in_dim3A_1442 = vector.broadcast %broadcast_in_dim3A_1441 : i32 to vector<16xi32>
      %gather3A_1443 = tpu.vector_load_idx %arg9[%add3A_464, %broadcast_in_dim3A_1442] : memref<256x128xf32, #tpu.memory_space<vmem>>[vector<16xi32>, vector<16xi32>], vector<16xf32>,
      %exp3A_1444 = math.exp %gather3A_1443 : vector<16xf32>
      %gather3A_1445 = tpu.vector_load_idx %arg10[%add3A_464, %broadcast_in_dim3A_1442] : memref<256x128xf32, #tpu.memory_space<vmem>>[vector<16xi32>, vector<16xi32>], vector<16xf32>,
      %exp3A_1446 = math.exp %gather3A_1445 : vector<16xf32>
      %mul3A_1447 = arith.mulf %exp3A_1444, %exp3A_1446 : vector<16xf32>
      %add3A_1448 = arith.addf %add3A_1436, %mul3A_1447 : vector<16xf32>
      %mul3A_1449 = arith.mulf %exp3A_1444, %exp3A_1444 : vector<16xf32>
      %add3A_1450 = arith.addf %add3A_1438, %mul3A_1449 : vector<16xf32>
      %mul3A_1451 = arith.mulf %exp3A_1446, %exp3A_1446 : vector<16xf32>
      %add3A_1452 = arith.addf %add3A_1440, %mul3A_1451 : vector<16xf32>
      %broadcast_in_dim3A_1453 = arith.constant 82 : i32
      %broadcast_in_dim3A_1454 = vector.broadcast %broadcast_in_dim3A_1453 : i32 to vector<16xi32>
      %gather3A_1455 = tpu.vector_load_idx %arg9[%add3A_464, %broadcast_in_dim3A_1454] : memref<256x128xf32, #tpu.memory_space<vmem>>[vector<16xi32>, vector<16xi32>], vector<16xf32>,
      %exp3A_1456 = math.exp %gather3A_1455 : vector<16xf32>
      %gather3A_1457 = tpu.vector_load_idx %arg10[%add3A_464, %broadcast_in_dim3A_1454] : memref<256x128xf32, #tpu.memory_space<vmem>>[vector<16xi32>, vector<16xi32>], vector<16xf32>,
      %exp3A_1458 = math.exp %gather3A_1457 : vector<16xf32>
      %mul3A_1459 = arith.mulf %exp3A_1456, %exp3A_1458 : vector<16xf32>
      %add3A_1460 = arith.addf %add3A_1448, %mul3A_1459 : vector<16xf32>
      %mul3A_1461 = arith.mulf %exp3A_1456, %exp3A_1456 : vector<16xf32>
      %add3A_1462 = arith.addf %add3A_1450, %mul3A_1461 : vector<16xf32>
      %mul3A_1463 = arith.mulf %exp3A_1458, %exp3A_1458 : vector<16xf32>
      %add3A_1464 = arith.addf %add3A_1452, %mul3A_1463 : vector<16xf32>
      %broadcast_in_dim3A_1465 = arith.constant 83 : i32
      %broadcast_in_dim3A_1466 = vector.broadcast %broadcast_in_dim3A_1465 : i32 to vector<16xi32>
      %gather3A_1467 = tpu.vector_load_idx %arg9[%add3A_464, %broadcast_in_dim3A_1466] : memref<256x128xf32, #tpu.memory_space<vmem>>[vector<16xi32>, vector<16xi32>], vector<16xf32>,
      %exp3A_1468 = math.exp %gather3A_1467 : vector<16xf32>
      %gather3A_1469 = tpu.vector_load_idx %arg10[%add3A_464, %broadcast_in_dim3A_1466] : memref<256x128xf32, #tpu.memory_space<vmem>>[vector<16xi32>, vector<16xi32>], vector<16xf32>,
      %exp3A_1470 = math.exp %gather3A_1469 : vector<16xf32>
      %mul3A_1471 = arith.mulf %exp3A_1468, %exp3A_1470 : vector<16xf32>
      %add3A_1472 = arith.addf %add3A_1460, %mul3A_1471 : vector<16xf32>
      %mul3A_1473 = arith.mulf %exp3A_1468, %exp3A_1468 : vector<16xf32>
      %add3A_1474 = arith.addf %add3A_1462, %mul3A_1473 : vector<16xf32>
      %mul3A_1475 = arith.mulf %exp3A_1470, %exp3A_1470 : vector<16xf32>
      %add3A_1476 = arith.addf %add3A_1464, %mul3A_1475 : vector<16xf32>
      %broadcast_in_dim3A_1477 = arith.constant 84 : i32
      %broadcast_in_dim3A_1478 = vector.broadcast %broadcast_in_dim3A_1477 : i32 to vector<16xi32>
      %gather3A_1479 = tpu.vector_load_idx %arg9[%add3A_464, %broadcast_in_dim3A_1478] : memref<256x128xf32, #tpu.memory_space<vmem>>[vector<16xi32>, vector<16xi32>], vector<16xf32>,
      %exp3A_1480 = math.exp %gather3A_1479 : vector<16xf32>
      %gather3A_1481 = tpu.vector_load_idx %arg10[%add3A_464, %broadcast_in_dim3A_1478] : memref<256x128xf32, #tpu.memory_space<vmem>>[vector<16xi32>, vector<16xi32>], vector<16xf32>,
      %exp3A_1482 = math.exp %gather3A_1481 : vector<16xf32>
      %mul3A_1483 = arith.mulf %exp3A_1480, %exp3A_1482 : vector<16xf32>
      %add3A_1484 = arith.addf %add3A_1472, %mul3A_1483 : vector<16xf32>
      %mul3A_1485 = arith.mulf %exp3A_1480, %exp3A_1480 : vector<16xf32>
      %add3A_1486 = arith.addf %add3A_1474, %mul3A_1485 : vector<16xf32>
      %mul3A_1487 = arith.mulf %exp3A_1482, %exp3A_1482 : vector<16xf32>
      %add3A_1488 = arith.addf %add3A_1476, %mul3A_1487 : vector<16xf32>
      %broadcast_in_dim3A_1489 = arith.constant 85 : i32
      %broadcast_in_dim3A_1490 = vector.broadcast %broadcast_in_dim3A_1489 : i32 to vector<16xi32>
      %gather3A_1491 = tpu.vector_load_idx %arg9[%add3A_464, %broadcast_in_dim3A_1490] : memref<256x128xf32, #tpu.memory_space<vmem>>[vector<16xi32>, vector<16xi32>], vector<16xf32>,
      %exp3A_1492 = math.exp %gather3A_1491 : vector<16xf32>
      %gather3A_1493 = tpu.vector_load_idx %arg10[%add3A_464, %broadcast_in_dim3A_1490] : memref<256x128xf32, #tpu.memory_space<vmem>>[vector<16xi32>, vector<16xi32>], vector<16xf32>,
      %exp3A_1494 = math.exp %gather3A_1493 : vector<16xf32>
      %mul3A_1495 = arith.mulf %exp3A_1492, %exp3A_1494 : vector<16xf32>
      %add3A_1496 = arith.addf %add3A_1484, %mul3A_1495 : vector<16xf32>
      %mul3A_1497 = arith.mulf %exp3A_1492, %exp3A_1492 : vector<16xf32>
      %add3A_1498 = arith.addf %add3A_1486, %mul3A_1497 : vector<16xf32>
      %mul3A_1499 = arith.mulf %exp3A_1494, %exp3A_1494 : vector<16xf32>
      %add3A_1500 = arith.addf %add3A_1488, %mul3A_1499 : vector<16xf32>
      %broadcast_in_dim3A_1501 = arith.constant 86 : i32
      %broadcast_in_dim3A_1502 = vector.broadcast %broadcast_in_dim3A_1501 : i32 to vector<16xi32>
      %gather3A_1503 = tpu.vector_load_idx %arg9[%add3A_464, %broadcast_in_dim3A_1502] : memref<256x128xf32, #tpu.memory_space<vmem>>[vector<16xi32>, vector<16xi32>], vector<16xf32>,
      %exp3A_1504 = math.exp %gather3A_1503 : vector<16xf32>
      %gather3A_1505 = tpu.vector_load_idx %arg10[%add3A_464, %broadcast_in_dim3A_1502] : memref<256x128xf32, #tpu.memory_space<vmem>>[vector<16xi32>, vector<16xi32>], vector<16xf32>,
      %exp3A_1506 = math.exp %gather3A_1505 : vector<16xf32>
      %mul3A_1507 = arith.mulf %exp3A_1504, %exp3A_1506 : vector<16xf32>
      %add3A_1508 = arith.addf %add3A_1496, %mul3A_1507 : vector<16xf32>
      %mul3A_1509 = arith.mulf %exp3A_1504, %exp3A_1504 : vector<16xf32>
      %add3A_1510 = arith.addf %add3A_1498, %mul3A_1509 : vector<16xf32>
      %mul3A_1511 = arith.mulf %exp3A_1506, %exp3A_1506 : vector<16xf32>
      %add3A_1512 = arith.addf %add3A_1500, %mul3A_1511 : vector<16xf32>
      %broadcast_in_dim3A_1513 = arith.constant 87 : i32
      %broadcast_in_dim3A_1514 = vector.broadcast %broadcast_in_dim3A_1513 : i32 to vector<16xi32>
      %gather3A_1515 = tpu.vector_load_idx %arg9[%add3A_464, %broadcast_in_dim3A_1514] : memref<256x128xf32, #tpu.memory_space<vmem>>[vector<16xi32>, vector<16xi32>], vector<16xf32>,
      %exp3A_1516 = math.exp %gather3A_1515 : vector<16xf32>
      %gather3A_1517 = tpu.vector_load_idx %arg10[%add3A_464, %broadcast_in_dim3A_1514] : memref<256x128xf32, #tpu.memory_space<vmem>>[vector<16xi32>, vector<16xi32>], vector<16xf32>,
      %exp3A_1518 = math.exp %gather3A_1517 : vector<16xf32>
      %mul3A_1519 = arith.mulf %exp3A_1516, %exp3A_1518 : vector<16xf32>
      %add3A_1520 = arith.addf %add3A_1508, %mul3A_1519 : vector<16xf32>
      %mul3A_1521 = arith.mulf %exp3A_1516, %exp3A_1516 : vector<16xf32>
      %add3A_1522 = arith.addf %add3A_1510, %mul3A_1521 : vector<16xf32>
      %mul3A_1523 = arith.mulf %exp3A_1518, %exp3A_1518 : vector<16xf32>
      %add3A_1524 = arith.addf %add3A_1512, %mul3A_1523 : vector<16xf32>
      %broadcast_in_dim3A_1525 = arith.constant 88 : i32
      %broadcast_in_dim3A_1526 = vector.broadcast %broadcast_in_dim3A_1525 : i32 to vector<16xi32>
      %gather3A_1527 = tpu.vector_load_idx %arg9[%add3A_464, %broadcast_in_dim3A_1526] : memref<256x128xf32, #tpu.memory_space<vmem>>[vector<16xi32>, vector<16xi32>], vector<16xf32>,
      %exp3A_1528 = math.exp %gather3A_1527 : vector<16xf32>
      %gather3A_1529 = tpu.vector_load_idx %arg10[%add3A_464, %broadcast_in_dim3A_1526] : memref<256x128xf32, #tpu.memory_space<vmem>>[vector<16xi32>, vector<16xi32>], vector<16xf32>,
      %exp3A_1530 = math.exp %gather3A_1529 : vector<16xf32>
      %mul3A_1531 = arith.mulf %exp3A_1528, %exp3A_1530 : vector<16xf32>
      %add3A_1532 = arith.addf %add3A_1520, %mul3A_1531 : vector<16xf32>
      %mul3A_1533 = arith.mulf %exp3A_1528, %exp3A_1528 : vector<16xf32>
      %add3A_1534 = arith.addf %add3A_1522, %mul3A_1533 : vector<16xf32>
      %mul3A_1535 = arith.mulf %exp3A_1530, %exp3A_1530 : vector<16xf32>
      %add3A_1536 = arith.addf %add3A_1524, %mul3A_1535 : vector<16xf32>
      %broadcast_in_dim3A_1537 = arith.constant 89 : i32
      %broadcast_in_dim3A_1538 = vector.broadcast %broadcast_in_dim3A_1537 : i32 to vector<16xi32>
      %gather3A_1539 = tpu.vector_load_idx %arg9[%add3A_464, %broadcast_in_dim3A_1538] : memref<256x128xf32, #tpu.memory_space<vmem>>[vector<16xi32>, vector<16xi32>], vector<16xf32>,
      %exp3A_1540 = math.exp %gather3A_1539 : vector<16xf32>
      %gather3A_1541 = tpu.vector_load_idx %arg10[%add3A_464, %broadcast_in_dim3A_1538] : memref<256x128xf32, #tpu.memory_space<vmem>>[vector<16xi32>, vector<16xi32>], vector<16xf32>,
      %exp3A_1542 = math.exp %gather3A_1541 : vector<16xf32>
      %mul3A_1543 = arith.mulf %exp3A_1540, %exp3A_1542 : vector<16xf32>
      %add3A_1544 = arith.addf %add3A_1532, %mul3A_1543 : vector<16xf32>
      %mul3A_1545 = arith.mulf %exp3A_1540, %exp3A_1540 : vector<16xf32>
      %add3A_1546 = arith.addf %add3A_1534, %mul3A_1545 : vector<16xf32>
      %mul3A_1547 = arith.mulf %exp3A_1542, %exp3A_1542 : vector<16xf32>
      %add3A_1548 = arith.addf %add3A_1536, %mul3A_1547 : vector<16xf32>
      %broadcast_in_dim3A_1549 = arith.constant 90 : i32
      %broadcast_in_dim3A_1550 = vector.broadcast %broadcast_in_dim3A_1549 : i32 to vector<16xi32>
      %gather3A_1551 = tpu.vector_load_idx %arg9[%add3A_464, %broadcast_in_dim3A_1550] : memref<256x128xf32, #tpu.memory_space<vmem>>[vector<16xi32>, vector<16xi32>], vector<16xf32>,
      %exp3A_1552 = math.exp %gather3A_1551 : vector<16xf32>
      %gather3A_1553 = tpu.vector_load_idx %arg10[%add3A_464, %broadcast_in_dim3A_1550] : memref<256x128xf32, #tpu.memory_space<vmem>>[vector<16xi32>, vector<16xi32>], vector<16xf32>,
      %exp3A_1554 = math.exp %gather3A_1553 : vector<16xf32>
      %mul3A_1555 = arith.mulf %exp3A_1552, %exp3A_1554 : vector<16xf32>
      %add3A_1556 = arith.addf %add3A_1544, %mul3A_1555 : vector<16xf32>
      %mul3A_1557 = arith.mulf %exp3A_1552, %exp3A_1552 : vector<16xf32>
      %add3A_1558 = arith.addf %add3A_1546, %mul3A_1557 : vector<16xf32>
      %mul3A_1559 = arith.mulf %exp3A_1554, %exp3A_1554 : vector<16xf32>
      %add3A_1560 = arith.addf %add3A_1548, %mul3A_1559 : vector<16xf32>
      %broadcast_in_dim3A_1561 = arith.constant 91 : i32
      %broadcast_in_dim3A_1562 = vector.broadcast %broadcast_in_dim3A_1561 : i32 to vector<16xi32>
      %gather3A_1563 = tpu.vector_load_idx %arg9[%add3A_464, %broadcast_in_dim3A_1562] : memref<256x128xf32, #tpu.memory_space<vmem>>[vector<16xi32>, vector<16xi32>], vector<16xf32>,
      %exp3A_1564 = math.exp %gather3A_1563 : vector<16xf32>
      %gather3A_1565 = tpu.vector_load_idx %arg10[%add3A_464, %broadcast_in_dim3A_1562] : memref<256x128xf32, #tpu.memory_space<vmem>>[vector<16xi32>, vector<16xi32>], vector<16xf32>,
      %exp3A_1566 = math.exp %gather3A_1565 : vector<16xf32>
      %mul3A_1567 = arith.mulf %exp3A_1564, %exp3A_1566 : vector<16xf32>
      %add3A_1568 = arith.addf %add3A_1556, %mul3A_1567 : vector<16xf32>
      %mul3A_1569 = arith.mulf %exp3A_1564, %exp3A_1564 : vector<16xf32>
      %add3A_1570 = arith.addf %add3A_1558, %mul3A_1569 : vector<16xf32>
      %mul3A_1571 = arith.mulf %exp3A_1566, %exp3A_1566 : vector<16xf32>
      %add3A_1572 = arith.addf %add3A_1560, %mul3A_1571 : vector<16xf32>
      %broadcast_in_dim3A_1573 = arith.constant 92 : i32
      %broadcast_in_dim3A_1574 = vector.broadcast %broadcast_in_dim3A_1573 : i32 to vector<16xi32>
      %gather3A_1575 = tpu.vector_load_idx %arg9[%add3A_464, %broadcast_in_dim3A_1574] : memref<256x128xf32, #tpu.memory_space<vmem>>[vector<16xi32>, vector<16xi32>], vector<16xf32>,
      %exp3A_1576 = math.exp %gather3A_1575 : vector<16xf32>
      %gather3A_1577 = tpu.vector_load_idx %arg10[%add3A_464, %broadcast_in_dim3A_1574] : memref<256x128xf32, #tpu.memory_space<vmem>>[vector<16xi32>, vector<16xi32>], vector<16xf32>,
      %exp3A_1578 = math.exp %gather3A_1577 : vector<16xf32>
      %mul3A_1579 = arith.mulf %exp3A_1576, %exp3A_1578 : vector<16xf32>
      %add3A_1580 = arith.addf %add3A_1568, %mul3A_1579 : vector<16xf32>
      %mul3A_1581 = arith.mulf %exp3A_1576, %exp3A_1576 : vector<16xf32>
      %add3A_1582 = arith.addf %add3A_1570, %mul3A_1581 : vector<16xf32>
      %mul3A_1583 = arith.mulf %exp3A_1578, %exp3A_1578 : vector<16xf32>
      %add3A_1584 = arith.addf %add3A_1572, %mul3A_1583 : vector<16xf32>
      %broadcast_in_dim3A_1585 = arith.constant 93 : i32
      %broadcast_in_dim3A_1586 = vector.broadcast %broadcast_in_dim3A_1585 : i32 to vector<16xi32>
      %gather3A_1587 = tpu.vector_load_idx %arg9[%add3A_464, %broadcast_in_dim3A_1586] : memref<256x128xf32, #tpu.memory_space<vmem>>[vector<16xi32>, vector<16xi32>], vector<16xf32>,
      %exp3A_1588 = math.exp %gather3A_1587 : vector<16xf32>
      %gather3A_1589 = tpu.vector_load_idx %arg10[%add3A_464, %broadcast_in_dim3A_1586] : memref<256x128xf32, #tpu.memory_space<vmem>>[vector<16xi32>, vector<16xi32>], vector<16xf32>,
      %exp3A_1590 = math.exp %gather3A_1589 : vector<16xf32>
      %mul3A_1591 = arith.mulf %exp3A_1588, %exp3A_1590 : vector<16xf32>
      %add3A_1592 = arith.addf %add3A_1580, %mul3A_1591 : vector<16xf32>
      %mul3A_1593 = arith.mulf %exp3A_1588, %exp3A_1588 : vector<16xf32>
      %add3A_1594 = arith.addf %add3A_1582, %mul3A_1593 : vector<16xf32>
      %mul3A_1595 = arith.mulf %exp3A_1590, %exp3A_1590 : vector<16xf32>
      %add3A_1596 = arith.addf %add3A_1584, %mul3A_1595 : vector<16xf32>
      %broadcast_in_dim3A_1597 = arith.constant 94 : i32
      %broadcast_in_dim3A_1598 = vector.broadcast %broadcast_in_dim3A_1597 : i32 to vector<16xi32>
      %gather3A_1599 = tpu.vector_load_idx %arg9[%add3A_464, %broadcast_in_dim3A_1598] : memref<256x128xf32, #tpu.memory_space<vmem>>[vector<16xi32>, vector<16xi32>], vector<16xf32>,
      %exp3A_1600 = math.exp %gather3A_1599 : vector<16xf32>
      %gather3A_1601 = tpu.vector_load_idx %arg10[%add3A_464, %broadcast_in_dim3A_1598] : memref<256x128xf32, #tpu.memory_space<vmem>>[vector<16xi32>, vector<16xi32>], vector<16xf32>,
      %exp3A_1602 = math.exp %gather3A_1601 : vector<16xf32>
      %mul3A_1603 = arith.mulf %exp3A_1600, %exp3A_1602 : vector<16xf32>
      %add3A_1604 = arith.addf %add3A_1592, %mul3A_1603 : vector<16xf32>
      %mul3A_1605 = arith.mulf %exp3A_1600, %exp3A_1600 : vector<16xf32>
      %add3A_1606 = arith.addf %add3A_1594, %mul3A_1605 : vector<16xf32>
      %mul3A_1607 = arith.mulf %exp3A_1602, %exp3A_1602 : vector<16xf32>
      %add3A_1608 = arith.addf %add3A_1596, %mul3A_1607 : vector<16xf32>
      %broadcast_in_dim3A_1609 = arith.constant 95 : i32
      %broadcast_in_dim3A_1610 = vector.broadcast %broadcast_in_dim3A_1609 : i32 to vector<16xi32>
      %gather3A_1611 = tpu.vector_load_idx %arg9[%add3A_464, %broadcast_in_dim3A_1610] : memref<256x128xf32, #tpu.memory_space<vmem>>[vector<16xi32>, vector<16xi32>], vector<16xf32>,
      %exp3A_1612 = math.exp %gather3A_1611 : vector<16xf32>
      %gather3A_1613 = tpu.vector_load_idx %arg10[%add3A_464, %broadcast_in_dim3A_1610] : memref<256x128xf32, #tpu.memory_space<vmem>>[vector<16xi32>, vector<16xi32>], vector<16xf32>,
      %exp3A_1614 = math.exp %gather3A_1613 : vector<16xf32>
      %mul3A_1615 = arith.mulf %exp3A_1612, %exp3A_1614 : vector<16xf32>
      %add3A_1616 = arith.addf %add3A_1604, %mul3A_1615 : vector<16xf32>
      %mul3A_1617 = arith.mulf %exp3A_1612, %exp3A_1612 : vector<16xf32>
      %add3A_1618 = arith.addf %add3A_1606, %mul3A_1617 : vector<16xf32>
      %mul3A_1619 = arith.mulf %exp3A_1614, %exp3A_1614 : vector<16xf32>
      %add3A_1620 = arith.addf %add3A_1608, %mul3A_1619 : vector<16xf32>
      %broadcast_in_dim3A_1621 = arith.constant 96 : i32
      %broadcast_in_dim3A_1622 = vector.broadcast %broadcast_in_dim3A_1621 : i32 to vector<16xi32>
      %gather3A_1623 = tpu.vector_load_idx %arg9[%add3A_464, %broadcast_in_dim3A_1622] : memref<256x128xf32, #tpu.memory_space<vmem>>[vector<16xi32>, vector<16xi32>], vector<16xf32>,
      %exp3A_1624 = math.exp %gather3A_1623 : vector<16xf32>
      %gather3A_1625 = tpu.vector_load_idx %arg10[%add3A_464, %broadcast_in_dim3A_1622] : memref<256x128xf32, #tpu.memory_space<vmem>>[vector<16xi32>, vector<16xi32>], vector<16xf32>,
      %exp3A_1626 = math.exp %gather3A_1625 : vector<16xf32>
      %mul3A_1627 = arith.mulf %exp3A_1624, %exp3A_1626 : vector<16xf32>
      %add3A_1628 = arith.addf %add3A_1616, %mul3A_1627 : vector<16xf32>
      %mul3A_1629 = arith.mulf %exp3A_1624, %exp3A_1624 : vector<16xf32>
      %add3A_1630 = arith.addf %add3A_1618, %mul3A_1629 : vector<16xf32>
      %mul3A_1631 = arith.mulf %exp3A_1626, %exp3A_1626 : vector<16xf32>
      %add3A_1632 = arith.addf %add3A_1620, %mul3A_1631 : vector<16xf32>
      %broadcast_in_dim3A_1633 = arith.constant 97 : i32
      %broadcast_in_dim3A_1634 = vector.broadcast %broadcast_in_dim3A_1633 : i32 to vector<16xi32>
      %gather3A_1635 = tpu.vector_load_idx %arg9[%add3A_464, %broadcast_in_dim3A_1634] : memref<256x128xf32, #tpu.memory_space<vmem>>[vector<16xi32>, vector<16xi32>], vector<16xf32>,
      %exp3A_1636 = math.exp %gather3A_1635 : vector<16xf32>
      %gather3A_1637 = tpu.vector_load_idx %arg10[%add3A_464, %broadcast_in_dim3A_1634] : memref<256x128xf32, #tpu.memory_space<vmem>>[vector<16xi32>, vector<16xi32>], vector<16xf32>,
      %exp3A_1638 = math.exp %gather3A_1637 : vector<16xf32>
      %mul3A_1639 = arith.mulf %exp3A_1636, %exp3A_1638 : vector<16xf32>
      %add3A_1640 = arith.addf %add3A_1628, %mul3A_1639 : vector<16xf32>
      %mul3A_1641 = arith.mulf %exp3A_1636, %exp3A_1636 : vector<16xf32>
      %add3A_1642 = arith.addf %add3A_1630, %mul3A_1641 : vector<16xf32>
      %mul3A_1643 = arith.mulf %exp3A_1638, %exp3A_1638 : vector<16xf32>
      %add3A_1644 = arith.addf %add3A_1632, %mul3A_1643 : vector<16xf32>
      %broadcast_in_dim3A_1645 = arith.constant 98 : i32
      %broadcast_in_dim3A_1646 = vector.broadcast %broadcast_in_dim3A_1645 : i32 to vector<16xi32>
      %gather3A_1647 = tpu.vector_load_idx %arg9[%add3A_464, %broadcast_in_dim3A_1646] : memref<256x128xf32, #tpu.memory_space<vmem>>[vector<16xi32>, vector<16xi32>], vector<16xf32>,
      %exp3A_1648 = math.exp %gather3A_1647 : vector<16xf32>
      %gather3A_1649 = tpu.vector_load_idx %arg10[%add3A_464, %broadcast_in_dim3A_1646] : memref<256x128xf32, #tpu.memory_space<vmem>>[vector<16xi32>, vector<16xi32>], vector<16xf32>,
      %exp3A_1650 = math.exp %gather3A_1649 : vector<16xf32>
      %mul3A_1651 = arith.mulf %exp3A_1648, %exp3A_1650 : vector<16xf32>
      %add3A_1652 = arith.addf %add3A_1640, %mul3A_1651 : vector<16xf32>
      %mul3A_1653 = arith.mulf %exp3A_1648, %exp3A_1648 : vector<16xf32>
      %add3A_1654 = arith.addf %add3A_1642, %mul3A_1653 : vector<16xf32>
      %mul3A_1655 = arith.mulf %exp3A_1650, %exp3A_1650 : vector<16xf32>
      %add3A_1656 = arith.addf %add3A_1644, %mul3A_1655 : vector<16xf32>
      %broadcast_in_dim3A_1657 = arith.constant 99 : i32
      %broadcast_in_dim3A_1658 = vector.broadcast %broadcast_in_dim3A_1657 : i32 to vector<16xi32>
      %gather3A_1659 = tpu.vector_load_idx %arg9[%add3A_464, %broadcast_in_dim3A_1658] : memref<256x128xf32, #tpu.memory_space<vmem>>[vector<16xi32>, vector<16xi32>], vector<16xf32>,
      %exp3A_1660 = math.exp %gather3A_1659 : vector<16xf32>
      %gather3A_1661 = tpu.vector_load_idx %arg10[%add3A_464, %broadcast_in_dim3A_1658] : memref<256x128xf32, #tpu.memory_space<vmem>>[vector<16xi32>, vector<16xi32>], vector<16xf32>,
      %exp3A_1662 = math.exp %gather3A_1661 : vector<16xf32>
      %mul3A_1663 = arith.mulf %exp3A_1660, %exp3A_1662 : vector<16xf32>
      %add3A_1664 = arith.addf %add3A_1652, %mul3A_1663 : vector<16xf32>
      %mul3A_1665 = arith.mulf %exp3A_1660, %exp3A_1660 : vector<16xf32>
      %add3A_1666 = arith.addf %add3A_1654, %mul3A_1665 : vector<16xf32>
      %mul3A_1667 = arith.mulf %exp3A_1662, %exp3A_1662 : vector<16xf32>
      %add3A_1668 = arith.addf %add3A_1656, %mul3A_1667 : vector<16xf32>
      %broadcast_in_dim3A_1669 = arith.constant 100 : i32
      %broadcast_in_dim3A_1670 = vector.broadcast %broadcast_in_dim3A_1669 : i32 to vector<16xi32>
      %gather3A_1671 = tpu.vector_load_idx %arg9[%add3A_464, %broadcast_in_dim3A_1670] : memref<256x128xf32, #tpu.memory_space<vmem>>[vector<16xi32>, vector<16xi32>], vector<16xf32>,
      %exp3A_1672 = math.exp %gather3A_1671 : vector<16xf32>
      %gather3A_1673 = tpu.vector_load_idx %arg10[%add3A_464, %broadcast_in_dim3A_1670] : memref<256x128xf32, #tpu.memory_space<vmem>>[vector<16xi32>, vector<16xi32>], vector<16xf32>,
      %exp3A_1674 = math.exp %gather3A_1673 : vector<16xf32>
      %mul3A_1675 = arith.mulf %exp3A_1672, %exp3A_1674 : vector<16xf32>
      %add3A_1676 = arith.addf %add3A_1664, %mul3A_1675 : vector<16xf32>
      %mul3A_1677 = arith.mulf %exp3A_1672, %exp3A_1672 : vector<16xf32>
      %add3A_1678 = arith.addf %add3A_1666, %mul3A_1677 : vector<16xf32>
      %mul3A_1679 = arith.mulf %exp3A_1674, %exp3A_1674 : vector<16xf32>
      %add3A_1680 = arith.addf %add3A_1668, %mul3A_1679 : vector<16xf32>
      %broadcast_in_dim3A_1681 = arith.constant 101 : i32
      %broadcast_in_dim3A_1682 = vector.broadcast %broadcast_in_dim3A_1681 : i32 to vector<16xi32>
      %gather3A_1683 = tpu.vector_load_idx %arg9[%add3A_464, %broadcast_in_dim3A_1682] : memref<256x128xf32, #tpu.memory_space<vmem>>[vector<16xi32>, vector<16xi32>], vector<16xf32>,
      %exp3A_1684 = math.exp %gather3A_1683 : vector<16xf32>
      %gather3A_1685 = tpu.vector_load_idx %arg10[%add3A_464, %broadcast_in_dim3A_1682] : memref<256x128xf32, #tpu.memory_space<vmem>>[vector<16xi32>, vector<16xi32>], vector<16xf32>,
      %exp3A_1686 = math.exp %gather3A_1685 : vector<16xf32>
      %mul3A_1687 = arith.mulf %exp3A_1684, %exp3A_1686 : vector<16xf32>
      %add3A_1688 = arith.addf %add3A_1676, %mul3A_1687 : vector<16xf32>
      %mul3A_1689 = arith.mulf %exp3A_1684, %exp3A_1684 : vector<16xf32>
      %add3A_1690 = arith.addf %add3A_1678, %mul3A_1689 : vector<16xf32>
      %mul3A_1691 = arith.mulf %exp3A_1686, %exp3A_1686 : vector<16xf32>
      %add3A_1692 = arith.addf %add3A_1680, %mul3A_1691 : vector<16xf32>
      %broadcast_in_dim3A_1693 = arith.constant 102 : i32
      %broadcast_in_dim3A_1694 = vector.broadcast %broadcast_in_dim3A_1693 : i32 to vector<16xi32>
      %gather3A_1695 = tpu.vector_load_idx %arg9[%add3A_464, %broadcast_in_dim3A_1694] : memref<256x128xf32, #tpu.memory_space<vmem>>[vector<16xi32>, vector<16xi32>], vector<16xf32>,
      %exp3A_1696 = math.exp %gather3A_1695 : vector<16xf32>
      %gather3A_1697 = tpu.vector_load_idx %arg10[%add3A_464, %broadcast_in_dim3A_1694] : memref<256x128xf32, #tpu.memory_space<vmem>>[vector<16xi32>, vector<16xi32>], vector<16xf32>,
      %exp3A_1698 = math.exp %gather3A_1697 : vector<16xf32>
      %mul3A_1699 = arith.mulf %exp3A_1696, %exp3A_1698 : vector<16xf32>
      %add3A_1700 = arith.addf %add3A_1688, %mul3A_1699 : vector<16xf32>
      %mul3A_1701 = arith.mulf %exp3A_1696, %exp3A_1696 : vector<16xf32>
      %add3A_1702 = arith.addf %add3A_1690, %mul3A_1701 : vector<16xf32>
      %mul3A_1703 = arith.mulf %exp3A_1698, %exp3A_1698 : vector<16xf32>
      %add3A_1704 = arith.addf %add3A_1692, %mul3A_1703 : vector<16xf32>
      %broadcast_in_dim3A_1705 = arith.constant 103 : i32
      %broadcast_in_dim3A_1706 = vector.broadcast %broadcast_in_dim3A_1705 : i32 to vector<16xi32>
      %gather3A_1707 = tpu.vector_load_idx %arg9[%add3A_464, %broadcast_in_dim3A_1706] : memref<256x128xf32, #tpu.memory_space<vmem>>[vector<16xi32>, vector<16xi32>], vector<16xf32>,
      %exp3A_1708 = math.exp %gather3A_1707 : vector<16xf32>
      %gather3A_1709 = tpu.vector_load_idx %arg10[%add3A_464, %broadcast_in_dim3A_1706] : memref<256x128xf32, #tpu.memory_space<vmem>>[vector<16xi32>, vector<16xi32>], vector<16xf32>,
      %exp3A_1710 = math.exp %gather3A_1709 : vector<16xf32>
      %mul3A_1711 = arith.mulf %exp3A_1708, %exp3A_1710 : vector<16xf32>
      %add3A_1712 = arith.addf %add3A_1700, %mul3A_1711 : vector<16xf32>
      %mul3A_1713 = arith.mulf %exp3A_1708, %exp3A_1708 : vector<16xf32>
      %add3A_1714 = arith.addf %add3A_1702, %mul3A_1713 : vector<16xf32>
      %mul3A_1715 = arith.mulf %exp3A_1710, %exp3A_1710 : vector<16xf32>
      %add3A_1716 = arith.addf %add3A_1704, %mul3A_1715 : vector<16xf32>
      %broadcast_in_dim3A_1717 = arith.constant 104 : i32
      %broadcast_in_dim3A_1718 = vector.broadcast %broadcast_in_dim3A_1717 : i32 to vector<16xi32>
      %gather3A_1719 = tpu.vector_load_idx %arg9[%add3A_464, %broadcast_in_dim3A_1718] : memref<256x128xf32, #tpu.memory_space<vmem>>[vector<16xi32>, vector<16xi32>], vector<16xf32>,
      %exp3A_1720 = math.exp %gather3A_1719 : vector<16xf32>
      %gather3A_1721 = tpu.vector_load_idx %arg10[%add3A_464, %broadcast_in_dim3A_1718] : memref<256x128xf32, #tpu.memory_space<vmem>>[vector<16xi32>, vector<16xi32>], vector<16xf32>,
      %exp3A_1722 = math.exp %gather3A_1721 : vector<16xf32>
      %mul3A_1723 = arith.mulf %exp3A_1720, %exp3A_1722 : vector<16xf32>
      %add3A_1724 = arith.addf %add3A_1712, %mul3A_1723 : vector<16xf32>
      %mul3A_1725 = arith.mulf %exp3A_1720, %exp3A_1720 : vector<16xf32>
      %add3A_1726 = arith.addf %add3A_1714, %mul3A_1725 : vector<16xf32>
      %mul3A_1727 = arith.mulf %exp3A_1722, %exp3A_1722 : vector<16xf32>
      %add3A_1728 = arith.addf %add3A_1716, %mul3A_1727 : vector<16xf32>
      %broadcast_in_dim3A_1729 = arith.constant 105 : i32
      %broadcast_in_dim3A_1730 = vector.broadcast %broadcast_in_dim3A_1729 : i32 to vector<16xi32>
      %gather3A_1731 = tpu.vector_load_idx %arg9[%add3A_464, %broadcast_in_dim3A_1730] : memref<256x128xf32, #tpu.memory_space<vmem>>[vector<16xi32>, vector<16xi32>], vector<16xf32>,
      %exp3A_1732 = math.exp %gather3A_1731 : vector<16xf32>
      %gather3A_1733 = tpu.vector_load_idx %arg10[%add3A_464, %broadcast_in_dim3A_1730] : memref<256x128xf32, #tpu.memory_space<vmem>>[vector<16xi32>, vector<16xi32>], vector<16xf32>,
      %exp3A_1734 = math.exp %gather3A_1733 : vector<16xf32>
      %mul3A_1735 = arith.mulf %exp3A_1732, %exp3A_1734 : vector<16xf32>
      %add3A_1736 = arith.addf %add3A_1724, %mul3A_1735 : vector<16xf32>
      %mul3A_1737 = arith.mulf %exp3A_1732, %exp3A_1732 : vector<16xf32>
      %add3A_1738 = arith.addf %add3A_1726, %mul3A_1737 : vector<16xf32>
      %mul3A_1739 = arith.mulf %exp3A_1734, %exp3A_1734 : vector<16xf32>
      %add3A_1740 = arith.addf %add3A_1728, %mul3A_1739 : vector<16xf32>
      %broadcast_in_dim3A_1741 = arith.constant 106 : i32
      %broadcast_in_dim3A_1742 = vector.broadcast %broadcast_in_dim3A_1741 : i32 to vector<16xi32>
      %gather3A_1743 = tpu.vector_load_idx %arg9[%add3A_464, %broadcast_in_dim3A_1742] : memref<256x128xf32, #tpu.memory_space<vmem>>[vector<16xi32>, vector<16xi32>], vector<16xf32>,
      %exp3A_1744 = math.exp %gather3A_1743 : vector<16xf32>
      %gather3A_1745 = tpu.vector_load_idx %arg10[%add3A_464, %broadcast_in_dim3A_1742] : memref<256x128xf32, #tpu.memory_space<vmem>>[vector<16xi32>, vector<16xi32>], vector<16xf32>,
      %exp3A_1746 = math.exp %gather3A_1745 : vector<16xf32>
      %mul3A_1747 = arith.mulf %exp3A_1744, %exp3A_1746 : vector<16xf32>
      %add3A_1748 = arith.addf %add3A_1736, %mul3A_1747 : vector<16xf32>
      %mul3A_1749 = arith.mulf %exp3A_1744, %exp3A_1744 : vector<16xf32>
      %add3A_1750 = arith.addf %add3A_1738, %mul3A_1749 : vector<16xf32>
      %mul3A_1751 = arith.mulf %exp3A_1746, %exp3A_1746 : vector<16xf32>
      %add3A_1752 = arith.addf %add3A_1740, %mul3A_1751 : vector<16xf32>
      %broadcast_in_dim3A_1753 = arith.constant 107 : i32
      %broadcast_in_dim3A_1754 = vector.broadcast %broadcast_in_dim3A_1753 : i32 to vector<16xi32>
      %gather3A_1755 = tpu.vector_load_idx %arg9[%add3A_464, %broadcast_in_dim3A_1754] : memref<256x128xf32, #tpu.memory_space<vmem>>[vector<16xi32>, vector<16xi32>], vector<16xf32>,
      %exp3A_1756 = math.exp %gather3A_1755 : vector<16xf32>
      %gather3A_1757 = tpu.vector_load_idx %arg10[%add3A_464, %broadcast_in_dim3A_1754] : memref<256x128xf32, #tpu.memory_space<vmem>>[vector<16xi32>, vector<16xi32>], vector<16xf32>,
      %exp3A_1758 = math.exp %gather3A_1757 : vector<16xf32>
      %mul3A_1759 = arith.mulf %exp3A_1756, %exp3A_1758 : vector<16xf32>
      %add3A_1760 = arith.addf %add3A_1748, %mul3A_1759 : vector<16xf32>
      %mul3A_1761 = arith.mulf %exp3A_1756, %exp3A_1756 : vector<16xf32>
      %add3A_1762 = arith.addf %add3A_1750, %mul3A_1761 : vector<16xf32>
      %mul3A_1763 = arith.mulf %exp3A_1758, %exp3A_1758 : vector<16xf32>
      %add3A_1764 = arith.addf %add3A_1752, %mul3A_1763 : vector<16xf32>
      %broadcast_in_dim3A_1765 = arith.constant 108 : i32
      %broadcast_in_dim3A_1766 = vector.broadcast %broadcast_in_dim3A_1765 : i32 to vector<16xi32>
      %gather3A_1767 = tpu.vector_load_idx %arg9[%add3A_464, %broadcast_in_dim3A_1766] : memref<256x128xf32, #tpu.memory_space<vmem>>[vector<16xi32>, vector<16xi32>], vector<16xf32>,
      %exp3A_1768 = math.exp %gather3A_1767 : vector<16xf32>
      %gather3A_1769 = tpu.vector_load_idx %arg10[%add3A_464, %broadcast_in_dim3A_1766] : memref<256x128xf32, #tpu.memory_space<vmem>>[vector<16xi32>, vector<16xi32>], vector<16xf32>,
      %exp3A_1770 = math.exp %gather3A_1769 : vector<16xf32>
      %mul3A_1771 = arith.mulf %exp3A_1768, %exp3A_1770 : vector<16xf32>
      %add3A_1772 = arith.addf %add3A_1760, %mul3A_1771 : vector<16xf32>
      %mul3A_1773 = arith.mulf %exp3A_1768, %exp3A_1768 : vector<16xf32>
      %add3A_1774 = arith.addf %add3A_1762, %mul3A_1773 : vector<16xf32>
      %mul3A_1775 = arith.mulf %exp3A_1770, %exp3A_1770 : vector<16xf32>
      %add3A_1776 = arith.addf %add3A_1764, %mul3A_1775 : vector<16xf32>
      %broadcast_in_dim3A_1777 = arith.constant 109 : i32
      %broadcast_in_dim3A_1778 = vector.broadcast %broadcast_in_dim3A_1777 : i32 to vector<16xi32>
      %gather3A_1779 = tpu.vector_load_idx %arg9[%add3A_464, %broadcast_in_dim3A_1778] : memref<256x128xf32, #tpu.memory_space<vmem>>[vector<16xi32>, vector<16xi32>], vector<16xf32>,
      %exp3A_1780 = math.exp %gather3A_1779 : vector<16xf32>
      %gather3A_1781 = tpu.vector_load_idx %arg10[%add3A_464, %broadcast_in_dim3A_1778] : memref<256x128xf32, #tpu.memory_space<vmem>>[vector<16xi32>, vector<16xi32>], vector<16xf32>,
      %exp3A_1782 = math.exp %gather3A_1781 : vector<16xf32>
      %mul3A_1783 = arith.mulf %exp3A_1780, %exp3A_1782 : vector<16xf32>
      %add3A_1784 = arith.addf %add3A_1772, %mul3A_1783 : vector<16xf32>
      %mul3A_1785 = arith.mulf %exp3A_1780, %exp3A_1780 : vector<16xf32>
      %add3A_1786 = arith.addf %add3A_1774, %mul3A_1785 : vector<16xf32>
      %mul3A_1787 = arith.mulf %exp3A_1782, %exp3A_1782 : vector<16xf32>
      %add3A_1788 = arith.addf %add3A_1776, %mul3A_1787 : vector<16xf32>
      %broadcast_in_dim3A_1789 = arith.constant 110 : i32
      %broadcast_in_dim3A_1790 = vector.broadcast %broadcast_in_dim3A_1789 : i32 to vector<16xi32>
      %gather3A_1791 = tpu.vector_load_idx %arg9[%add3A_464, %broadcast_in_dim3A_1790] : memref<256x128xf32, #tpu.memory_space<vmem>>[vector<16xi32>, vector<16xi32>], vector<16xf32>,
      %exp3A_1792 = math.exp %gather3A_1791 : vector<16xf32>
      %gather3A_1793 = tpu.vector_load_idx %arg10[%add3A_464, %broadcast_in_dim3A_1790] : memref<256x128xf32, #tpu.memory_space<vmem>>[vector<16xi32>, vector<16xi32>], vector<16xf32>,
      %exp3A_1794 = math.exp %gather3A_1793 : vector<16xf32>
      %mul3A_1795 = arith.mulf %exp3A_1792, %exp3A_1794 : vector<16xf32>
      %add3A_1796 = arith.addf %add3A_1784, %mul3A_1795 : vector<16xf32>
      %mul3A_1797 = arith.mulf %exp3A_1792, %exp3A_1792 : vector<16xf32>
      %add3A_1798 = arith.addf %add3A_1786, %mul3A_1797 : vector<16xf32>
      %mul3A_1799 = arith.mulf %exp3A_1794, %exp3A_1794 : vector<16xf32>
      %add3A_1800 = arith.addf %add3A_1788, %mul3A_1799 : vector<16xf32>
      %broadcast_in_dim3A_1801 = arith.constant 111 : i32
      %broadcast_in_dim3A_1802 = vector.broadcast %broadcast_in_dim3A_1801 : i32 to vector<16xi32>
      %gather3A_1803 = tpu.vector_load_idx %arg9[%add3A_464, %broadcast_in_dim3A_1802] : memref<256x128xf32, #tpu.memory_space<vmem>>[vector<16xi32>, vector<16xi32>], vector<16xf32>,
      %exp3A_1804 = math.exp %gather3A_1803 : vector<16xf32>
      %gather3A_1805 = tpu.vector_load_idx %arg10[%add3A_464, %broadcast_in_dim3A_1802] : memref<256x128xf32, #tpu.memory_space<vmem>>[vector<16xi32>, vector<16xi32>], vector<16xf32>,
      %exp3A_1806 = math.exp %gather3A_1805 : vector<16xf32>
      %mul3A_1807 = arith.mulf %exp3A_1804, %exp3A_1806 : vector<16xf32>
      %add3A_1808 = arith.addf %add3A_1796, %mul3A_1807 : vector<16xf32>
      %mul3A_1809 = arith.mulf %exp3A_1804, %exp3A_1804 : vector<16xf32>
      %add3A_1810 = arith.addf %add3A_1798, %mul3A_1809 : vector<16xf32>
      %mul3A_1811 = arith.mulf %exp3A_1806, %exp3A_1806 : vector<16xf32>
      %add3A_1812 = arith.addf %add3A_1800, %mul3A_1811 : vector<16xf32>
      %broadcast_in_dim3A_1813 = arith.constant 112 : i32
      %broadcast_in_dim3A_1814 = vector.broadcast %broadcast_in_dim3A_1813 : i32 to vector<16xi32>
      %gather3A_1815 = tpu.vector_load_idx %arg9[%add3A_464, %broadcast_in_dim3A_1814] : memref<256x128xf32, #tpu.memory_space<vmem>>[vector<16xi32>, vector<16xi32>], vector<16xf32>,
      %exp3A_1816 = math.exp %gather3A_1815 : vector<16xf32>
      %gather3A_1817 = tpu.vector_load_idx %arg10[%add3A_464, %broadcast_in_dim3A_1814] : memref<256x128xf32, #tpu.memory_space<vmem>>[vector<16xi32>, vector<16xi32>], vector<16xf32>,
      %exp3A_1818 = math.exp %gather3A_1817 : vector<16xf32>
      %mul3A_1819 = arith.mulf %exp3A_1816, %exp3A_1818 : vector<16xf32>
      %add3A_1820 = arith.addf %add3A_1808, %mul3A_1819 : vector<16xf32>
      %mul3A_1821 = arith.mulf %exp3A_1816, %exp3A_1816 : vector<16xf32>
      %add3A_1822 = arith.addf %add3A_1810, %mul3A_1821 : vector<16xf32>
      %mul3A_1823 = arith.mulf %exp3A_1818, %exp3A_1818 : vector<16xf32>
      %add3A_1824 = arith.addf %add3A_1812, %mul3A_1823 : vector<16xf32>
      %broadcast_in_dim3A_1825 = arith.constant 113 : i32
      %broadcast_in_dim3A_1826 = vector.broadcast %broadcast_in_dim3A_1825 : i32 to vector<16xi32>
      %gather3A_1827 = tpu.vector_load_idx %arg9[%add3A_464, %broadcast_in_dim3A_1826] : memref<256x128xf32, #tpu.memory_space<vmem>>[vector<16xi32>, vector<16xi32>], vector<16xf32>,
      %exp3A_1828 = math.exp %gather3A_1827 : vector<16xf32>
      %gather3A_1829 = tpu.vector_load_idx %arg10[%add3A_464, %broadcast_in_dim3A_1826] : memref<256x128xf32, #tpu.memory_space<vmem>>[vector<16xi32>, vector<16xi32>], vector<16xf32>,
      %exp3A_1830 = math.exp %gather3A_1829 : vector<16xf32>
      %mul3A_1831 = arith.mulf %exp3A_1828, %exp3A_1830 : vector<16xf32>
      %add3A_1832 = arith.addf %add3A_1820, %mul3A_1831 : vector<16xf32>
      %mul3A_1833 = arith.mulf %exp3A_1828, %exp3A_1828 : vector<16xf32>
      %add3A_1834 = arith.addf %add3A_1822, %mul3A_1833 : vector<16xf32>
      %mul3A_1835 = arith.mulf %exp3A_1830, %exp3A_1830 : vector<16xf32>
      %add3A_1836 = arith.addf %add3A_1824, %mul3A_1835 : vector<16xf32>
      %broadcast_in_dim3A_1837 = arith.constant 114 : i32
      %broadcast_in_dim3A_1838 = vector.broadcast %broadcast_in_dim3A_1837 : i32 to vector<16xi32>
      %gather3A_1839 = tpu.vector_load_idx %arg9[%add3A_464, %broadcast_in_dim3A_1838] : memref<256x128xf32, #tpu.memory_space<vmem>>[vector<16xi32>, vector<16xi32>], vector<16xf32>,
      %exp3A_1840 = math.exp %gather3A_1839 : vector<16xf32>
      %gather3A_1841 = tpu.vector_load_idx %arg10[%add3A_464, %broadcast_in_dim3A_1838] : memref<256x128xf32, #tpu.memory_space<vmem>>[vector<16xi32>, vector<16xi32>], vector<16xf32>,
      %exp3A_1842 = math.exp %gather3A_1841 : vector<16xf32>
      %mul3A_1843 = arith.mulf %exp3A_1840, %exp3A_1842 : vector<16xf32>
      %add3A_1844 = arith.addf %add3A_1832, %mul3A_1843 : vector<16xf32>
      %mul3A_1845 = arith.mulf %exp3A_1840, %exp3A_1840 : vector<16xf32>
      %add3A_1846 = arith.addf %add3A_1834, %mul3A_1845 : vector<16xf32>
      %mul3A_1847 = arith.mulf %exp3A_1842, %exp3A_1842 : vector<16xf32>
      %add3A_1848 = arith.addf %add3A_1836, %mul3A_1847 : vector<16xf32>
      %broadcast_in_dim3A_1849 = arith.constant 115 : i32
      %broadcast_in_dim3A_1850 = vector.broadcast %broadcast_in_dim3A_1849 : i32 to vector<16xi32>
      %gather3A_1851 = tpu.vector_load_idx %arg9[%add3A_464, %broadcast_in_dim3A_1850] : memref<256x128xf32, #tpu.memory_space<vmem>>[vector<16xi32>, vector<16xi32>], vector<16xf32>,
      %exp3A_1852 = math.exp %gather3A_1851 : vector<16xf32>
      %gather3A_1853 = tpu.vector_load_idx %arg10[%add3A_464, %broadcast_in_dim3A_1850] : memref<256x128xf32, #tpu.memory_space<vmem>>[vector<16xi32>, vector<16xi32>], vector<16xf32>,
      %exp3A_1854 = math.exp %gather3A_1853 : vector<16xf32>
      %mul3A_1855 = arith.mulf %exp3A_1852, %exp3A_1854 : vector<16xf32>
      %add3A_1856 = arith.addf %add3A_1844, %mul3A_1855 : vector<16xf32>
      %mul3A_1857 = arith.mulf %exp3A_1852, %exp3A_1852 : vector<16xf32>
      %add3A_1858 = arith.addf %add3A_1846, %mul3A_1857 : vector<16xf32>
      %mul3A_1859 = arith.mulf %exp3A_1854, %exp3A_1854 : vector<16xf32>
      %add3A_1860 = arith.addf %add3A_1848, %mul3A_1859 : vector<16xf32>
      %broadcast_in_dim3A_1861 = arith.constant 116 : i32
      %broadcast_in_dim3A_1862 = vector.broadcast %broadcast_in_dim3A_1861 : i32 to vector<16xi32>
      %gather3A_1863 = tpu.vector_load_idx %arg9[%add3A_464, %broadcast_in_dim3A_1862] : memref<256x128xf32, #tpu.memory_space<vmem>>[vector<16xi32>, vector<16xi32>], vector<16xf32>,
      %exp3A_1864 = math.exp %gather3A_1863 : vector<16xf32>
      %gather3A_1865 = tpu.vector_load_idx %arg10[%add3A_464, %broadcast_in_dim3A_1862] : memref<256x128xf32, #tpu.memory_space<vmem>>[vector<16xi32>, vector<16xi32>], vector<16xf32>,
      %exp3A_1866 = math.exp %gather3A_1865 : vector<16xf32>
      %mul3A_1867 = arith.mulf %exp3A_1864, %exp3A_1866 : vector<16xf32>
      %add3A_1868 = arith.addf %add3A_1856, %mul3A_1867 : vector<16xf32>
      %mul3A_1869 = arith.mulf %exp3A_1864, %exp3A_1864 : vector<16xf32>
      %add3A_1870 = arith.addf %add3A_1858, %mul3A_1869 : vector<16xf32>
      %mul3A_1871 = arith.mulf %exp3A_1866, %exp3A_1866 : vector<16xf32>
      %add3A_1872 = arith.addf %add3A_1860, %mul3A_1871 : vector<16xf32>
      %broadcast_in_dim3A_1873 = arith.constant 117 : i32
      %broadcast_in_dim3A_1874 = vector.broadcast %broadcast_in_dim3A_1873 : i32 to vector<16xi32>
      %gather3A_1875 = tpu.vector_load_idx %arg9[%add3A_464, %broadcast_in_dim3A_1874] : memref<256x128xf32, #tpu.memory_space<vmem>>[vector<16xi32>, vector<16xi32>], vector<16xf32>,
      %exp3A_1876 = math.exp %gather3A_1875 : vector<16xf32>
      %gather3A_1877 = tpu.vector_load_idx %arg10[%add3A_464, %broadcast_in_dim3A_1874] : memref<256x128xf32, #tpu.memory_space<vmem>>[vector<16xi32>, vector<16xi32>], vector<16xf32>,
      %exp3A_1878 = math.exp %gather3A_1877 : vector<16xf32>
      %mul3A_1879 = arith.mulf %exp3A_1876, %exp3A_1878 : vector<16xf32>
      %add3A_1880 = arith.addf %add3A_1868, %mul3A_1879 : vector<16xf32>
      %mul3A_1881 = arith.mulf %exp3A_1876, %exp3A_1876 : vector<16xf32>
      %add3A_1882 = arith.addf %add3A_1870, %mul3A_1881 : vector<16xf32>
      %mul3A_1883 = arith.mulf %exp3A_1878, %exp3A_1878 : vector<16xf32>
      %add3A_1884 = arith.addf %add3A_1872, %mul3A_1883 : vector<16xf32>
      %broadcast_in_dim3A_1885 = arith.constant 118 : i32
      %broadcast_in_dim3A_1886 = vector.broadcast %broadcast_in_dim3A_1885 : i32 to vector<16xi32>
      %gather3A_1887 = tpu.vector_load_idx %arg9[%add3A_464, %broadcast_in_dim3A_1886] : memref<256x128xf32, #tpu.memory_space<vmem>>[vector<16xi32>, vector<16xi32>], vector<16xf32>,
      %exp3A_1888 = math.exp %gather3A_1887 : vector<16xf32>
      %gather3A_1889 = tpu.vector_load_idx %arg10[%add3A_464, %broadcast_in_dim3A_1886] : memref<256x128xf32, #tpu.memory_space<vmem>>[vector<16xi32>, vector<16xi32>], vector<16xf32>,
      %exp3A_1890 = math.exp %gather3A_1889 : vector<16xf32>
      %mul3A_1891 = arith.mulf %exp3A_1888, %exp3A_1890 : vector<16xf32>
      %add3A_1892 = arith.addf %add3A_1880, %mul3A_1891 : vector<16xf32>
      %mul3A_1893 = arith.mulf %exp3A_1888, %exp3A_1888 : vector<16xf32>
      %add3A_1894 = arith.addf %add3A_1882, %mul3A_1893 : vector<16xf32>
      %mul3A_1895 = arith.mulf %exp3A_1890, %exp3A_1890 : vector<16xf32>
      %add3A_1896 = arith.addf %add3A_1884, %mul3A_1895 : vector<16xf32>
      %broadcast_in_dim3A_1897 = arith.constant 119 : i32
      %broadcast_in_dim3A_1898 = vector.broadcast %broadcast_in_dim3A_1897 : i32 to vector<16xi32>
      %gather3A_1899 = tpu.vector_load_idx %arg9[%add3A_464, %broadcast_in_dim3A_1898] : memref<256x128xf32, #tpu.memory_space<vmem>>[vector<16xi32>, vector<16xi32>], vector<16xf32>,
      %exp3A_1900 = math.exp %gather3A_1899 : vector<16xf32>
      %gather3A_1901 = tpu.vector_load_idx %arg10[%add3A_464, %broadcast_in_dim3A_1898] : memref<256x128xf32, #tpu.memory_space<vmem>>[vector<16xi32>, vector<16xi32>], vector<16xf32>,
      %exp3A_1902 = math.exp %gather3A_1901 : vector<16xf32>
      %mul3A_1903 = arith.mulf %exp3A_1900, %exp3A_1902 : vector<16xf32>
      %add3A_1904 = arith.addf %add3A_1892, %mul3A_1903 : vector<16xf32>
      %mul3A_1905 = arith.mulf %exp3A_1900, %exp3A_1900 : vector<16xf32>
      %add3A_1906 = arith.addf %add3A_1894, %mul3A_1905 : vector<16xf32>
      %mul3A_1907 = arith.mulf %exp3A_1902, %exp3A_1902 : vector<16xf32>
      %add3A_1908 = arith.addf %add3A_1896, %mul3A_1907 : vector<16xf32>
      %broadcast_in_dim3A_1909 = arith.constant 120 : i32
      %broadcast_in_dim3A_1910 = vector.broadcast %broadcast_in_dim3A_1909 : i32 to vector<16xi32>
      %gather3A_1911 = tpu.vector_load_idx %arg9[%add3A_464, %broadcast_in_dim3A_1910] : memref<256x128xf32, #tpu.memory_space<vmem>>[vector<16xi32>, vector<16xi32>], vector<16xf32>,
      %exp3A_1912 = math.exp %gather3A_1911 : vector<16xf32>
      %gather3A_1913 = tpu.vector_load_idx %arg10[%add3A_464, %broadcast_in_dim3A_1910] : memref<256x128xf32, #tpu.memory_space<vmem>>[vector<16xi32>, vector<16xi32>], vector<16xf32>,
      %exp3A_1914 = math.exp %gather3A_1913 : vector<16xf32>
      %mul3A_1915 = arith.mulf %exp3A_1912, %exp3A_1914 : vector<16xf32>
      %add3A_1916 = arith.addf %add3A_1904, %mul3A_1915 : vector<16xf32>
      %mul3A_1917 = arith.mulf %exp3A_1912, %exp3A_1912 : vector<16xf32>
      %add3A_1918 = arith.addf %add3A_1906, %mul3A_1917 : vector<16xf32>
      %mul3A_1919 = arith.mulf %exp3A_1914, %exp3A_1914 : vector<16xf32>
      %add3A_1920 = arith.addf %add3A_1908, %mul3A_1919 : vector<16xf32>
      %broadcast_in_dim3A_1921 = arith.constant 121 : i32
      %broadcast_in_dim3A_1922 = vector.broadcast %broadcast_in_dim3A_1921 : i32 to vector<16xi32>
      %gather3A_1923 = tpu.vector_load_idx %arg9[%add3A_464, %broadcast_in_dim3A_1922] : memref<256x128xf32, #tpu.memory_space<vmem>>[vector<16xi32>, vector<16xi32>], vector<16xf32>,
      %exp3A_1924 = math.exp %gather3A_1923 : vector<16xf32>
      %gather3A_1925 = tpu.vector_load_idx %arg10[%add3A_464, %broadcast_in_dim3A_1922] : memref<256x128xf32, #tpu.memory_space<vmem>>[vector<16xi32>, vector<16xi32>], vector<16xf32>,
      %exp3A_1926 = math.exp %gather3A_1925 : vector<16xf32>
      %mul3A_1927 = arith.mulf %exp3A_1924, %exp3A_1926 : vector<16xf32>
      %add3A_1928 = arith.addf %add3A_1916, %mul3A_1927 : vector<16xf32>
      %mul3A_1929 = arith.mulf %exp3A_1924, %exp3A_1924 : vector<16xf32>
      %add3A_1930 = arith.addf %add3A_1918, %mul3A_1929 : vector<16xf32>
      %mul3A_1931 = arith.mulf %exp3A_1926, %exp3A_1926 : vector<16xf32>
      %add3A_1932 = arith.addf %add3A_1920, %mul3A_1931 : vector<16xf32>
      %broadcast_in_dim3A_1933 = arith.constant 122 : i32
      %broadcast_in_dim3A_1934 = vector.broadcast %broadcast_in_dim3A_1933 : i32 to vector<16xi32>
      %gather3A_1935 = tpu.vector_load_idx %arg9[%add3A_464, %broadcast_in_dim3A_1934] : memref<256x128xf32, #tpu.memory_space<vmem>>[vector<16xi32>, vector<16xi32>], vector<16xf32>,
      %exp3A_1936 = math.exp %gather3A_1935 : vector<16xf32>
      %gather3A_1937 = tpu.vector_load_idx %arg10[%add3A_464, %broadcast_in_dim3A_1934] : memref<256x128xf32, #tpu.memory_space<vmem>>[vector<16xi32>, vector<16xi32>], vector<16xf32>,
      %exp3A_1938 = math.exp %gather3A_1937 : vector<16xf32>
      %mul3A_1939 = arith.mulf %exp3A_1936, %exp3A_1938 : vector<16xf32>
      %add3A_1940 = arith.addf %add3A_1928, %mul3A_1939 : vector<16xf32>
      %mul3A_1941 = arith.mulf %exp3A_1936, %exp3A_1936 : vector<16xf32>
      %add3A_1942 = arith.addf %add3A_1930, %mul3A_1941 : vector<16xf32>
      %mul3A_1943 = arith.mulf %exp3A_1938, %exp3A_1938 : vector<16xf32>
      %add3A_1944 = arith.addf %add3A_1932, %mul3A_1943 : vector<16xf32>
      %broadcast_in_dim3A_1945 = arith.constant 123 : i32
      %broadcast_in_dim3A_1946 = vector.broadcast %broadcast_in_dim3A_1945 : i32 to vector<16xi32>
      %gather3A_1947 = tpu.vector_load_idx %arg9[%add3A_464, %broadcast_in_dim3A_1946] : memref<256x128xf32, #tpu.memory_space<vmem>>[vector<16xi32>, vector<16xi32>], vector<16xf32>,
      %exp3A_1948 = math.exp %gather3A_1947 : vector<16xf32>
      %gather3A_1949 = tpu.vector_load_idx %arg10[%add3A_464, %broadcast_in_dim3A_1946] : memref<256x128xf32, #tpu.memory_space<vmem>>[vector<16xi32>, vector<16xi32>], vector<16xf32>,
      %exp3A_1950 = math.exp %gather3A_1949 : vector<16xf32>
      %mul3A_1951 = arith.mulf %exp3A_1948, %exp3A_1950 : vector<16xf32>
      %add3A_1952 = arith.addf %add3A_1940, %mul3A_1951 : vector<16xf32>
      %mul3A_1953 = arith.mulf %exp3A_1948, %exp3A_1948 : vector<16xf32>
      %add3A_1954 = arith.addf %add3A_1942, %mul3A_1953 : vector<16xf32>
      %mul3A_1955 = arith.mulf %exp3A_1950, %exp3A_1950 : vector<16xf32>
      %add3A_1956 = arith.addf %add3A_1944, %mul3A_1955 : vector<16xf32>
      %broadcast_in_dim3A_1957 = arith.constant 124 : i32
      %broadcast_in_dim3A_1958 = vector.broadcast %broadcast_in_dim3A_1957 : i32 to vector<16xi32>
      %gather3A_1959 = tpu.vector_load_idx %arg9[%add3A_464, %broadcast_in_dim3A_1958] : memref<256x128xf32, #tpu.memory_space<vmem>>[vector<16xi32>, vector<16xi32>], vector<16xf32>,
      %exp3A_1960 = math.exp %gather3A_1959 : vector<16xf32>
      %gather3A_1961 = tpu.vector_load_idx %arg10[%add3A_464, %broadcast_in_dim3A_1958] : memref<256x128xf32, #tpu.memory_space<vmem>>[vector<16xi32>, vector<16xi32>], vector<16xf32>,
      %exp3A_1962 = math.exp %gather3A_1961 : vector<16xf32>
      %mul3A_1963 = arith.mulf %exp3A_1960, %exp3A_1962 : vector<16xf32>
      %add3A_1964 = arith.addf %add3A_1952, %mul3A_1963 : vector<16xf32>
      %mul3A_1965 = arith.mulf %exp3A_1960, %exp3A_1960 : vector<16xf32>
      %add3A_1966 = arith.addf %add3A_1954, %mul3A_1965 : vector<16xf32>
      %mul3A_1967 = arith.mulf %exp3A_1962, %exp3A_1962 : vector<16xf32>
      %add3A_1968 = arith.addf %add3A_1956, %mul3A_1967 : vector<16xf32>
      %broadcast_in_dim3A_1969 = arith.constant 125 : i32
      %broadcast_in_dim3A_1970 = vector.broadcast %broadcast_in_dim3A_1969 : i32 to vector<16xi32>
      %gather3A_1971 = tpu.vector_load_idx %arg9[%add3A_464, %broadcast_in_dim3A_1970] : memref<256x128xf32, #tpu.memory_space<vmem>>[vector<16xi32>, vector<16xi32>], vector<16xf32>,
      %exp3A_1972 = math.exp %gather3A_1971 : vector<16xf32>
      %gather3A_1973 = tpu.vector_load_idx %arg10[%add3A_464, %broadcast_in_dim3A_1970] : memref<256x128xf32, #tpu.memory_space<vmem>>[vector<16xi32>, vector<16xi32>], vector<16xf32>,
      %exp3A_1974 = math.exp %gather3A_1973 : vector<16xf32>
      %mul3A_1975 = arith.mulf %exp3A_1972, %exp3A_1974 : vector<16xf32>
      %add3A_1976 = arith.addf %add3A_1964, %mul3A_1975 : vector<16xf32>
      %mul3A_1977 = arith.mulf %exp3A_1972, %exp3A_1972 : vector<16xf32>
      %add3A_1978 = arith.addf %add3A_1966, %mul3A_1977 : vector<16xf32>
      %mul3A_1979 = arith.mulf %exp3A_1974, %exp3A_1974 : vector<16xf32>
      %add3A_1980 = arith.addf %add3A_1968, %mul3A_1979 : vector<16xf32>
      %broadcast_in_dim3A_1981 = arith.constant 126 : i32
      %broadcast_in_dim3A_1982 = vector.broadcast %broadcast_in_dim3A_1981 : i32 to vector<16xi32>
      %gather3A_1983 = tpu.vector_load_idx %arg9[%add3A_464, %broadcast_in_dim3A_1982] : memref<256x128xf32, #tpu.memory_space<vmem>>[vector<16xi32>, vector<16xi32>], vector<16xf32>,
      %exp3A_1984 = math.exp %gather3A_1983 : vector<16xf32>
      %gather3A_1985 = tpu.vector_load_idx %arg10[%add3A_464, %broadcast_in_dim3A_1982] : memref<256x128xf32, #tpu.memory_space<vmem>>[vector<16xi32>, vector<16xi32>], vector<16xf32>,
      %exp3A_1986 = math.exp %gather3A_1985 : vector<16xf32>
      %mul3A_1987 = arith.mulf %exp3A_1984, %exp3A_1986 : vector<16xf32>
      %add3A_1988 = arith.addf %add3A_1976, %mul3A_1987 : vector<16xf32>
      %mul3A_1989 = arith.mulf %exp3A_1984, %exp3A_1984 : vector<16xf32>
      %add3A_1990 = arith.addf %add3A_1978, %mul3A_1989 : vector<16xf32>
      %mul3A_1991 = arith.mulf %exp3A_1986, %exp3A_1986 : vector<16xf32>
      %add3A_1992 = arith.addf %add3A_1980, %mul3A_1991 : vector<16xf32>
      %broadcast_in_dim3A_1993 = arith.constant 127 : i32
      %broadcast_in_dim3A_1994 = vector.broadcast %broadcast_in_dim3A_1993 : i32 to vector<16xi32>
      %gather3A_1995 = tpu.vector_load_idx %arg9[%add3A_464, %broadcast_in_dim3A_1994] : memref<256x128xf32, #tpu.memory_space<vmem>>[vector<16xi32>, vector<16xi32>], vector<16xf32>,
      %exp3A_1996 = math.exp %gather3A_1995 : vector<16xf32>
      %gather3A_1997 = tpu.vector_load_idx %arg10[%add3A_464, %broadcast_in_dim3A_1994] : memref<256x128xf32, #tpu.memory_space<vmem>>[vector<16xi32>, vector<16xi32>], vector<16xf32>,
      %exp3A_1998 = math.exp %gather3A_1997 : vector<16xf32>
      %mul3A_1999 = arith.mulf %exp3A_1996, %exp3A_1998 : vector<16xf32>
      %add3A_2000 = arith.addf %add3A_1988, %mul3A_1999 : vector<16xf32>
      %mul3A_2001 = arith.mulf %exp3A_1996, %exp3A_1996 : vector<16xf32>
      %add3A_2002 = arith.addf %add3A_1990, %mul3A_2001 : vector<16xf32>
      %mul3A_2003 = arith.mulf %exp3A_1998, %exp3A_1998 : vector<16xf32>
      %add3A_2004 = arith.addf %add3A_1992, %mul3A_2003 : vector<16xf32>
      %mul3A_2005 = arith.mulf %add3A_2002, %add3A_2004 : vector<16xf32>
      %bitcast3A = vector.bitcast %mul3A_2005 : vector<16xf32> to vector<16xi32>
      %shift_right_arithmetic3A = arith.constant 1 : i32
      %shift_right_arithmetic3A_2006 = vector.broadcast %shift_right_arithmetic3A : i32 to vector<16xi32>
      %shift_right_arithmetic3A_2007 = arith.shrsi %bitcast3A, %shift_right_arithmetic3A_2006 : vector<16xi32>
      %sub3A_2008 = arith.constant 1597463007 : i32
      %sub3A_2009 = vector.broadcast %sub3A_2008 : i32 to vector<16xi32>
      %sub3A_2010 = arith.subi %sub3A_2009, %shift_right_arithmetic3A_2007 : vector<16xi32>
      %bitcast3A_2011 = vector.bitcast %sub3A_2010 : vector<16xi32> to vector<16xf32>
      %mul3A_2012 = arith.constant 5.000000e-01 : f32
      %mul3A_2013 = vector.broadcast %mul3A_2012 : f32 to vector<16xf32>
      %mul3A_2014 = arith.mulf %mul3A_2013, %mul3A_2005 : vector<16xf32>
      %mul3A_2015 = arith.mulf %mul3A_2014, %bitcast3A_2011 : vector<16xf32>
      %mul3A_2016 = arith.mulf %mul3A_2015, %bitcast3A_2011 : vector<16xf32>
      %sub3A_2017 = arith.constant 1.500000e+00 : f32
      %sub3A_2018 = vector.broadcast %sub3A_2017 : f32 to vector<16xf32>
      %sub3A_2019 = arith.subf %sub3A_2018, %mul3A_2016 : vector<16xf32>
      %mul3A_2020 = arith.mulf %bitcast3A_2011, %sub3A_2019 : vector<16xf32>
      %mul3A_2021 = arith.constant 5.000000e-01 : f32
      %mul3A_2022 = vector.broadcast %mul3A_2021 : f32 to vector<16xf32>
      %mul3A_2023 = arith.mulf %mul3A_2022, %mul3A_2005 : vector<16xf32>
      %mul3A_2024 = arith.mulf %mul3A_2023, %mul3A_2020 : vector<16xf32>
      %mul3A_2025 = arith.mulf %mul3A_2024, %mul3A_2020 : vector<16xf32>
      %sub3A_2026 = arith.constant 1.500000e+00 : f32
      %sub3A_2027 = vector.broadcast %sub3A_2026 : f32 to vector<16xf32>
      %sub3A_2028 = arith.subf %sub3A_2027, %mul3A_2025 : vector<16xf32>
      %mul3A_2029 = arith.mulf %mul3A_2020, %sub3A_2028 : vector<16xf32>
      %mul3A_2030 = arith.constant 5.000000e-01 : f32
      %mul3A_2031 = vector.broadcast %mul3A_2030 : f32 to vector<16xf32>
      %mul3A_2032 = arith.mulf %mul3A_2031, %mul3A_2005 : vector<16xf32>
      %mul3A_2033 = arith.mulf %mul3A_2032, %mul3A_2029 : vector<16xf32>
      %mul3A_2034 = arith.mulf %mul3A_2033, %mul3A_2029 : vector<16xf32>
      %sub3A_2035 = arith.constant 1.500000e+00 : f32
      %sub3A_2036 = vector.broadcast %sub3A_2035 : f32 to vector<16xf32>
      %sub3A_2037 = arith.subf %sub3A_2036, %mul3A_2034 : vector<16xf32>
      %mul3A_2038 = arith.mulf %mul3A_2029, %sub3A_2037 : vector<16xf32>
      %mul3A_2039 = arith.mulf %add3A_2000, %mul3A_2038 : vector<16xf32>
      %add3A_2040 = arith.constant 1.000000e+00 : f32
      %add3A_2041 = vector.broadcast %add3A_2040 : f32 to vector<16xf32>
      %add3A_2042 = arith.addf %mul3A_2039, %add3A_2041 : vector<16xf32>
      %mul3A_2043 = arith.constant 5.000000e-01 : f32
      %mul3A_2044 = vector.broadcast %mul3A_2043 : f32 to vector<16xf32>
      %mul3A_2045 = arith.mulf %add3A_2042, %mul3A_2044 : vector<16xf32>
      %mul3A_2046 = arith.constant 16 : i32
      %mul3A_2047 = arith.muli %scan3A_459, %mul3A_2046 : i32
      %get3A_2048 = arith.index_cast %mul3A_2047 : i32 to index
      %get3A_2049 = tpu.vector_load %arg11[%get3A_2048] {strides = array<i32>} : memref<256xf32, #tpu.memory_space<vmem>>, vector<16xf32>,
      %sub3A_2050 = arith.subf %get3A_2049, %broadcast_in_dim3A : vector<16xf32>
      %mul3A_2051 = arith.mulf %sub3A_2050, %div3A_418 : vector<16xf32>
      %sub3A_2052 = arith.subf %mul3A_2045, %mul3A_2051 : vector<16xf32>
      %mul3A_2053 = arith.mulf %sub3A_2052, %sub3A_2052 : vector<16xf32>
      %add3A_2054 = arith.addf %scan3A_460, %mul3A_2053 : vector<16xf32>
      scf.yield %add3A_2054 : vector<16xf32>
    }
    %scan3A_456 = arith.constant 16 : i32
    %swap3A_457 = arith.constant 0 : index
    %swap3A_458 = tpu.vector_load %arg14[%swap3A_457] {strides = array<i32>} : memref<16xf32, #tpu.memory_space<vmem>>, vector<16xf32>,
    tpu.vector_store %arg14[%swap3A_457], %scan3A_455 {strides = array<i32>} : memref<16xf32, #tpu.memory_space<vmem>>, vector<16xf32>,
    "tpu.region"() ({
      %run_scoped3A = tpu.sem_alloc : memref<!tpu.dma_semaphore, #tpu.memory_space<semaphore_mem>>
      %dma_start3A_459 = arith.constant 0 : i32
      %dma_start3A_460 = tpu.memref_slice %arg6[%arg1, %dma_start3A_459] : memref<16x16xf32, #tpu.memory_space<hbm>> -> memref<1x16xf32, #tpu.memory_space<hbm>>
      %dma_start3A_461 = tpu.memref_squeeze %dma_start3A_460 : memref<1x16xf32, #tpu.memory_space<hbm>> -> memref<16xf32, #tpu.memory_space<hbm>>
      %dma_start3A_462 = arith.constant 0 : i32
      %dma_start3A_463 = tpu.memref_slice %arg6[%arg1, %dma_start3A_462] : memref<16x16xf32, #tpu.memory_space<hbm>> -> memref<1x16xf32, #tpu.memory_space<hbm>>
      %dma_start3A_464 = tpu.memref_squeeze %dma_start3A_463 : memref<1x16xf32, #tpu.memory_space<hbm>> -> memref<16xf32, #tpu.memory_space<hbm>>
      tpu.enqueue_dma source(%arg14 : memref<16xf32, #tpu.memory_space<vmem>>) target(%dma_start3A_464 : memref<16xf32, #tpu.memory_space<hbm>>) target_semaphore(%run_scoped3A : memref<!tpu.dma_semaphore, #tpu.memory_space<semaphore_mem>>)
      %dma_wait3A_465 = arith.constant 0 : i32
      %dma_wait3A_466 = tpu.memref_slice %arg6[%arg1, %dma_wait3A_465] : memref<16x16xf32, #tpu.memory_space<hbm>> -> memref<1x16xf32, #tpu.memory_space<hbm>>
      %dma_wait3A_467 = tpu.memref_squeeze %dma_wait3A_466 : memref<1x16xf32, #tpu.memory_space<hbm>> -> memref<16xf32, #tpu.memory_space<hbm>>
      %dma_wait3A_468 = arith.constant 0 : i32
      %dma_wait3A_469 = tpu.memref_slice %arg6[%arg1, %dma_wait3A_468] : memref<16x16xf32, #tpu.memory_space<hbm>> -> memref<1x16xf32, #tpu.memory_space<hbm>>
      %dma_wait3A_470 = tpu.memref_squeeze %dma_wait3A_469 : memref<1x16xf32, #tpu.memory_space<hbm>> -> memref<16xf32, #tpu.memory_space<hbm>>
      tpu.wait_dma2 semaphore(%run_scoped3A : memref<!tpu.dma_semaphore, #tpu.memory_space<semaphore_mem>>) src(%arg14 : memref<16xf32, #tpu.memory_space<vmem>>) dst(%dma_wait3A_470 : memref<16xf32, #tpu.memory_space<hbm>>)
      tpu.yield
    }) : () -> ()
    return
  }
}

</mosaic_0001>

<sc_bundles>
// kernel: kernel.3.cloned.1.call-start
scs
__scs_entry_jumppad:
0x0: {  	(pc) =	sbr.rel $0x88, $3  }
0x1: {  	(tag) =	ssettag $0x0;
	lr =	simm.s32 $0x1  }
0x2: {  	[smem:$0x3F9E] =	sst lr;
	_ =	strace $0xD0000000  }
0x3: {  	_ = 	snop  }
0x4: {  	_ = 	snop  }
0x5: {  	_ = 	snop  }
0x6: {  	_ = 	snop  }
0x7: {  	_ = 	snop  }
__scs_overlays_trampoline_lowered:
0x8: {  	[smem:$0x3FAD] =	sst s0  }
0x9: {  	[smem:$0x3FAE] =	sst s1  }
0xa: {  	[smem:$0x3FAF] =	sst s2  }
0xb: {  	[smem:$0x3FB0] =	sst s3  }
0xc: {  	[smem:$0x3FB1] =	sst s4  }
0xd: {  	[smem:$0x3FB2] =	sst s5  }
0xe: {  	[smem:$0x3FB3] =	sst s6  }
0xf: {  	[smem:$0x3FB4] =	sst s7  }
0x10: {  	[smem:$0x3FB5] =	sst s8  }
0x11: {  	[smem:$0x3FB6] =	sst s9;
	s0 =	simm.s32 @!p0 $0x0  }
0x12: {  	s1 =	sld [smem:$0x3F9C];
	s0 =	simm.s32 @p0 $0x1  }
0x13: {  	[smem:$0x3FB7] =	sst s0;
	s0 =	simm.s32 @!p1 $0x0  }
0x14: {  	s2 =	sld [smem:$0x3F9B];
	s0 =	simm.s32 @p1 $0x1  }
0x15: {  	[smem:$0x3FB8] =	sst s0;
	s0 =	simm.s32 @!p2 $0x0  }
0x16: {  	s3 =	sld [smem:$0x3FDB];
	s0 =	simm.s32 @p2 $0x1  }
0x17: {  	s4 =	simm.s32 $0x1BF5;
	[smem:$0x3FBA] =	sst s0  }
0x18: {  	s0 =	sld [smem:$0x3F9D];
	_ =	swait.ge [sflag:s4], $0x0  }
0x19: {  	s7 =	sld [smem:$0x3F9E]  }
0x1a: {  	s8 =	sadd.s32 $0xFFFFE003, lr  }
0x1b: {  	s9 =	sadd.s32 $0xFFFFFEF7, lr;
	s5 =	simm.s32 $0xFFFFFFFF;
	p2 =	slt.u32 s8, $0xFFFFF086  }
0x1c: {  	p1 =	slt.u32 s9, $0xF7A;
	s5 =	simm.s32 @!p2 $0x0  }
0x1d: {  	s5 =	simm.s32 @p1 $0x1;
	p0 =	seq.s32 s7, s2  }
0x1e: {  	s7 =	smul.u32 @!p0 $0xF7A, s2;
	p2 =	seq.s32 @!p0 s5, $0x0  }
0x1f: {  	s9 =	smul.u32 $0xF7A, s1;
	s8 =	simm.s32 @!p0 $0x1BF5;
	p2 =	por !p2, p0  }
0x20: {  	[sflag:s8] =	ssyncset.s32 @!p0 $0xFFFFF086;
	s6 =	sadd.s32 @!p0 s3, s7;
	s7 =	simm.s32 @!p0 $0x108  }
0x21: {  	s3 =	sadd.s32 s3, s9;
	s6 =	sadd.s32 @!p0 $0x88, s6;
	s7 =	simm.s32 @p2 $0x1082  }
0x22: {  	[simem:s7], [sflag:s8] =	dma.local @!p0 [hbm:s6], $0xF7A  }
0x23: {  	s9 =	sor.u32 $0xD0000000, s2;
	s6 =	simm.s32 $0x108;
	_ =	swait.ge @!p0 [sflag:s8], $0x0  }
0x24: {  	s3 =	sadd.s32 $0x88, s3;
	s6 =	simm.s32 @!p1 $0x1082;
	[sflag:s4] =	ssyncset.s32 $0xFFFFF086  }
0x25: {  	[simem:s6], [sflag:s4] =	dma.local [hbm:s3], $0xF7A  }
0x26: {  	[smem:$0x3F9E] =	sst s1;
	(tag) =	ssettag s2;
	_ =	strace s9  }
0x27: {  	s1 =	sld [smem:$0x3FAE]  }
0x28: {  	s2 =	sld [smem:$0x3FAF]  }
0x29: {  	s4 =	sld [smem:$0x3FB1]  }
0x2a: {  	p0 =	seq.s32 s5, $0x0;
	s5 =	sld [smem:$0x3FB2]  }
0x2b: {  	s6 =	sld [smem:$0x3FB3]  }
0x2c: {  	s7 =	sld [smem:$0x3FB4]  }
0x2d: {  	s3 =	simm.s32 $0x108;
	s8 =	sld [smem:$0x3FB5]  }
0x2e: {  	s3 =	simm.s32 @!p0 $0x1082;
	s9 =	sld [smem:$0x3FB6]  }
0x2f: {  	lr =	sadd.s32 s0, s3;
	s0 =	sld [smem:$0x3FAD]  }
0x30: {  	s3 =	sld [smem:$0x3FB0]  }
0x31: {  	[smem:$0x3FB9] =	sst s10  }
0x32: {  	s10 =	sld [smem:$0x3FB7];
	_ =	sdelay $0x3  }
0x33: {  	p0 =	seq.s32 s10, $0x1;
	s10 =	sld [smem:$0x3FB9];
	_ =	sdelay $0x3  }
0x34: {  	[smem:$0x3FB9] =	sst s10  }
0x35: {  	s10 =	sld [smem:$0x3FB8];
	_ =	sdelay $0x3  }
0x36: {  	p1 =	seq.s32 s10, $0x1;
	s10 =	sld [smem:$0x3FB9];
	_ =	sdelay $0x3  }
0x37: {  	[smem:$0x3FB9] =	sst s10  }
0x38: {  	s10 =	sld [smem:$0x3FBA]  }
0x39: {  	_ = 	snop;
	(pc) =	sbr.ind lr, $3  }
0x3a: {  	_ = 	snop  }
0x3b: {  	_ = 	snop  }
0x3c: {  	p2 =	seq.s32 s10, $0x1;
	s10 =	sld [smem:$0x3FB9]  }
0x3d: {  	_ =	shalt  }
0x3e: {  	_ =	shalt  }
0x3f: {  	_ =	shalt  }
0x40: {  	_ =	shalt  }
0x41: {  	_ =	shalt  }
0x42: {  	_ =	shalt  }
0x43: {  	_ =	shalt  }
0x44: {  	_ =	shalt  }
0x45: {  	_ =	shalt  }
0x46: {  	_ =	shalt  }
0x47: {  	_ =	shalt  }
0x48: {  	_ =	shalt  }
0x49: {  	_ =	shalt  }
0x4a: {  	_ =	shalt  }
0x4b: {  	_ =	shalt  }
0x4c: {  	_ =	shalt  }
0x4d: {  	_ =	shalt  }
0x4e: {  	_ =	shalt  }
0x4f: {  	_ =	shalt  }
0x50: {  	_ =	shalt  }
0x51: {  	_ =	shalt  }
0x52: {  	_ =	shalt  }
0x53: {  	_ =	shalt  }
0x54: {  	_ =	shalt  }
0x55: {  	_ =	shalt  }
0x56: {  	_ =	shalt  }
0x57: {  	_ =	shalt  }
0x58: {  	_ =	shalt  }
0x59: {  	_ =	shalt  }
0x5a: {  	_ =	shalt  }
0x5b: {  	_ =	shalt  }
0x5c: {  	_ =	shalt  }
0x5d: {  	_ =	shalt  }
0x5e: {  	_ =	shalt  }
0x5f: {  	_ =	shalt  }
0x60: {  	_ =	shalt  }
0x61: {  	_ =	shalt  }
0x62: {  	_ =	shalt  }
0x63: {  	_ =	shalt  }
0x64: {  	_ =	shalt  }
0x65: {  	_ =	shalt  }
0x66: {  	_ =	shalt  }
0x67: {  	_ =	shalt  }
0x68: {  	_ =	shalt  }
0x69: {  	_ =	shalt  }
0x6a: {  	_ =	shalt  }
0x6b: {  	_ =	shalt  }
0x6c: {  	_ =	shalt  }
0x6d: {  	_ =	shalt  }
0x6e: {  	_ =	shalt  }
0x6f: {  	_ =	shalt  }
0x70: {  	_ =	shalt  }
0x71: {  	_ =	shalt  }
0x72: {  	_ =	shalt  }
0x73: {  	_ =	shalt  }
0x74: {  	_ =	shalt  }
0x75: {  	_ =	shalt  }
0x76: {  	_ =	shalt  }
0x77: {  	_ =	shalt  }
0x78: {  	_ =	shalt  }
0x79: {  	_ =	shalt  }
0x7a: {  	_ =	shalt  }
0x7b: {  	_ =	shalt  }
0x7c: {  	_ =	shalt  }
0x7d: {  	_ =	shalt  }
0x7e: {  	_ =	shalt  }
0x7f: {  	_ =	shalt  }
0x80: {  	_ =	shalt  }
0x81: {  	_ =	shalt  }
0x82: {  	_ =	shalt  }
0x83: {  	_ =	shalt  }
0x84: {  	_ =	shalt  }
0x85: {  	_ =	shalt  }
0x86: {  	_ =	shalt  }
0x87: {  	_ =	shalt  }
.Lfunc_end0:
.L_simem_size_0:
called_computation_lowered:
.L_overlay_start_0:
0x88: {  	s0 =	sld [smem:$0x3FD9]  }
0x89: {  	s1 =	sld [smem:$0x3FFE];
	_ =	sdelay $0x3  }
0x8a: {  	s0 =	sadd.s32 s1, s0  }
0x8b: {  	[smem:$0x3FC5] =	sst s0  }
0x8c: {  	_ = 	snop  }
0x8d: {  	s0 =	sld [smem:$0x3FC9]  }
0x8e: {  	s16 =	sld [smem:$0x3FC8];
	(tm) =	ssettm $0x1  }
0x8f: {  	s2 =	sld [smem:$0x3FFB];
	_ =	sdelay $0x3  }
0x90: {  	_ =	strace s2  }
0x91: {  	s2 =	sld [smem:$0x3FFC];
	_ =	sdelay $0x3  }
0x92: {  	_ =	strace s2  }
0x93: {  	s2 =	sld [smem:$0x3FFD];
	_ =	sdelay $0x3  }
0x94: {  	_ =	strace s2  }
0x95: {  	_ =	strace $0x8FFFFFFF  }
0x96: {  	s17 =	sld [smem:$0x3FDB];
	_ =	sdelay $0x1  }
0x97: {  	s3 =	simm.s32 $_scs_section_size  }
0x98: {  	s4 =	simm.s32 $_size__tile_overlayer_lowered;
	s5 =	simm.s32 $_tile_overlayer_lowered  }
0x99: {  	s20 =	simm.s32 $0x1BFF;
	s19 =	sshll.u32 s5, $0x1;
	s2 =	sadd.s32 s3, s17  }
0x9a: {  	s6 =	simm.s32 $0x0;
	s18 =	sshll.u32 s4, $0x1;
	s4 =	sadd.s32 s19, s2  }
0x9b: {  	[timem:s6], [sflag:s20] =	dma.local [hbm:s4], s18  }
0x9c: {  	_ =	swait.ge [sflag:s20], s18  }
0x9d: {  	s3 =	ssub.s32 $0x0, s18;
	[sflag:s20] =	ssyncset.done $0x0  }
0x9e: {  	[sflag:s20] =	ssyncadd.s32 s3;
	_ =	sdelay $0x1  }
0x9f: {  	s21 =	simm.s32 $0x1B8B  }
0xa0: {  	_ =	swait.ge [sflag:s21], $0x1  }
0xa1: {  	[sflag:s21] =	ssyncset.done $0x0  }
0xa2: {  	s23 =	simm.s32 $0x1B8E;
	s22 =	sld [smem:$0x3FFE];
	[sflag:s21] =	ssyncadd.s32 $0xFFFFFFFF  }
0xa3: {  	s24 =	simm.s32 $execute0_lowered;
	[smem:$0x3FD2] =	sst s23  }
0xa4: {  	s4 =	sshll.u32 s24, $0x1;
	_ =	strace $0x80000046;
	[dreg:$0x1] =	wrdreg $0xFFFFFFFF  }
0xa5: {  	s25 =	simm.s32 $_size_execute0_lowered;
	s2 =	sadd.s32 s2, s4;
	[dreg:$0x0] =	wrdreg $0x0  }
0xa6: {  	s4 =	sshll.u32 s25, $0x1;
	[dreg:$0x2] =	wrdreg s2  }
0xa7: {  	[dreg:$0x3] =	wrdreg s4  }
0xa8: {  	[dreg:$0x4] =	wrdreg $0xC0  }
0xa9: {  	_ =	task [dreg:s6], $0x5FFFF  }
0xaa: {  	[dreg:$0x1] =	wrdreg $0xFFFFFFFF  }
0xab: {  	[dreg:$0x0] =	wrdreg $0x60  }
0xac: {  	[dreg:$0x2] =	wrdreg s0  }
0xad: {  	[dreg:$0x3] =	wrdreg s16  }
0xae: {  	[dreg:$0x4] =	wrdreg s22  }
0xaf: {  	[dreg:$0x5] =	wrdreg $0x114800  }
0xb0: {  	[dreg:$0x6] =	wrdreg $0x9  }
0xb1: {  	_ =	task.clear_ibuf [dreg:s6], $0x7FFFF;
	_ =	strace $0x90000046  }
0xb2: {  	s26 =	simm.s32 $0x9;
	_ =	strace $0x80000048  }
0xb3: {  	_ =	swait.ge [sflag:s26], $0x1  }
0xb4: {  	[sflag:s26] =	ssyncadd.s32 $0xFFFFFFFF  }
0xb5: {  	_ =	strace $0x90000048  }
0xb6: {  	_ =	sfence  }
0xb7: {  	s28 =	sld [smem:$0x0];
	_ =	sdelay $0x1  }
0xb8: {  	s29 =	srdreg.scid  }
0xb9: {  	s30 =	sshll.u32 s29, $0xD;
	s31 =	sshrl.u32 s29, $0x2  }
0xba: {  	s1 =	sand.u32 $0x1, s29;
	s2 =	sand.u32 $0x4000, s30;
	s0 =	sadd.s32 s31, s28  }
0xbb: {  	s1 =	sor.u32 s2, s1;
	s0 =	sshll.u32 s0, $0x11  }
0xbc: {  	s0 =	sor.u32 s0, s1  }
0xbd: {  	s0 =	sadd.s32 $0x8F2B, s0  }
0xbe: {  	[sflag:s0] =	ssyncadd.remote.s32 $0x1  }
0xbf: {  	_ =	sfence.sel $0xFFFF  }
0xc0: {  	[dreg:$0x0] =	wrdreg $0xFFFFFFFF;
	(pc) =	sbr.abs _section_cstart, $3  }
0xc1: {  	[dreg:$0x1] =	wrdreg $0xFFFFFFFF  }
0xc2: {  	_ =	task.clear_ibuf [dreg:s6], $0x2FFFF;
	_ =	strace $0x9FFFFFFF  }
0xc3: {  	(tm) =	ssettm $0x7FFFFFFF  }
tec
execute0_lowered:
.L_overlay_start_1:
0x0: {  	(tag) =	ssettag $0x1  }
0x1: {  	s5 =	rddreg [dreg:$0x0]  }
0x2: {  	s9 =	rddreg [dreg:$0x1]  }
0x3: {  	s6 =	rddreg [dreg:$0x2]  }
0x4: {  	s7 =	rddreg [dreg:$0x3];
	s1 =	stileid.u32  }
0x5: {  	s0 =	rddreg [dreg:$0x4];
	s2 =	simm.s32 $0x0;
	s10 =	sshll.u32 s1, $0x5  }
0x6: {  	[smem:$0x7FF] =	sst s2;
	s3 =	sadd.s32 s10, s6  }
0x7: {  	s8 =	simm.s32 $0x2;
	_ =	strace $0x80000047;
	s4 =	sadd.s32 $0x400, s3  }
0x8: {  	[tilespmem:s2], [sflag:$0x2] =	stream.linear.gather [hbm4b:s4+s2], $0x100, $0x38;
	[tilespmem:$0x114A0] =	vst v63  }
0x9: {  	_ =	swait.ge [sflag:s8], $0x100  }
0xa: {  	[sflag:s8] =	ssyncset.done $0x0  }
0xb: {  	s11 =	simm.s32 $0x100;
	s3 =	sadd.s32 $0x200, s3;
	[sflag:s8] =	ssyncadd.s32 $0xFFFFFF00  }
0xc: {  	[tilespmem:s11], [sflag:$0x2] =	stream.linear.gather [hbm4b:s3+s2], $0x100, $0x38;
	[tilespmem:$0x114A0] =	vst v63  }
0xd: {  	_ =	swait.ge [sflag:s8], $0x100  }
0xe: {  	[sflag:s8] =	ssyncset.done $0x0  }
0xf: {  	s12 =	simm.s32 $0x80;
	s3 =	simm.s32 $0x200;
	[sflag:s8] =	ssyncadd.s32 $0xFFFFFF00  }
0x10: {  	[tilespmem:s3], [sflag:$0x1] =	stream.indirect.gather [hbm4b:s5+s12], $0x80, s2, s12, $0xb8;
	[tilespmem:$0x114A0] =	vst v63  }
0x11: {  	s4 =	simm.s32 $0x8200  }
0x12: {  	[tilespmem:s4], [sflag:$0x1] =	stream.indirect.gather [hbm4b:s5+s12], $0x80, s11, s12, $0xb8;
	[tilespmem:$0x114A0] =	vst v63  }
0x13: {  	s30 =	simm.s32 $0x4200  }
0x14: {  	[tilespmem:s30], [sflag:$0x1] =	stream.indirect.gather [hbm4b:s5+s12], $0x80, s12, s12, $0xb8;
	[tilespmem:$0x114A0] =	vst v63  }
0x15: {  	s31 =	simm.s32 $0x180;
	s13 =	simm.s32 $0xC200  }
0x16: {  	[tilespmem:s13], [sflag:$0x1] =	stream.indirect.gather [hbm4b:s5+s12], $0x80, s31, s12, $0xb8;
	[tilespmem:$0x114A0] =	vst v63  }
0x17: {  	s9 =	sadd.s32 s9, s10;
	s5 =	simm.s32 $0x10200  }
0x18: {  	[tilespmem:s5], [sflag:$0x2] =	stream.linear.gather [hbm4b:s9+s2], $0x100, $0x38;
	[tilespmem:$0x114A0] =	vst v63  }
0x19: {  	_ =	swait.ge [sflag:s8], $0x100  }
0x1a: {  	[sflag:s8] =	ssyncset.done $0x0  }
0x1b: {  	[sflag:s8] =	ssyncadd.s32 $0xFFFFFF00  }
0x1c: {  	v0 =	vld [tilespmem:$0x10200]  }
0x1d: {  	v1 =	vld [tilespmem:$0x10210]  }
0x1e: {  	v2 =	vld [tilespmem:$0x10220]  }
0x1f: {  	v3 =	vld [tilespmem:$0x10230]  }
0x20: {  	v4 =	vld [tilespmem:$0x10240]  }
0x21: {  	v5 =	vld [tilespmem:$0x10250]  }
0x22: {  	v7 =	vld [tilespmem:$0x10260];
	v6 =	vmin.f32 v0, v1  }
0x23: {  	v53 =	vld [tilespmem:$0x10270];
	v0 =	vmax.f32 v0, v1;
	v1 =	vmin.f32 v6, v2  }
0x24: {  	v0 =	vmax.f32 v0, v2;
	v2 =	vld [tilespmem:$0x10280];
	v1 =	vmin.f32 v1, v3  }
0x25: {  	v0 =	vmax.f32 v0, v3;
	v3 =	vld [tilespmem:$0x10290];
	v1 =	vmin.f32 v1, v4  }
0x26: {  	v0 =	vmax.f32 v0, v4;
	v4 =	vld [tilespmem:$0x102A0];
	v1 =	vmin.f32 v1, v5  }
0x27: {  	v0 =	vmax.f32 v0, v5;
	v5 =	vld [tilespmem:$0x102B0];
	v1 =	vmin.f32 v1, v7  }
0x28: {  	v54 =	vld [tilespmem:$0x102C0];
	v0 =	vmax.f32 v0, v7;
	v1 =	vmin.f32 v1, v53  }
0x29: {  	v55 =	vld [tilespmem:$0x102D0];
	v0 =	vmax.f32 v0, v53;
	v1 =	vmin.f32 v1, v2  }
0x2a: {  	v0 =	vmax.f32 v0, v2;
	v2 =	vld [tilespmem:$0x102E0];
	v1 =	vmin.f32 v1, v3  }
0x2b: {  	v0 =	vmax.f32 v0, v3;
	v3 =	vld [tilespmem:$0x102F0];
	v1 =	vmin.f32 v1, v4  }
0x2c: {  	v0 =	vmax.f32 v0, v4;
	v1 =	vmin.f32 v1, v5  }
0x2d: {  	v0 =	vmax.f32 v0, v5;
	v1 =	vmin.f32 v1, v54  }
0x2e: {  	v0 =	vmax.f32 v0, v54;
	v1 =	vmin.f32 v1, v55  }
0x2f: {  	v0 =	vmax.f32 v0, v55;
	v1 =	vmin.f32 v1, v2  }
0x30: {  	v0 =	vmax.f32 v0, v2;
	v1 =	vmin.f32 v1, v3  }
0x31: {  	s13 =	sshll.u32 s1, $0x8;
	v0 =	vmax.f32 v0, v3;
	[tilespmem:$0x10300] =	vst v1  }
0x32: {  	s14 =	simm.s32 $0x10300;
	s9 =	sadd.s32 s13, s7;
	[tilespmem:$0x10380] =	vst v0  }
0x33: {  	[spmem:s9] =	stream.linear.scatter [tilespmem:s14], [sflag:$0x2], $0x100, $0x38;
	[tilespmem:$0x114A0] =	vst v63  }
0x34: {  	_ =	swait.ge [sflag:s8], $0x100  }
0x35: {  	[sflag:s8] =	ssyncset.done $0x0  }
0x36: {  	[sflag:s8] =	ssyncadd.s32 $0xFFFFFF00  }
0x37: {  	s15 =	simm.s32 $0x10400;
	[bflag:$0x0] =	sbarrier.arrive $0xFFFF  }
0x38: {  	[tilespmem:s15], [sflag:$0x2] =	stream.linear.gather [spmem:s7], $0x1000, $0x38;
	[tilespmem:$0x114A0] =	vst v63  }
0x39: {  	_ =	swait.ge [sflag:s8], $0x1000  }
0x3a: {  	[sflag:s8] =	ssyncset.done $0x0  }
0x3b: {  	[sflag:s8] =	ssyncadd.s32 $0xFFFFF000  }
0x3c: {  	v2 =	vld [tilespmem:$0x10400]  }
0x3d: {  	v3 =	vld [tilespmem:$0x10480]  }
0x3e: {  	v4 =	vld [tilespmem:$0x10500]  }
0x3f: {  	v5 =	vld [tilespmem:$0x10580]  }
0x40: {  	v56 =	vld [tilespmem:$0x10600]  }
0x41: {  	v57 =	vld [tilespmem:$0x10680]  }
0x42: {  	v8 =	vld [tilespmem:$0x10700]  }
0x43: {  	v9 =	vld [tilespmem:$0x10780]  }
0x44: {  	v10 =	vld [tilespmem:$0x10800]  }
0x45: {  	v11 =	vld [tilespmem:$0x10880]  }
0x46: {  	v12 =	vld [tilespmem:$0x10900]  }
0x47: {  	v13 =	vld [tilespmem:$0x10980]  }
0x48: {  	v14 =	vld [tilespmem:$0x10A00]  }
0x49: {  	v15 =	vld [tilespmem:$0x10A80]  }
0x4a: {  	v16 =	vld [tilespmem:$0x10B00]  }
0x4b: {  	v17 =	vld [tilespmem:$0x10B80]  }
0x4c: {  	v18 =	vld [tilespmem:$0x10C00]  }
0x4d: {  	v19 =	vld [tilespmem:$0x10C80]  }
0x4e: {  	v20 =	vld [tilespmem:$0x10D00]  }
0x4f: {  	v21 =	vld [tilespmem:$0x10D80]  }
0x50: {  	v58 =	vld [tilespmem:$0x11000];
	v1 =	vmin.f32 v1, v2  }
0x51: {  	v59 =	vld [tilespmem:$0x11080];
	v0 =	vmax.f32 v0, v3;
	v1 =	vmin.f32 v1, v4  }
0x52: {  	v60 =	vld [tilespmem:$0x11100];
	v0 =	vmax.f32 v0, v5;
	v1 =	vmin.f32 v1, v56  }
0x53: {  	v61 =	vld [tilespmem:$0x11180];
	v0 =	vmax.f32 v0, v57;
	v1 =	vmin.f32 v1, v8  }
0x54: {  	v2 =	vld [tilespmem:$0x10E00];
	v0 =	vmax.f32 v0, v9;
	v1 =	vmin.f32 v1, v10  }
0x55: {  	v3 =	vld [tilespmem:$0x10E80];
	v0 =	vmax.f32 v0, v11;
	v1 =	vmin.f32 v1, v12  }
0x56: {  	v4 =	vld [tilespmem:$0x10F00];
	v0 =	vmax.f32 v0, v13;
	v1 =	vmin.f32 v1, v14  }
0x57: {  	v5 =	vld [tilespmem:$0x10F80];
	v0 =	vmax.f32 v0, v15;
	v1 =	vmin.f32 v1, v16  }
0x58: {  	v62 =	vld [tilespmem:$0x11200];
	v0 =	vmax.f32 v0, v17;
	v1 =	vmin.f32 v1, v18  }
0x59: {  	v63 =	vld [tilespmem:$0x11280];
	v0 =	vmax.f32 v0, v19;
	v1 =	vmin.f32 v1, v20  }
0x5a: {  	v0 =	vmax.f32 v0, v21;
	v1 =	vmin.f32 v1, v2;
	v2 =	vld [tilespmem:$0x11300]  }
0x5b: {  	v0 =	vmax.f32 v0, v3;
	v3 =	vld [tilespmem:$0x11380];
	v1 =	vmin.f32 v1, v4  }
0x5c: {  	v0 =	vmax.f32 v0, v5;
	v1 =	vmin.f32 v1, v58  }
0x5d: {  	v0 =	vmax.f32 v0, v59;
	v1 =	vmin.f32 v1, v60  }
0x5e: {  	v0 =	vmax.f32 v0, v61;
	v1 =	vmin.f32 v1, v62  }
0x5f: {  	v0 =	vmax.f32 v0, v63;
	v1 =	vmin.f32 v1, v2  }
0x60: {  	v0 =	vmax.f32 v0, v3;
	(v2sf) =	vpush v1, $0x0  }
0x61: {  	(v2sf) =	vpush v0, $0x0  }
0x62: {  	(v2sf) =	vpush v1, $0x1  }
0x63: {  	(v2sf) =	vpush v0, $0x1  }
0x64: {  	(v2sf) =	vpush v1, $0x2  }
0x65: {  	(v2sf) =	vpush v0, $0x2  }
0x66: {  	(v2sf) =	vpush v1, $0x3  }
0x67: {  	(v2sf) =	vpush v0, $0x3  }
0x68: {  	(v2sf) =	vpush v1, $0x4  }
0x69: {  	(v2sf) =	vpush v0, $0x4  }
0x6a: {  	(v2sf) =	vpush v1, $0x5  }
0x6b: {  	(v2sf) =	vpush v0, $0x5  }
0x6c: {  	(v2sf) =	vpush v1, $0x6  }
0x6d: {  	(v2sf) =	vpush v0, $0x6  }
0x6e: {  	(v2sf) =	vpush v1, $0x7  }
0x6f: {  	s16 =	spop (v2sf);
	(v2sf) =	vpush v0, $0x7  }
0x70: {  	s17 =	spop (v2sf);
	(v2sf) =	vpush v1, $0x8  }
0x71: {  	s18 =	spop (v2sf);
	(v2sf) =	vpush v0, $0x8  }
0x72: {  	s19 =	spop (v2sf);
	(v2sf) =	vpush v1, $0x9  }
0x73: {  	s7 =	smin.f32 s16, s18;
	s20 =	spop (v2sf);
	(v2sf) =	vpush v0, $0x9  }
0x74: {  	s8 =	smax.f32 s17, s19;
	s21 =	spop (v2sf);
	(v2sf) =	vpush v1, $0xA  }
0x75: {  	s7 =	smin.f32 s7, s20;
	s22 =	spop (v2sf);
	(v2sf) =	vpush v0, $0xA  }
0x76: {  	s8 =	smax.f32 s8, s21;
	s23 =	spop (v2sf);
	(v2sf) =	vpush v1, $0xB  }
0x77: {  	s7 =	smin.f32 s7, s22;
	s24 =	spop (v2sf);
	(v2sf) =	vpush v0, $0xB  }
0x78: {  	s8 =	smax.f32 s8, s23;
	s25 =	spop (v2sf);
	(v2sf) =	vpush v1, $0xC  }
0x79: {  	s7 =	smin.f32 s7, s24;
	s26 =	spop (v2sf);
	(v2sf) =	vpush v0, $0xC  }
0x7a: {  	s8 =	smax.f32 s8, s25;
	s28 =	spop (v2sf);
	(v2sf) =	vpush v1, $0xD  }
0x7b: {  	s7 =	smin.f32 s7, s26;
	s29 =	spop (v2sf);
	(v2sf) =	vpush v0, $0xD  }
0x7c: {  	s8 =	smax.f32 s8, s28;
	s30 =	spop (v2sf);
	(v2sf) =	vpush v1, $0xE  }
0x7d: {  	s7 =	smin.f32 s7, s29;
	s31 =	spop (v2sf);
	(v2sf) =	vpush v0, $0xE  }
0x7e: {  	s8 =	smax.f32 s8, s30;
	s13 =	spop (v2sf);
	(v2sf) =	vpush v1, $0xF  }
0x7f: {  	s7 =	smin.f32 s7, s31;
	s14 =	spop (v2sf);
	(v2sf) =	vpush v0, $0xF  }
0x80: {  	s8 =	smax.f32 s8, s13;
	s15 =	spop (v2sf)  }
0x81: {  	s7 =	smin.f32 s7, s14;
	s16 =	spop (v2sf)  }
0x82: {  	s8 =	smax.f32 s8, s15;
	s17 =	spop (v2sf)  }
0x83: {  	s7 =	smin.f32 s7, s16;
	s18 =	spop (v2sf)  }
0x84: {  	s8 =	smax.f32 s8, s17;
	s19 =	spop (v2sf)  }
0x85: {  	s7 =	smin.f32 s7, s18;
	s20 =	spop (v2sf)  }
0x86: {  	s8 =	smax.f32 s8, s19;
	s21 =	spop (v2sf)  }
0x87: {  	s7 =	smin.f32 s7, s20;
	s22 =	spop (v2sf)  }
0x88: {  	s8 =	smax.f32 s8, s21;
	s23 =	spop (v2sf)  }
0x89: {  	s7 =	smin.f32 s7, s22;
	s24 =	spop (v2sf)  }
0x8a: {  	s8 =	smax.f32 s8, s23;
	s25 =	spop (v2sf)  }
0x8b: {  	s7 =	smin.f32 s7, s24;
	s26 =	spop (v2sf)  }
0x8c: {  	s8 =	smax.f32 s8, s25;
	s28 =	spop (v2sf)  }
0x8d: {  	s7 =	smin.f32 s7, s26;
	s29 =	spop (v2sf)  }
0x8e: {  	s8 =	smax.f32 s8, s28;
	s30 =	spop (v2sf)  }
0x8f: {  	s7 =	smin.f32 s7, s29;
	s8 =	smax.f32 s8, s30  }
0x90: {  	s8 =	ssub.f32 s8, s7;
	_ =	sdelay $0x1  }
0x91: {  	v0 =	vmov s8  }
0x92: {  	v0 =	vadd.f32 $9.999999930e-09, v0;
	_ =	sdelay $0x1  }
0x93: {  	v0 =	vbroadcast v0, $0x0;
	_ =	sdelay $0x1  }
0x94: {  	(erf) = vrcp.f32 v0;
	_ =	sdelay $0x8  }
0x95: {  	s31 =	simm.s32 $0x1;
	v0 =	vpop (erf)  }
0x96: {  	_ =	swait.ge [sflag:s31], $0x4000  }
0x97: {  	[sflag:s31] =	ssyncset.done $0x0  }
0x98: {  	[sflag:s31] =	ssyncadd.s32 $0xFFFFC000  }
0x99: {  	_ =	swait.ge [sflag:s31], $0x4000  }
0x9a: {  	[sflag:s31] =	ssyncset.done $0x0  }
0x9b: {  	[sflag:s31] =	ssyncadd.s32 $0xFFFFC000  }
0x9c: {  	_ =	swait.ge [sflag:s31], $0x4000  }
0x9d: {  	[sflag:s31] =	ssyncset.done $0x0  }
0x9e: {  	[sflag:s31] =	ssyncadd.s32 $0xFFFFC000  }
0x9f: {  	_ =	swait.ge [sflag:s31], $0x4000  }
0xa0: {  	v3 =	vlaneseq.u32;
	[sflag:s31] =	ssyncset.done $0x0  }
0xa1: {  	s6 =	sadd.s32 $0x600, s6;
	v3 =	vmul.u32 $0x80, v3;
	v1 =	vimm.f32 $0.0e+00;
	v2 =	vmov s7;
	[sflag:s31] =	ssyncadd.s32 $0xFFFFC000  }
.LBB2_1:
0xa2: {  	v4 =	vmov s2  }
0xa3: {  	v4 =	vshll.u32 v4, $0x7  }
0xa4: {  	v4 =	vor.u32 v3, v4;
	_ =	sdelay $0x1  }
0xa5: {  	v5 =	vor.u32 $0x1, v4;
	_ =	sdelay $0x1  }
0xa6: {  	v6 =	vor.u32 $0x2, v4  }
0xa7: {  	v7 =	vld.idx.msk [tilespmem:v4+s3+$0x0], $0xffff  }
0xa8: {  	v9 =	vor.u32 $0x3, v4;
	v8 =	vld.idx.msk [tilespmem:v4+s4+$0x0], $0xffff  }
0xa9: {  	v11 =	vor.u32 $0x4, v4;
	v10 =	vld.idx.msk [tilespmem:v5+s3+$0x0], $0xffff  }
0xaa: {  	v32 =	vor.u32 $0x6, v4;
	v5 =	vld.idx.msk [tilespmem:v5+s4+$0x0], $0xffff  }
0xab: {  	v48 =	vor.u32 $0x7, v4;
	v12 =	vld.idx.msk [tilespmem:v6+s3+$0x0], $0xffff  }
0xac: {  	v16 =	vor.u32 $0x8, v4;
	v6 =	vld.idx.msk [tilespmem:v6+s4+$0x0], $0xffff  }
0xad: {  	v14 =	vld.idx.msk [tilespmem:v9+s3+$0x0], $0xffff  }
0xae: {  	v20 =	vor.u32 $0x9, v4;
	v33 =	vld.idx.msk [tilespmem:v11+s3+$0x0], $0xffff  }
0xaf: {  	v25 =	vor.u32 $0xA, v4;
	v38 =	vld.idx.msk [tilespmem:v32+s3+$0x0], $0xffff  }
0xb0: {  	v22 =	vld.idx.msk [tilespmem:v48+s3+$0x0], $0xffff  }
0xb1: {  	v13 =	vor.u32 $0x5, v4;
	v26 =	vld.idx.msk [tilespmem:v16+s3+$0x0], $0xffff  }
0xb2: {  	v16 =	vld.idx.msk [tilespmem:v16+s4+$0x0], $0xffff;
	v7 =	vmul.f32 $1.442695020e+00, v7;
	v8 =	vmul.f32 $1.442695020e+00, v8  }
0xb3: {  	v30 =	vld.idx.msk [tilespmem:v20+s3+$0x0], $0xffff;
	v31 =	vmul.f32 $1.442695020e+00, v10;
	v5 =	vmul.f32 $1.442695020e+00, v5  }
0xb4: {  	v58 =	vld.idx.msk [tilespmem:v25+s3+$0x0], $0xffff;
	v34 =	vmul.f32 $1.442695020e+00, v12;
	v36 =	vmul.f32 $1.442695020e+00, v14  }
0xb5: {  	v9 =	vld.idx.msk [tilespmem:v9+s4+$0x0], $0xffff;
	v39 =	vmul.f32 $1.442695020e+00, v33;
	v43 =	vmul.f32 $1.442695020e+00, v38  }
0xb6: {  	v35 =	vld.idx.msk [tilespmem:v13+s3+$0x0], $0xffff;
	v22 =	vmul.f32 $1.442695020e+00, v22;
	v59 =	vmul.f32 $1.442695020e+00, v26  }
0xb7: {  	v29 =	vor.u32 $0xB, v4;
	v11 =	vld.idx.msk [tilespmem:v11+s4+$0x0], $0xffff;
	v61 =	vmul.f32 $1.442695020e+00, v16;
	(erf) = vpow2.f32 v7  }
0xb8: {  	v12 =	vld.idx.msk [tilespmem:v48+s4+$0x0], $0xffff;
	v63 =	vmul.f32 $1.442695020e+00, v30;
	(erf) = vpow2.f32 v8  }
0xb9: {  	v40 =	vld.idx.msk [tilespmem:v32+s4+$0x0], $0xffff;
	v32 =	vmul.f32 $1.442695020e+00, v58;
	(erf) = vpow2.f32 v31  }
0xba: {  	v60 =	vor.u32 $0xD, v4;
	v25 =	vld.idx.msk [tilespmem:v25+s4+$0x0], $0xffff;
	(erf) = vpow2.f32 v5;
	v5 =	vmul.f32 $1.442695020e+00, v6  }
0xbb: {  	v37 =	vld.idx.msk [tilespmem:v13+s4+$0x0], $0xffff;
	v31 =	vor.u32 $0xC, v4;
	v6 =	vmul.f32 $1.442695020e+00, v35;
	(erf) = vpow2.f32 v34  }
0xbc: {  	v62 =	vld.idx.msk [tilespmem:v29+s3+$0x0], $0xffff;
	(erf) = vpow2.f32 v5;
	v5 =	vmul.f32 $1.442695020e+00, v9  }
0xbd: {  	v12 =	vmul.f32 $1.442695020e+00, v12;
	(erf) = vpow2.f32 v36  }
0xbe: {  	(erf) = vpow2.f32 v5;
	v5 =	vmul.f32 $1.442695020e+00, v11  }
0xbf: {  	v35 =	vld.idx.msk [tilespmem:v60+s3+$0x0], $0xffff;
	v34 =	vmul.f32 $1.442695020e+00, v25;
	(erf) = vpow2.f32 v39  }
0xc0: {  	v30 =	vld.idx.msk [tilespmem:v31+s3+$0x0], $0xffff;
	v41 =	vpop (erf);
	(erf) = vpow2.f32 v5;
	v5 =	vmul.f32 $1.442695020e+00, v37  }
0xc1: {  	v36 =	vmul.f32 $1.442695020e+00, v62;
	v42 =	vpop (erf);
	(erf) = vpow2.f32 v6  }
0xc2: {  	v7 =	vmul.f32 v41, v41;
	v44 =	vpop (erf);
	(erf) = vpow2.f32 v5  }
0xc3: {  	v33 =	vld.idx.msk [tilespmem:v31+s4+$0x0], $0xffff;
	v5 =	vmul.f32 $1.442695020e+00, v40;
	v10 =	vmul.f32 v42, v42  }
0xc4: {  	v37 =	vld.idx.msk [tilespmem:v60+s4+$0x0], $0xffff;
	v45 =	vpop (erf);
	(erf) = vpow2.f32 v43;
	v9 =	vmul.f32 v44, v44  }
0xc5: {  	v39 =	vmul.f32 $1.442695020e+00, v30;
	v43 =	vmul.f32 $1.442695020e+00, v35  }
0xc6: {  	v46 =	vpop (erf);
	(erf) = vpow2.f32 v5;
	v5 =	vmul.f32 v42, v41  }
0xc7: {  	v50 =	vmul.f32 v45, v44;
	v8 =	vmul.f32 v45, v45  }
0xc8: {  	v20 =	vld.idx.msk [tilespmem:v20+s4+$0x0], $0xffff;
	v62 =	vor.u32 $0x10, v4;
	v41 =	vmul.f32 $1.442695020e+00, v33;
	v47 =	vpop (erf);
	v6 =	vmul.f32 v46, v46  }
0xc9: {  	v7 =	vadd.f32 v9, v7;
	v45 =	vmul.f32 $1.442695020e+00, v37;
	v49 =	vpop (erf);
	v5 =	vadd.f32 $0.0e+00, v5  }
0xca: {  	v17 =	vmul.f32 v47, v46;
	v11 =	vmul.f32 v47, v47;
	v8 =	vadd.f32 v8, v10;
	v15 =	vpop (erf)  }
0xcb: {  	v13 =	vmul.f32 v49, v49;
	v6 =	vadd.f32 v6, v7;
	v18 =	vpop (erf);
	v51 =	vmul.f32 v15, v49  }
0xcc: {  	v5 =	vadd.f32 v50, v5;
	v15 =	vmul.f32 v15, v15;
	v52 =	vmul.f32 v18, v18  }
0xcd: {  	v8 =	vadd.f32 v11, v8;
	v19 =	vpop (erf);
	(erf) = vpow2.f32 v22;
	v22 =	vld.idx.msk [tilespmem:v29+s4+$0x0], $0xffff;
	v29 =	vmul.f32 $1.442695020e+00, v20  }
0xce: {  	v6 =	vadd.f32 v13, v6;
	v21 =	vpop (erf);
	v23 =	vmul.f32 v19, v18;
	v53 =	vmul.f32 v19, v19  }
0xcf: {  	v5 =	vadd.f32 v17, v5;
	(erf) = vpow2.f32 v12;
	v8 =	vadd.f32 v15, v8;
	v24 =	vpop (erf)  }
0xd0: {  	(erf) = vpow2.f32 v59;
	v6 =	vadd.f32 v52, v6;
	v27 =	vmul.f32 v24, v21  }
0xd1: {  	v52 =	vor.u32 $0xE, v4;
	v54 =	vpop (erf);
	v21 =	vmul.f32 v21, v21;
	(erf) = vpow2.f32 v61  }
0xd2: {  	v55 =	vmul.f32 v24, v24;
	v5 =	vadd.f32 v51, v5;
	v28 =	vpop (erf);
	(erf) = vpow2.f32 v63  }
0xd3: {  	v8 =	vadd.f32 v53, v8;
	v19 =	vmul.f32 v54, v54;
	(erf) = vpow2.f32 v29  }
0xd4: {  	v56 =	vmul.f32 v28, v54;
	v5 =	vadd.f32 v23, v5;
	(erf) = vpow2.f32 v32  }
0xd5: {  	v38 =	vmul.f32 $1.442695020e+00, v22;
	v6 =	vadd.f32 v21, v6;
	(erf) = vpow2.f32 v34  }
0xd6: {  	v57 =	vmul.f32 v28, v28;
	v8 =	vadd.f32 v55, v8;
	v33 =	vld.idx.msk [tilespmem:v52+s3+$0x0], $0xffff;
	(erf) = vpow2.f32 v36  }
0xd7: {  	v5 =	vadd.f32 v27, v5;
	v6 =	vadd.f32 v19, v6;
	v15 =	vld.idx.msk [tilespmem:v52+s4+$0x0], $0xffff;
	v40 =	vpop (erf);
	(erf) = vpow2.f32 v38  }
0xd8: {  	v50 =	vadd.f32 v57, v8;
	v57 =	vor.u32 $0xF, v4;
	v42 =	vpop (erf);
	(erf) = vpow2.f32 v39  }
0xd9: {  	v36 =	vor.u32 $0x11, v4;
	v48 =	vmul.f32 v40, v40;
	v44 =	vpop (erf);
	(erf) = vpow2.f32 v41  }
0xda: {  	v5 =	vadd.f32 v56, v5;
	v46 =	vmul.f32 v42, v40;
	v53 =	vmul.f32 v42, v42  }
0xdb: {  	v47 =	vpop (erf);
	(erf) = vpow2.f32 v43;
	v6 =	vadd.f32 v48, v6;
	v10 =	vmul.f32 v44, v44  }
0xdc: {  	v20 =	vld.idx.msk [tilespmem:v62+s4+$0x0], $0xffff;
	v43 =	vor.u32 $0x12, v4;
	v22 =	vmul.f32 $1.442695020e+00, v33;
	v15 =	vmul.f32 $1.442695020e+00, v15  }
0xdd: {  	v40 =	vld.idx.msk [tilespmem:v57+s3+$0x0], $0xffff;
	v49 =	vpop (erf);
	(erf) = vpow2.f32 v45;
	v5 =	vadd.f32 v46, v5;
	v55 =	vmul.f32 v47, v44  }
0xde: {  	v17 =	vld.idx.msk [tilespmem:v57+s4+$0x0], $0xffff;
	v7 =	vadd.f32 v53, v50;
	v58 =	vmul.f32 v47, v47;
	v47 =	vor.u32 $0x13, v4;
	v51 =	vpop (erf)  }
0xdf: {  	v11 =	vmul.f32 v49, v49;
	v6 =	vadd.f32 v10, v6;
	v54 =	vpop (erf);
	v59 =	vmul.f32 v51, v49  }
0xe0: {  	v46 =	vld.idx.msk [tilespmem:v62+s3+$0x0], $0xffff;
	v8 =	vmul.f32 v51, v51;
	v5 =	vadd.f32 v55, v5;
	v7 =	vadd.f32 v58, v7;
	v56 =	vpop (erf)  }
0xe1: {  	v51 =	vor.u32 $0x14, v4;
	v12 =	vmul.f32 v54, v54;
	v63 =	vmul.f32 v56, v54  }
0xe2: {  	v25 =	vld.idx.msk [tilespmem:v36+s4+$0x0], $0xffff;
	v6 =	vadd.f32 v11, v6;
	v16 =	vmul.f32 v56, v56;
	v50 =	vmul.f32 $1.442695020e+00, v40  }
0xe3: {  	v49 =	vld.idx.msk [tilespmem:v36+s3+$0x0], $0xffff;
	v60 =	vpop (erf);
	v5 =	vadd.f32 v59, v5;
	v52 =	vmul.f32 $1.442695020e+00, v17;
	v56 =	vmul.f32 $1.442695020e+00, v20  }
0xe4: {  	v7 =	vadd.f32 v8, v7;
	v61 =	vpop (erf);
	v37 =	vmul.f32 v60, v60;
	(erf) = vpow2.f32 v22  }
0xe5: {  	v54 =	vmul.f32 $1.442695020e+00, v46;
	v6 =	vadd.f32 v12, v6;
	v34 =	vmul.f32 v61, v60  }
0xe6: {  	v53 =	vld.idx.msk [tilespmem:v43+s3+$0x0], $0xffff;
	v32 =	vpop (erf);
	v38 =	vmul.f32 v61, v61;
	(erf) = vpow2.f32 v15;
	v5 =	vadd.f32 v63, v5  }
0xe7: {  	v55 =	vld.idx.msk [tilespmem:v43+s4+$0x0], $0xffff;
	v7 =	vadd.f32 v16, v7;
	v60 =	vmul.f32 $1.442695020e+00, v25;
	v21 =	vmul.f32 v32, v32  }
0xe8: {  	v35 =	vpop (erf);
	(erf) = vpow2.f32 v50;
	v58 =	vmul.f32 $1.442695020e+00, v49;
	v6 =	vadd.f32 v37, v6  }
0xe9: {  	v57 =	vld.idx.msk [tilespmem:v47+s3+$0x0], $0xffff;
	v50 =	vor.u32 $0x18, v4;
	v39 =	vpop (erf);
	v41 =	vmul.f32 v35, v32;
	v44 =	vmul.f32 v35, v35  }
0xea: {  	v59 =	vld.idx.msk [tilespmem:v47+s4+$0x0], $0xffff;
	(erf) = vpow2.f32 v52;
	v5 =	vadd.f32 v34, v5;
	v19 =	vmul.f32 v39, v39  }
0xeb: {  	v7 =	vadd.f32 v38, v7;
	v42 =	vpop (erf);
	(erf) = vpow2.f32 v54;
	v62 =	vmul.f32 $1.442695020e+00, v53  }
0xec: {  	v63 =	vld.idx.msk [tilespmem:v51+s4+$0x0], $0xffff;
	v35 =	vor.u32 $0x15, v4;
	v17 =	vmul.f32 $1.442695020e+00, v55;
	v45 =	vmul.f32 v42, v39  }
0xed: {  	v61 =	vld.idx.msk [tilespmem:v51+s3+$0x0], $0xffff;
	v6 =	vadd.f32 v21, v6;
	v48 =	vmul.f32 v42, v42;
	(erf) = vpow2.f32 v56  }
0xee: {  	v20 =	vmul.f32 $1.442695020e+00, v57;
	v5 =	vadd.f32 v41, v5;
	(erf) = vpow2.f32 v58  }
0xef: {  	v23 =	vmul.f32 $1.442695020e+00, v59;
	v7 =	vadd.f32 v44, v7;
	(erf) = vpow2.f32 v60  }
0xf0: {  	v39 =	vor.u32 $0x16, v4;
	v44 =	vor.u32 $0x17, v4;
	(erf) = vpow2.f32 v62  }
0xf1: {  	v57 =	vor.u32 $0x19, v4;
	v28 =	vmul.f32 $1.442695020e+00, v63;
	v63 =	vld.idx.msk [tilespmem:v50+s3+$0x0], $0xffff;
	v22 =	vpop (erf);
	(erf) = vpow2.f32 v17  }
0xf2: {  	v6 =	vadd.f32 v19, v6;
	v26 =	vmul.f32 $1.442695020e+00, v61;
	v47 =	vld.idx.msk [tilespmem:v35+s3+$0x0], $0xffff;
	v25 =	vpop (erf);
	(erf) = vpow2.f32 v20  }
0xf3: {  	v5 =	vadd.f32 v45, v5;
	v14 =	vld.idx.msk [tilespmem:v35+s4+$0x0], $0xffff;
	v31 =	vmul.f32 v22, v22;
	v27 =	vpop (erf);
	(erf) = vpow2.f32 v23  }
0xf4: {  	v7 =	vadd.f32 v48, v7;
	v29 =	vmul.f32 v25, v22;
	v33 =	vmul.f32 v25, v25  }
0xf5: {  	v61 =	vor.u32 $0x1A, v4;
	v54 =	vld.idx.msk [tilespmem:v39+s3+$0x0], $0xffff;
	v30 =	vpop (erf);
	(erf) = vpow2.f32 v26;
	v9 =	vmul.f32 v27, v27  }
0xf6: {  	v16 =	vld.idx.msk [tilespmem:v39+s4+$0x0], $0xffff;
	v6 =	vadd.f32 v31, v6;
	v39 =	vmul.f32 $1.442695020e+00, v63;
	v32 =	vpop (erf);
	(erf) = vpow2.f32 v28  }
0xf7: {  	v60 =	vld.idx.msk [tilespmem:v44+s3+$0x0], $0xffff;
	v5 =	vadd.f32 v29, v5;
	v36 =	vmul.f32 v30, v27;
	v40 =	vmul.f32 v30, v30  }
0xf8: {  	v24 =	vld.idx.msk [tilespmem:v50+s4+$0x0], $0xffff;
	v7 =	vadd.f32 v33, v7;
	v21 =	vmul.f32 $1.442695020e+00, v47;
	v14 =	vmul.f32 $1.442695020e+00, v14  }
0xf9: {  	v19 =	vld.idx.msk [tilespmem:v44+s4+$0x0], $0xffff;
	v34 =	vpop (erf);
	v11 =	vmul.f32 v32, v32;
	v6 =	vadd.f32 v9, v6;
	v5 =	vadd.f32 v36, v5  }
0xfa: {  	v41 =	vmul.f32 v34, v32;
	v12 =	vmul.f32 v34, v34;
	v7 =	vadd.f32 v40, v7  }
0xfb: {  	v37 =	vpop (erf);
	v31 =	vmul.f32 $1.442695020e+00, v54;
	v32 =	vor.u32 $0x1B, v4;
	v33 =	vmul.f32 $1.442695020e+00, v16;
	v34 =	vld.idx.msk [tilespmem:v57+s3+$0x0], $0xffff  }
0xfc: {  	v35 =	vmul.f32 $1.442695020e+00, v60;
	v36 =	vld.idx.msk [tilespmem:v57+s4+$0x0], $0xffff;
	v57 =	vor.u32 $0x1D, v4;
	v38 =	vpop (erf);
	v13 =	vmul.f32 v37, v37  }
0xfd: {  	v6 =	vadd.f32 v11, v6;
	v45 =	vmul.f32 v38, v37;
	v10 =	vmul.f32 v38, v38  }
0xfe: {  	v40 =	vld.idx.msk [tilespmem:v61+s4+$0x0], $0xffff;
	v42 =	vpop (erf);
	v5 =	vadd.f32 v41, v5;
	v37 =	vmul.f32 $1.442695020e+00, v19;
	v41 =	vmul.f32 $1.442695020e+00, v24  }
0xff: {  	v7 =	vadd.f32 v12, v7;
	v43 =	vpop (erf);
	v51 =	vmul.f32 v42, v42;
	(erf) = vpow2.f32 v21  }
0x100: {  	v6 =	vadd.f32 v13, v6;
	v46 =	vpop (erf);
	v48 =	vmul.f32 v43, v42;
	v52 =	vmul.f32 v43, v43  }
0x101: {  	(erf) = vpow2.f32 v14;
	v5 =	vadd.f32 v45, v5;
	v20 =	vmul.f32 v46, v46  }
0x102: {  	v38 =	vld.idx.msk [tilespmem:v61+s3+$0x0], $0xffff;
	v7 =	vadd.f32 v10, v7;
	v49 =	vpop (erf);
	(erf) = vpow2.f32 v31;
	v43 =	vmul.f32 $1.442695020e+00, v34  }
0x103: {  	v42 =	vld.idx.msk [tilespmem:v32+s3+$0x0], $0xffff;
	v6 =	vadd.f32 v51, v6;
	v45 =	vmul.f32 $1.442695020e+00, v36;
	v10 =	vmul.f32 $1.442695020e+00, v40  }
0x104: {  	v44 =	vld.idx.msk [tilespmem:v32+s4+$0x0], $0xffff;
	v40 =	vor.u32 $0x1F, v4;
	v32 =	vor.u32 $0x21, v4;
	v55 =	vmul.f32 v49, v46  }
0x105: {  	v53 =	vpop (erf);
	v58 =	vmul.f32 v49, v49;
	(erf) = vpow2.f32 v33;
	v5 =	vadd.f32 v48, v5  }
0x106: {  	v7 =	vadd.f32 v52, v7;
	v56 =	vpop (erf);
	v18 =	vmul.f32 v53, v53;
	(erf) = vpow2.f32 v35  }
0x107: {  	v52 =	vor.u32 $0x1C, v4;
	v46 =	vmul.f32 $1.442695020e+00, v38;
	(erf) = vpow2.f32 v37  }
0x108: {  	v62 =	vmul.f32 v56, v56;
	v7 =	vadd.f32 v58, v7;
	(erf) = vpow2.f32 v39  }
0x109: {  	v16 =	vld.idx.msk [tilespmem:v57+s4+$0x0], $0xffff;
	v6 =	vadd.f32 v20, v6;
	(erf) = vpow2.f32 v41;
	v9 =	vmul.f32 $1.442695020e+00, v44  }
0x10a: {  	v7 =	vadd.f32 v62, v7;
	v62 =	vor.u32 $0x1E, v4;
	v44 =	vld.idx.msk [tilespmem:v57+s3+$0x0], $0xffff;
	(erf) = vpow2.f32 v43  }
0x10b: {  	v59 =	vmul.f32 v56, v53;
	v5 =	vadd.f32 v55, v5;
	v24 =	vld.idx.msk [tilespmem:v40+s4+$0x0], $0xffff;
	v47 =	vpop (erf);
	(erf) = vpow2.f32 v45  }
0x10c: {  	v6 =	vadd.f32 v18, v6;
	v49 =	vmul.f32 $1.442695020e+00, v42;
	v33 =	vld.idx.msk [tilespmem:v40+s3+$0x0], $0xffff;
	v48 =	vpop (erf);
	(erf) = vpow2.f32 v46  }
0x10d: {  	v5 =	vadd.f32 v59, v5;
	v37 =	vld.idx.msk [tilespmem:v52+s3+$0x0], $0xffff;
	v55 =	vmul.f32 v47, v47;
	v50 =	vpop (erf);
	(erf) = vpow2.f32 v10  }
0x10e: {  	v40 =	vor.u32 $0x23, v4;
	v8 =	vld.idx.msk [tilespmem:v52+s4+$0x0], $0xffff;
	v53 =	vmul.f32 v48, v47;
	v12 =	vmul.f32 v48, v48  }
0x10f: {  	v46 =	vor.u32 $0x20, v4;
	v51 =	vpop (erf);
	(erf) = vpow2.f32 v49;
	v14 =	vmul.f32 v50, v50;
	v49 =	vld.idx.msk [tilespmem:v62+s3+$0x0], $0xffff  }
0x110: {  	v6 =	vadd.f32 v55, v6;
	v20 =	vld.idx.msk [tilespmem:v62+s4+$0x0], $0xffff;
	v52 =	vmul.f32 $1.442695020e+00, v44;
	v62 =	vmul.f32 $1.442695020e+00, v24  }
0x111: {  	v54 =	vpop (erf);
	(erf) = vpow2.f32 v9;
	v5 =	vadd.f32 v53, v5;
	v58 =	vmul.f32 v51, v50  }
0x112: {  	v10 =	vmul.f32 v51, v51;
	v7 =	vadd.f32 v12, v7;
	v21 =	vmul.f32 $1.442695020e+00, v37  }
0x113: {  	v8 =	vmul.f32 $1.442695020e+00, v8;
	v53 =	vor.u32 $0x22, v4;
	v56 =	vpop (erf);
	v63 =	vmul.f32 v54, v54  }
0x114: {  	v6 =	vadd.f32 v14, v6;
	v59 =	vpop (erf);
	v60 =	vmul.f32 v56, v54;
	v13 =	vmul.f32 v56, v56  }
0x115: {  	v5 =	vadd.f32 v58, v5;
	v54 =	vmul.f32 $1.442695020e+00, v16;
	v55 =	vld.idx.msk [tilespmem:v46+s3+$0x0], $0xffff;
	v61 =	vpop (erf);
	v17 =	vmul.f32 v59, v59  }
0x116: {  	v7 =	vadd.f32 v10, v7;
	v57 =	vld.idx.msk [tilespmem:v46+s4+$0x0], $0xffff;
	v38 =	vmul.f32 v61, v59;
	v41 =	vmul.f32 v61, v61  }
0x117: {  	v46 =	vor.u32 $0x24, v4;
	v36 =	vpop (erf);
	v56 =	vmul.f32 $1.442695020e+00, v49;
	v58 =	vmul.f32 $1.442695020e+00, v20;
	v59 =	vld.idx.msk [tilespmem:v32+s3+$0x0], $0xffff  }
0x118: {  	v5 =	vadd.f32 v60, v5;
	v60 =	vmul.f32 $1.442695020e+00, v33;
	v61 =	vld.idx.msk [tilespmem:v32+s4+$0x0], $0xffff;
	v39 =	vpop (erf);
	v15 =	vmul.f32 v36, v36  }
0x119: {  	v6 =	vadd.f32 v63, v6;
	(erf) = vpow2.f32 v21;
	v63 =	vld.idx.msk [tilespmem:v53+s3+$0x0], $0xffff;
	v42 =	vmul.f32 v39, v36  }
0x11a: {  	v7 =	vadd.f32 v13, v7;
	v21 =	vld.idx.msk [tilespmem:v53+s4+$0x0], $0xffff;
	v43 =	vpop (erf);
	v23 =	vmul.f32 v39, v39;
	(erf) = vpow2.f32 v8  }
0x11b: {  	v6 =	vadd.f32 v17, v6;
	v53 =	vld.idx.msk [tilespmem:v40+s3+$0x0], $0xffff;
	v45 =	vpop (erf);
	v25 =	vmul.f32 v43, v43;
	(erf) = vpow2.f32 v52  }
0x11c: {  	v17 =	vld.idx.msk [tilespmem:v40+s4+$0x0], $0xffff;
	v40 =	vor.u32 $0x2A, v4;
	v10 =	vmul.f32 $1.442695020e+00, v55;
	v22 =	vmul.f32 $1.442695020e+00, v57  }
0x11d: {  	v5 =	vadd.f32 v38, v5;
	v47 =	vmul.f32 v45, v43;
	v48 =	vpop (erf);
	(erf) = vpow2.f32 v54  }
0x11e: {  	v7 =	vadd.f32 v41, v7;
	v27 =	vmul.f32 v45, v45;
	v50 =	vpop (erf);
	(erf) = vpow2.f32 v56  }
0x11f: {  	v6 =	vadd.f32 v15, v6;
	v9 =	vmul.f32 $1.442695020e+00, v59;
	v26 =	vmul.f32 $1.442695020e+00, v61  }
0x120: {  	v55 =	vor.u32 $0x26, v4;
	v35 =	vmul.f32 v48, v48;
	v51 =	vmul.f32 v50, v48  }
0x121: {  	v57 =	vld.idx.msk [tilespmem:v46+s3+$0x0], $0xffff;
	v5 =	vadd.f32 v42, v5;
	(erf) = vpow2.f32 v58;
	v30 =	vmul.f32 $1.442695020e+00, v63  }
0x122: {  	v6 =	vadd.f32 v25, v6;
	v33 =	vmul.f32 $1.442695020e+00, v21;
	v37 =	vmul.f32 v50, v50  }
0x123: {  	v5 =	vadd.f32 v47, v5;
	v25 =	vmul.f32 $1.442695020e+00, v53;
	(erf) = vpow2.f32 v60  }
0x124: {  	v7 =	vadd.f32 v23, v7;
	v17 =	vmul.f32 $1.442695020e+00, v17;
	(erf) = vpow2.f32 v62  }
0x125: {  	v5 =	vadd.f32 v51, v5;
	v51 =	vor.u32 $0x25, v4;
	(erf) = vpow2.f32 v10  }
0x126: {  	v59 =	vor.u32 $0x27, v4;
	v62 =	vmul.f32 $1.442695020e+00, v57;
	v24 =	vpop (erf);
	(erf) = vpow2.f32 v22  }
0x127: {  	v20 =	vld.idx.msk [tilespmem:v46+s4+$0x0], $0xffff;
	v7 =	vadd.f32 v27, v7;
	v28 =	vpop (erf);
	(erf) = vpow2.f32 v9;
	v41 =	vmul.f32 v24, v24  }
0x128: {  	v63 =	vor.u32 $0x29, v4;
	v61 =	vld.idx.msk [tilespmem:v55+s3+$0x0], $0xffff;
	v32 =	vpop (erf);
	(erf) = vpow2.f32 v26;
	v38 =	vmul.f32 v28, v24  }
0x129: {  	v6 =	vadd.f32 v35, v6;
	v42 =	vmul.f32 v28, v28;
	v28 =	vld.idx.msk [tilespmem:v55+s4+$0x0], $0xffff;
	v34 =	vpop (erf);
	(erf) = vpow2.f32 v30  }
0x12a: {  	v7 =	vadd.f32 v37, v7;
	v11 =	vmul.f32 v32, v32;
	v60 =	vld.idx.msk [tilespmem:v51+s3+$0x0], $0xffff;
	v36 =	vpop (erf);
	(erf) = vpow2.f32 v33  }
0x12b: {  	v6 =	vadd.f32 v41, v6;
	v23 =	vld.idx.msk [tilespmem:v51+s4+$0x0], $0xffff;
	v44 =	vmul.f32 v34, v32;
	v47 =	vmul.f32 v34, v34;
	v39 =	vpop (erf)  }
0x12c: {  	v51 =	vld.idx.msk [tilespmem:v40+s3+$0x0], $0xffff;
	v5 =	vadd.f32 v38, v5;
	v14 =	vmul.f32 v36, v36;
	v48 =	vmul.f32 v39, v36  }
0x12d: {  	v7 =	vadd.f32 v42, v7;
	v43 =	vpop (erf);
	v16 =	vmul.f32 v39, v39;
	v36 =	vmul.f32 $1.442695020e+00, v20  }
0x12e: {  	v37 =	vld.idx.msk [tilespmem:v59+s3+$0x0], $0xffff;
	v34 =	vor.u32 $0x28, v4;
	v45 =	vpop (erf);
	v12 =	vmul.f32 v43, v43;
	v46 =	vmul.f32 $1.442695020e+00, v28  }
0x12f: {  	v5 =	vadd.f32 v44, v5;
	v39 =	vld.idx.msk [tilespmem:v59+s4+$0x0], $0xffff;
	v15 =	vmul.f32 v45, v43;
	v19 =	vmul.f32 v45, v45  }
0x130: {  	v7 =	vadd.f32 v47, v7;
	v47 =	vld.idx.msk [tilespmem:v63+s3+$0x0], $0xffff;
	v38 =	vmul.f32 $1.442695020e+00, v60;
	v41 =	vmul.f32 $1.442695020e+00, v23  }
0x131: {  	v49 =	vpop (erf);
	v43 =	vmul.f32 $1.442695020e+00, v61;
	v5 =	vadd.f32 v48, v5;
	v48 =	vld.idx.msk [tilespmem:v63+s4+$0x0], $0xffff;
	v63 =	vmul.f32 $1.442695020e+00, v51  }
0x132: {  	v6 =	vadd.f32 v11, v6;
	v50 =	vpop (erf);
	v9 =	vmul.f32 v49, v49;
	(erf) = vpow2.f32 v25  }
0x133: {  	v26 =	vmul.f32 v50, v49;
	v21 =	vmul.f32 v50, v50  }
0x134: {  	v6 =	vadd.f32 v14, v6;
	v52 =	vpop (erf);
	(erf) = vpow2.f32 v17;
	v17 =	vmul.f32 $1.442695020e+00, v37  }
0x135: {  	v45 =	vor.u32 $0x2B, v4;
	v54 =	vpop (erf);
	v24 =	vmul.f32 v52, v52;
	(erf) = vpow2.f32 v62  }
0x136: {  	v7 =	vadd.f32 v16, v7;
	v50 =	vmul.f32 $1.442695020e+00, v39;
	v57 =	vmul.f32 $1.442695020e+00, v47  }
0x137: {  	v42 =	vld.idx.msk [tilespmem:v34+s3+$0x0], $0xffff;
	v6 =	vadd.f32 v12, v6;
	v56 =	vpop (erf);
	v30 =	vmul.f32 v54, v52;
	(erf) = vpow2.f32 v36  }
0x138: {  	v44 =	vld.idx.msk [tilespmem:v34+s4+$0x0], $0xffff;
	v49 =	vor.u32 $0x2C, v4;
	v10 =	vmul.f32 v54, v54;
	v58 =	vpop (erf);
	(erf) = vpow2.f32 v38  }
0x139: {  	v5 =	vadd.f32 v15, v5;
	v22 =	vmul.f32 v56, v56;
	(erf) = vpow2.f32 v41  }
0x13a: {  	v7 =	vadd.f32 v19, v7;
	v52 =	vld.idx.msk [tilespmem:v40+s4+$0x0], $0xffff;
	v27 =	vmul.f32 v58, v56;
	(erf) = vpow2.f32 v43  }
0x13b: {  	v6 =	vadd.f32 v9, v6;
	v55 =	vld.idx.msk [tilespmem:v45+s3+$0x0], $0xffff;
	v18 =	vmul.f32 v58, v58;
	(erf) = vpow2.f32 v46  }
0x13c: {  	v5 =	vadd.f32 v26, v5;
	v11 =	vmul.f32 $1.442695020e+00, v42;
	v58 =	vld.idx.msk [tilespmem:v45+s4+$0x0], $0xffff;
	(erf) = vpow2.f32 v17  }
0x13d: {  	v7 =	vadd.f32 v21, v7;
	v54 =	vmul.f32 $1.442695020e+00, v44;
	v53 =	vpop (erf);
	(erf) = vpow2.f32 v50  }
0x13e: {  	v60 =	vmul.f32 $1.442695020e+00, v48;
	v6 =	vadd.f32 v24, v6;
	v61 =	vld.idx.msk [tilespmem:v49+s3+$0x0], $0xffff;
	v56 =	vpop (erf);
	(erf) = vpow2.f32 v11  }
0x13f: {  	v5 =	vadd.f32 v30, v5;
	v25 =	vld.idx.msk [tilespmem:v49+s4+$0x0], $0xffff;
	v28 =	vmul.f32 $1.442695020e+00, v52;
	v59 =	vpop (erf);
	(erf) = vpow2.f32 v54  }
0x140: {  	v7 =	vadd.f32 v10, v7;
	v31 =	vmul.f32 $1.442695020e+00, v55;
	v62 =	vpop (erf);
	(erf) = vpow2.f32 v57  }
0x141: {  	v30 =	vor.u32 $0x39, v4;
	v33 =	vmul.f32 $1.442695020e+00, v58;
	v26 =	vpop (erf);
	(erf) = vpow2.f32 v60  }
0x142: {  	v6 =	vadd.f32 v22, v6;
	v40 =	vmul.f32 v53, v53;
	v29 =	vpop (erf);
	(erf) = vpow2.f32 v63  }
0x143: {  	v5 =	vadd.f32 v27, v5;
	v35 =	vmul.f32 $1.442695020e+00, v61;
	v32 =	vpop (erf);
	(erf) = vpow2.f32 v28  }
0x144: {  	v7 =	vadd.f32 v18, v7;
	v37 =	vmul.f32 $1.442695020e+00, v25;
	v34 =	vpop (erf);
	(erf) = vpow2.f32 v31  }
0x145: {  	v58 =	vor.u32 $0x2E, v4;
	v38 =	vmul.f32 v56, v53;
	v36 =	vpop (erf);
	(erf) = vpow2.f32 v33  }
0x146: {  	v42 =	vmul.f32 v56, v56;
	v53 =	vor.u32 $0x2D, v4;
	v39 =	vpop (erf);
	(erf) = vpow2.f32 v35  }
0x147: {  	v6 =	vadd.f32 v40, v6;
	v45 =	vmul.f32 v59, v59;
	v41 =	vpop (erf);
	(erf) = vpow2.f32 v37  }
0x148: {  	v61 =	vor.u32 $0x2F, v4;
	v5 =	vadd.f32 v38, v5;
	v44 =	vmul.f32 v62, v59;
	v43 =	vpop (erf)  }
0x149: {  	v7 =	vadd.f32 v42, v7;
	v47 =	vmul.f32 v62, v62;
	v6 =	vadd.f32 v45, v6;
	v46 =	vpop (erf)  }
0x14a: {  	v51 =	vmul.f32 v26, v26;
	v5 =	vadd.f32 v44, v5;
	v49 =	vmul.f32 v29, v26;
	v48 =	vpop (erf)  }
0x14b: {  	v7 =	vadd.f32 v47, v7;
	v54 =	vmul.f32 v29, v29;
	v26 =	vor.u32 $0x38, v4;
	v50 =	vpop (erf)  }
0x14c: {  	v6 =	vadd.f32 v51, v6;
	v59 =	vmul.f32 v32, v32;
	v5 =	vadd.f32 v49, v5;
	v52 =	vpop (erf)  }
0x14d: {  	v55 =	vmul.f32 v34, v32;
	v7 =	vadd.f32 v54, v7;
	v13 =	vmul.f32 v34, v34;
	v56 =	vpop (erf)  }
0x14e: {  	v34 =	vor.u32 $0x30, v4;
	v6 =	vadd.f32 v59, v6;
	v10 =	vmul.f32 v36, v36;
	v57 =	vpop (erf)  }
0x14f: {  	v5 =	vadd.f32 v55, v5;
	v60 =	vmul.f32 v39, v36;
	v62 =	vmul.f32 v39, v39;
	v16 =	vpop (erf)  }
0x150: {  	v7 =	vadd.f32 v13, v7;
	v37 =	vor.u32 $0x31, v4;
	v55 =	vor.u32 $0x32, v4;
	v24 =	vpop (erf)  }
0x151: {  	v15 =	vmul.f32 v41, v41;
	v6 =	vadd.f32 v10, v6;
	v33 =	vmul.f32 v43, v41;
	v63 =	vld.idx.msk [tilespmem:v53+s3+$0x0], $0xffff  }
0x152: {  	v12 =	vmul.f32 v43, v43;
	v5 =	vadd.f32 v60, v5;
	v18 =	vmul.f32 v46, v46;
	v21 =	vld.idx.msk [tilespmem:v53+s4+$0x0], $0xffff  }
0x153: {  	v7 =	vadd.f32 v62, v7;
	v35 =	vmul.f32 v48, v46;
	v19 =	vmul.f32 v48, v48;
	v36 =	vld.idx.msk [tilespmem:v58+s3+$0x0], $0xffff  }
0x154: {  	v6 =	vadd.f32 v15, v6;
	v14 =	vmul.f32 v50, v50;
	v38 =	vmul.f32 v52, v50;
	v23 =	vld.idx.msk [tilespmem:v58+s4+$0x0], $0xffff  }
0x155: {  	v5 =	vadd.f32 v33, v5;
	v9 =	vmul.f32 v52, v52;
	v54 =	vmul.f32 v56, v56;
	v39 =	vld.idx.msk [tilespmem:v61+s3+$0x0], $0xffff  }
0x156: {  	v7 =	vadd.f32 v12, v7;
	v42 =	vmul.f32 v57, v56;
	v8 =	vmul.f32 v57, v57;
	v41 =	vld.idx.msk [tilespmem:v61+s4+$0x0], $0xffff  }
0x157: {  	v33 =	vor.u32 $0x34, v4;
	v60 =	vmul.f32 v16, v16;
	v43 =	vld.idx.msk [tilespmem:v34+s3+$0x0], $0xffff;
	v59 =	vmul.f32 v24, v16  }
0x158: {  	v6 =	vadd.f32 v18, v6;
	v45 =	vld.idx.msk [tilespmem:v34+s4+$0x0], $0xffff;
	v62 =	vmul.f32 v24, v24;
	v40 =	vmul.f32 $1.442695020e+00, v63  }
0x159: {  	v7 =	vadd.f32 v19, v7;
	v47 =	vld.idx.msk [tilespmem:v37+s3+$0x0], $0xffff;
	v21 =	vmul.f32 $1.442695020e+00, v21;
	v44 =	vmul.f32 $1.442695020e+00, v36  }
0x15a: {  	v49 =	vld.idx.msk [tilespmem:v37+s4+$0x0], $0xffff;
	v58 =	vor.u32 $0x33, v4;
	v46 =	vmul.f32 $1.442695020e+00, v23;
	v48 =	vmul.f32 $1.442695020e+00, v39  }
0x15b: {  	v7 =	vadd.f32 v9, v7;
	v37 =	vld.idx.msk [tilespmem:v55+s3+$0x0], $0xffff;
	v50 =	vmul.f32 $1.442695020e+00, v41;
	(erf) = vpow2.f32 v40  }
0x15c: {  	v10 =	vld.idx.msk [tilespmem:v55+s4+$0x0], $0xffff;
	v51 =	vmul.f32 $1.442695020e+00, v43;
	v40 =	vor.u32 $0x35, v4;
	(erf) = vpow2.f32 v21  }
0x15d: {  	v6 =	vadd.f32 v14, v6;
	v18 =	vld.idx.msk [tilespmem:v33+s4+$0x0], $0xffff;
	v52 =	vmul.f32 $1.442695020e+00, v45;
	(erf) = vpow2.f32 v44  }
0x15e: {  	v7 =	vadd.f32 v8, v7;
	v8 =	vld.idx.msk [tilespmem:v26+s4+$0x0], $0xffff;
	v53 =	vmul.f32 $1.442695020e+00, v47;
	(erf) = vpow2.f32 v46  }
0x15f: {  	v5 =	vadd.f32 v35, v5;
	v12 =	vmul.f32 $1.442695020e+00, v49;
	v44 =	vld.idx.msk [tilespmem:v58+s3+$0x0], $0xffff;
	(erf) = vpow2.f32 v48  }
0x160: {  	v6 =	vadd.f32 v54, v6;
	v49 =	vld.idx.msk [tilespmem:v33+s3+$0x0], $0xffff;
	v19 =	vmul.f32 $1.442695020e+00, v37;
	(erf) = vpow2.f32 v50  }
0x161: {  	v5 =	vadd.f32 v38, v5;
	v10 =	vmul.f32 $1.442695020e+00, v10;
	v55 =	vld.idx.msk [tilespmem:v40+s4+$0x0], $0xffff;
	(erf) = vpow2.f32 v51  }
0x162: {  	v6 =	vadd.f32 v60, v6;
	v60 =	vmul.f32 $1.442695020e+00, v18;
	(erf) = vpow2.f32 v52  }
0x163: {  	v8 =	vmul.f32 $1.442695020e+00, v8;
	v46 =	vor.u32 $0x36, v4;
	(erf) = vpow2.f32 v53  }
0x164: {  	v5 =	vadd.f32 v42, v5;
	v54 =	vmul.f32 $1.442695020e+00, v44;
	v53 =	vld.idx.msk [tilespmem:v40+s3+$0x0], $0xffff;
	v56 =	vpop (erf);
	(erf) = vpow2.f32 v12  }
0x165: {  	v51 =	vor.u32 $0x37, v4;
	v12 =	vld.idx.msk [tilespmem:v58+s4+$0x0], $0xffff;
	v58 =	vmul.f32 $1.442695020e+00, v49;
	v57 =	vpop (erf);
	v34 =	vmul.f32 v56, v56  }
0x166: {  	v5 =	vadd.f32 v59, v5;
	v17 =	vmul.f32 $1.442695020e+00, v55;
	v61 =	vpop (erf);
	v63 =	vmul.f32 v57, v56  }
0x167: {  	v7 =	vadd.f32 v62, v7;
	v35 =	vmul.f32 v57, v57;
	v32 =	vpop (erf);
	v14 =	vmul.f32 v61, v61  }
0x168: {  	v57 =	vld.idx.msk [tilespmem:v46+s3+$0x0], $0xffff;
	v6 =	vadd.f32 v34, v6;
	v38 =	vmul.f32 v32, v61;
	v41 =	vmul.f32 v32, v32  }
0x169: {  	v59 =	vld.idx.msk [tilespmem:v46+s4+$0x0], $0xffff;
	v36 =	vpop (erf);
	v5 =	vadd.f32 v63, v5;
	v7 =	vadd.f32 v35, v7;
	v62 =	vmul.f32 $1.442695020e+00, v53  }
0x16a: {  	v61 =	vld.idx.msk [tilespmem:v51+s3+$0x0], $0xffff;
	v35 =	vor.u32 $0x3A, v4;
	v39 =	vpop (erf);
	v11 =	vmul.f32 v36, v36;
	v56 =	vmul.f32 $1.442695020e+00, v12  }
0x16b: {  	v6 =	vadd.f32 v14, v6;
	v42 =	vmul.f32 v39, v36;
	v43 =	vpop (erf);
	v21 =	vmul.f32 v39, v39  }
0x16c: {  	v5 =	vadd.f32 v38, v5;
	v7 =	vadd.f32 v41, v7;
	v45 =	vpop (erf);
	v23 =	vmul.f32 v43, v43  }
0x16d: {  	v63 =	vld.idx.msk [tilespmem:v51+s4+$0x0], $0xffff;
	v41 =	vor.u32 $0x3B, v4;
	v18 =	vmul.f32 $1.442695020e+00, v57;
	v47 =	vmul.f32 v45, v43;
	v48 =	vpop (erf)  }
0x16e: {  	v6 =	vadd.f32 v11, v6;
	v25 =	vmul.f32 v45, v45;
	v50 =	vpop (erf);
	(erf) = vpow2.f32 v19  }
0x16f: {  	v11 =	vld.idx.msk [tilespmem:v30+s4+$0x0], $0xffff;
	v5 =	vadd.f32 v42, v5;
	v19 =	vmul.f32 $1.442695020e+00, v59;
	v20 =	vmul.f32 $1.442695020e+00, v61  }
0x170: {  	v45 =	vld.idx.msk [tilespmem:v30+s3+$0x0], $0xffff;
	v52 =	vmul.f32 v50, v48;
	(erf) = vpow2.f32 v10  }
0x171: {  	v5 =	vadd.f32 v47, v5;
	v27 =	vmul.f32 v50, v50;
	v50 =	vld.idx.msk [tilespmem:v35+s3+$0x0], $0xffff;
	(erf) = vpow2.f32 v54  }
0x172: {  	v6 =	vadd.f32 v23, v6;
	v22 =	vmul.f32 $1.442695020e+00, v63;
	v54 =	vld.idx.msk [tilespmem:v41+s3+$0x0], $0xffff;
	(erf) = vpow2.f32 v56  }
0x173: {  	v38 =	vld.idx.msk [tilespmem:v26+s3+$0x0], $0xffff;
	v23 =	vmul.f32 v48, v48;
	v5 =	vadd.f32 v52, v5;
	(erf) = vpow2.f32 v58  }
0x174: {  	v52 =	vor.u32 $0x3D, v4;
	v57 =	vmul.f32 $1.442695020e+00, v11;
	(erf) = vpow2.f32 v60  }
0x175: {  	v56 =	vld.idx.msk [tilespmem:v41+s4+$0x0], $0xffff;
	v55 =	vmul.f32 $1.442695020e+00, v45;
	(erf) = vpow2.f32 v62  }
0x176: {  	v7 =	vadd.f32 v21, v7;
	v59 =	vmul.f32 $1.442695020e+00, v50;
	(erf) = vpow2.f32 v17  }
0x177: {  	v47 =	vor.u32 $0x3C, v4;
	v63 =	vmul.f32 $1.442695020e+00, v54;
	(erf) = vpow2.f32 v18  }
0x178: {  	v7 =	vadd.f32 v25, v7;
	v18 =	vld.idx.msk [tilespmem:v35+s4+$0x0], $0xffff;
	v21 =	vpop (erf);
	(erf) = vpow2.f32 v19;
	v19 =	vmul.f32 $1.442695020e+00, v38  }
0x179: {  	v6 =	vadd.f32 v23, v6;
	v62 =	vld.idx.msk [tilespmem:v52+s3+$0x0], $0xffff;
	v24 =	vpop (erf);
	(erf) = vpow2.f32 v20;
	v10 =	vmul.f32 v21, v21  }
0x17a: {  	v35 =	vor.u32 $0x3F, v4;
	v20 =	vmul.f32 $1.442695020e+00, v56;
	v28 =	vpop (erf);
	(erf) = vpow2.f32 v22  }
0x17b: {  	v7 =	vadd.f32 v27, v7;
	v31 =	vmul.f32 v24, v21;
	v12 =	vmul.f32 v24, v24;
	v29 =	vpop (erf)  }
0x17c: {  	v58 =	vld.idx.msk [tilespmem:v47+s3+$0x0], $0xffff;
	v36 =	vmul.f32 v28, v28;
	v6 =	vadd.f32 v10, v6;
	v33 =	vmul.f32 v29, v28  }
0x17d: {  	v5 =	vadd.f32 v31, v5;
	v9 =	vmul.f32 v29, v29;
	v7 =	vadd.f32 v12, v7  }
0x17e: {  	v32 =	vpop (erf);
	v61 =	vmul.f32 $1.442695020e+00, v18;
	v18 =	vld.idx.msk [tilespmem:v52+s4+$0x0], $0xffff;
	v22 =	vmul.f32 $1.442695020e+00, v62;
	v31 =	vor.u32 $0x3E, v4  }
0x17f: {  	v11 =	vld.idx.msk [tilespmem:v35+s4+$0x0], $0xffff;
	v52 =	vor.u32 $0x42, v4;
	v34 =	vpop (erf);
	v15 =	vmul.f32 v32, v32;
	v6 =	vadd.f32 v36, v6  }
0x180: {  	v37 =	vpop (erf);
	v39 =	vmul.f32 v34, v32;
	v42 =	vmul.f32 v34, v34;
	v5 =	vadd.f32 v33, v5  }
0x181: {  	v7 =	vadd.f32 v9, v7;
	v9 =	vmul.f32 $1.442695020e+00, v58;
	v40 =	vpop (erf);
	v14 =	vmul.f32 v37, v37  }
0x182: {  	v6 =	vadd.f32 v15, v6;
	v43 =	vmul.f32 v40, v37;
	v44 =	vpop (erf);
	v21 =	vmul.f32 v40, v40  }
0x183: {  	v60 =	vld.idx.msk [tilespmem:v47+s4+$0x0], $0xffff;
	v5 =	vadd.f32 v39, v5;
	v46 =	vpop (erf);
	v23 =	vmul.f32 v44, v44;
	(erf) = vpow2.f32 v19  }
0x184: {  	v50 =	vld.idx.msk [tilespmem:v35+s3+$0x0], $0xffff;
	v7 =	vadd.f32 v42, v7;
	v26 =	vmul.f32 $1.442695020e+00, v18;
	v62 =	vmul.f32 $1.442695020e+00, v11  }
0x185: {  	v40 =	vor.u32 $0x40, v4;
	v48 =	vmul.f32 v46, v44;
	v49 =	vpop (erf);
	(erf) = vpow2.f32 v8  }
0x186: {  	v6 =	vadd.f32 v14, v6;
	v25 =	vmul.f32 v46, v46;
	v51 =	vpop (erf);
	(erf) = vpow2.f32 v55  }
0x187: {  	v5 =	vadd.f32 v43, v5;
	v46 =	vor.u32 $0x41, v4;
	(erf) = vpow2.f32 v57  }
0x188: {  	v7 =	vadd.f32 v21, v7;
	v21 =	vmul.f32 $1.442695020e+00, v60;
	v43 =	vld.idx.msk [tilespmem:v31+s3+$0x0], $0xffff;
	(erf) = vpow2.f32 v59  }
0x189: {  	v60 =	vmul.f32 $1.442695020e+00, v50;
	v50 =	vor.u32 $0x46, v4;
	(erf) = vpow2.f32 v61  }
0x18a: {  	v28 =	vmul.f32 v49, v49;
	v57 =	vor.u32 $0x43, v4;
	v55 =	vld.idx.msk [tilespmem:v40+s3+$0x0], $0xffff;
	(erf) = vpow2.f32 v63  }
0x18b: {  	v6 =	vadd.f32 v23, v6;
	v53 =	vmul.f32 v51, v49;
	v18 =	vld.idx.msk [tilespmem:v40+s4+$0x0], $0xffff;
	(erf) = vpow2.f32 v20  }
0x18c: {  	v5 =	vadd.f32 v48, v5;
	v32 =	vmul.f32 v51, v51;
	v59 =	vld.idx.msk [tilespmem:v46+s3+$0x0], $0xffff;
	(erf) = vpow2.f32 v9  }
0x18d: {  	v7 =	vadd.f32 v25, v7;
	v19 =	vmul.f32 $1.442695020e+00, v43;
	v61 =	vld.idx.msk [tilespmem:v46+s4+$0x0], $0xffff;
	v24 =	vpop (erf);
	(erf) = vpow2.f32 v21  }
0x18e: {  	v6 =	vadd.f32 v28, v6;
	v9 =	vld.idx.msk [tilespmem:v31+s4+$0x0], $0xffff;
	v30 =	vpop (erf);
	(erf) = vpow2.f32 v22;
	v10 =	vmul.f32 v24, v24  }
0x18f: {  	v5 =	vadd.f32 v53, v5;
	v28 =	vld.idx.msk [tilespmem:v57+s3+$0x0], $0xffff;
	v22 =	vmul.f32 $1.442695020e+00, v55;
	v33 =	vpop (erf);
	(erf) = vpow2.f32 v26  }
0x190: {  	v7 =	vadd.f32 v32, v7;
	v36 =	vmul.f32 v30, v24;
	v12 =	vmul.f32 v30, v30  }
0x191: {  	v26 =	vmul.f32 $1.442695020e+00, v18;
	v32 =	vmul.f32 $1.442695020e+00, v59;
	v30 =	vor.u32 $0x51, v4;
	v34 =	vpop (erf)  }
0x192: {  	v24 =	vld.idx.msk [tilespmem:v52+s4+$0x0], $0xffff;
	v41 =	vmul.f32 v33, v33;
	v6 =	vadd.f32 v10, v6;
	v38 =	vmul.f32 v34, v33  }
0x193: {  	v5 =	vadd.f32 v36, v5;
	v8 =	vmul.f32 v34, v34;
	v9 =	vmul.f32 $1.442695020e+00, v9  }
0x194: {  	v37 =	vpop (erf);
	v7 =	vadd.f32 v12, v7;
	v34 =	vmul.f32 $1.442695020e+00, v61;
	v36 =	vmul.f32 $1.442695020e+00, v28  }
0x195: {  	v33 =	vld.idx.msk [tilespmem:v57+s4+$0x0], $0xffff;
	v39 =	vpop (erf);
	v15 =	vmul.f32 v37, v37;
	v6 =	vadd.f32 v41, v6;
	v41 =	vor.u32 $0x44, v4  }
0x196: {  	v42 =	vpop (erf);
	v44 =	vmul.f32 v39, v37;
	v47 =	vmul.f32 v39, v39;
	v5 =	vadd.f32 v38, v5  }
0x197: {  	v63 =	vld.idx.msk [tilespmem:v52+s3+$0x0], $0xffff;
	v7 =	vadd.f32 v8, v7;
	v45 =	vpop (erf);
	v14 =	vmul.f32 v42, v42;
	v35 =	vmul.f32 $1.442695020e+00, v24  }
0x198: {  	v6 =	vadd.f32 v15, v6;
	v48 =	vmul.f32 v45, v42;
	v49 =	vpop (erf);
	v21 =	vmul.f32 v45, v45  }
0x199: {  	v5 =	vadd.f32 v44, v5;
	v7 =	vadd.f32 v47, v7;
	v23 =	vmul.f32 v49, v49  }
0x19a: {  	v45 =	vor.u32 $0x45, v4;
	v51 =	vpop (erf);
	(erf) = vpow2.f32 v19;
	v38 =	vmul.f32 $1.442695020e+00, v33  }
0x19b: {  	v6 =	vadd.f32 v14, v6;
	v53 =	vmul.f32 v51, v49;
	v25 =	vmul.f32 v51, v51  }
0x19c: {  	v54 =	vpop (erf);
	(erf) = vpow2.f32 v9;
	v5 =	vadd.f32 v48, v5;
	v9 =	vmul.f32 $1.442695020e+00, v63  }
0x19d: {  	v18 =	vld.idx.msk [tilespmem:v50+s4+$0x0], $0xffff;
	v7 =	vadd.f32 v21, v7;
	v56 =	vpop (erf);
	(erf) = vpow2.f32 v60;
	v6 =	vadd.f32 v23, v6  }
0x19e: {  	v39 =	vmul.f32 v54, v54;
	(erf) = vpow2.f32 v62;
	v5 =	vadd.f32 v53, v5;
	v53 =	vld.idx.msk [tilespmem:v41+s3+$0x0], $0xffff  }
0x19f: {  	v58 =	vmul.f32 v56, v54;
	v7 =	vadd.f32 v25, v7;
	(erf) = vpow2.f32 v22;
	v60 =	vld.idx.msk [tilespmem:v45+s3+$0x0], $0xffff  }
0x1a0: {  	v42 =	vmul.f32 v56, v56;
	v56 =	vor.u32 $0x47, v4;
	v11 =	vld.idx.msk [tilespmem:v45+s4+$0x0], $0xffff;
	(erf) = vpow2.f32 v26  }
0x1a1: {  	v62 =	vor.u32 $0x48, v4;
	v6 =	vadd.f32 v39, v6;
	(erf) = vpow2.f32 v32  }
0x1a2: {  	v45 =	vmul.f32 $1.442695020e+00, v18;
	v5 =	vadd.f32 v58, v5;
	(erf) = vpow2.f32 v34  }
0x1a3: {  	v7 =	vadd.f32 v42, v7;
	(erf) = vpow2.f32 v9;
	v19 =	vmul.f32 $1.442695020e+00, v53  }
0x1a4: {  	v26 =	vor.u32 $0x50, v4;
	v34 =	vld.idx.msk [tilespmem:v50+s3+$0x0], $0xffff;
	v37 =	vpop (erf);
	(erf) = vpow2.f32 v35;
	v39 =	vmul.f32 $1.442695020e+00, v60  }
0x1a5: {  	v9 =	vld.idx.msk [tilespmem:v41+s4+$0x0], $0xffff;
	v41 =	vmul.f32 $1.442695020e+00, v11;
	v60 =	vor.u32 $0x4B, v4;
	v40 =	vpop (erf);
	(erf) = vpow2.f32 v36  }
0x1a6: {  	v10 =	vmul.f32 v37, v37;
	v36 =	vor.u32 $0x49, v4;
	v43 =	vpop (erf);
	(erf) = vpow2.f32 v38;
	v38 =	vld.idx.msk [tilespmem:v56+s3+$0x0], $0xffff  }
0x1a7: {  	v46 =	vmul.f32 v40, v37;
	v12 =	vmul.f32 v40, v40;
	v40 =	vld.idx.msk [tilespmem:v56+s4+$0x0], $0xffff;
	v56 =	vor.u32 $0x4A, v4;
	v44 =	vpop (erf)  }
0x1a8: {  	v51 =	vmul.f32 v43, v43;
	v6 =	vadd.f32 v10, v6;
	v48 =	vmul.f32 v44, v43  }
0x1a9: {  	v47 =	vpop (erf);
	v5 =	vadd.f32 v46, v5;
	v8 =	vmul.f32 v44, v44;
	v7 =	vadd.f32 v12, v7  }
0x1aa: {  	v9 =	vmul.f32 $1.442695020e+00, v9;
	v43 =	vmul.f32 $1.442695020e+00, v34;
	v34 =	vor.u32 $0x4C, v4;
	v49 =	vpop (erf)  }
0x1ab: {  	v44 =	vld.idx.msk [tilespmem:v62+s4+$0x0], $0xffff;
	v15 =	vmul.f32 v47, v47;
	v6 =	vadd.f32 v51, v6;
	v52 =	vpop (erf);
	v54 =	vmul.f32 v49, v47  }
0x1ac: {  	v57 =	vmul.f32 v49, v49;
	v5 =	vadd.f32 v48, v5;
	v14 =	vmul.f32 v52, v52  }
0x1ad: {  	v42 =	vld.idx.msk [tilespmem:v62+s3+$0x0], $0xffff;
	v7 =	vadd.f32 v8, v7;
	v55 =	vpop (erf);
	v47 =	vmul.f32 $1.442695020e+00, v38;
	v49 =	vmul.f32 $1.442695020e+00, v40  }
0x1ae: {  	v46 =	vld.idx.msk [tilespmem:v36+s3+$0x0], $0xffff;
	v6 =	vadd.f32 v15, v6;
	v58 =	vmul.f32 v55, v52;
	v59 =	vpop (erf);
	v21 =	vmul.f32 v55, v55  }
0x1af: {  	v40 =	vor.u32 $0x4D, v4;
	v61 =	vpop (erf);
	v23 =	vmul.f32 v59, v59;
	(erf) = vpow2.f32 v19  }
0x1b0: {  	v48 =	vld.idx.msk [tilespmem:v36+s4+$0x0], $0xffff;
	v5 =	vadd.f32 v54, v5;
	v50 =	vmul.f32 $1.442695020e+00, v44;
	v63 =	vmul.f32 v61, v59  }
0x1b1: {  	v7 =	vadd.f32 v57, v7;
	v33 =	vpop (erf);
	v25 =	vmul.f32 v61, v61;
	(erf) = vpow2.f32 v9  }
0x1b2: {  	v5 =	vadd.f32 v58, v5;
	v9 =	vmul.f32 $1.442695020e+00, v42;
	v35 =	vpop (erf);
	(erf) = vpow2.f32 v39  }
0x1b3: {  	v6 =	vadd.f32 v14, v6;
	v44 =	vld.idx.msk [tilespmem:v60+s3+$0x0], $0xffff;
	v51 =	vmul.f32 $1.442695020e+00, v46;
	(erf) = vpow2.f32 v41  }
0x1b4: {  	v18 =	vld.idx.msk [tilespmem:v34+s4+$0x0], $0xffff;
	v37 =	vmul.f32 v35, v33;
	v5 =	vadd.f32 v63, v5;
	(erf) = vpow2.f32 v43  }
0x1b5: {  	v11 =	vld.idx.msk [tilespmem:v60+s4+$0x0], $0xffff;
	v6 =	vadd.f32 v23, v6;
	v53 =	vmul.f32 $1.442695020e+00, v48;
	(erf) = vpow2.f32 v45  }
0x1b6: {  	v54 =	vmul.f32 v33, v33;
	v5 =	vadd.f32 v37, v5;
	v37 =	vld.idx.msk [tilespmem:v56+s3+$0x0], $0xffff;
	(erf) = vpow2.f32 v47  }
0x1b7: {  	v7 =	vadd.f32 v21, v7;
	v57 =	vmul.f32 v35, v35;
	(erf) = vpow2.f32 v49  }
0x1b8: {  	v6 =	vadd.f32 v54, v6;
	v54 =	vmul.f32 $1.442695020e+00, v44;
	(erf) = vpow2.f32 v9  }
0x1b9: {  	v7 =	vadd.f32 v25, v7;
	v60 =	vmul.f32 $1.442695020e+00, v18;
	v49 =	vld.idx.msk [tilespmem:v34+s3+$0x0], $0xffff;
	v52 =	vpop (erf);
	(erf) = vpow2.f32 v50  }
0x1ba: {  	v46 =	vor.u32 $0x4E, v4;
	v9 =	vld.idx.msk [tilespmem:v56+s4+$0x0], $0xffff;
	v56 =	vmul.f32 $1.442695020e+00, v11;
	v55 =	vpop (erf);
	(erf) = vpow2.f32 v51  }
0x1bb: {  	v7 =	vadd.f32 v57, v7;
	v10 =	vmul.f32 v52, v52;
	v19 =	vmul.f32 $1.442695020e+00, v37  }
0x1bc: {  	v51 =	vor.u32 $0x4F, v4;
	v58 =	vpop (erf);
	(erf) = vpow2.f32 v53;
	v61 =	vmul.f32 v55, v52;
	v53 =	vld.idx.msk [tilespmem:v40+s3+$0x0], $0xffff  }
0x1bd: {  	v12 =	vmul.f32 v55, v55;
	v55 =	vld.idx.msk [tilespmem:v40+s4+$0x0], $0xffff;
	v59 =	vpop (erf);
	v35 =	vmul.f32 v58, v58;
	v6 =	vadd.f32 v10, v6  }
0x1be: {  	v62 =	vpop (erf);
	v63 =	vmul.f32 v59, v58;
	v5 =	vadd.f32 v61, v5;
	v8 =	vmul.f32 v59, v59  }
0x1bf: {  	v7 =	vadd.f32 v12, v7;
	v9 =	vmul.f32 $1.442695020e+00, v9;
	v58 =	vmul.f32 $1.442695020e+00, v49;
	v33 =	vpop (erf)  }
0x1c0: {  	v59 =	vld.idx.msk [tilespmem:v46+s4+$0x0], $0xffff;
	v15 =	vmul.f32 v62, v62;
	v6 =	vadd.f32 v35, v6;
	v36 =	vpop (erf);
	v38 =	vmul.f32 v33, v62  }
0x1c1: {  	v57 =	vld.idx.msk [tilespmem:v46+s3+$0x0], $0xffff;
	v35 =	vor.u32 $0x52, v4;
	v41 =	vmul.f32 v33, v33;
	v14 =	vmul.f32 v36, v36  }
0x1c2: {  	v11 =	vld.idx.msk [tilespmem:v30+s4+$0x0], $0xffff;
	v5 =	vadd.f32 v63, v5;
	v39 =	vpop (erf);
	v62 =	vmul.f32 $1.442695020e+00, v53;
	v18 =	vmul.f32 $1.442695020e+00, v55  }
0x1c3: {  	v7 =	vadd.f32 v8, v7;
	v42 =	vmul.f32 v39, v36;
	v43 =	vpop (erf);
	v21 =	vmul.f32 v39, v39  }
0x1c4: {  	v6 =	vadd.f32 v15, v6;
	v45 =	vpop (erf);
	v23 =	vmul.f32 v43, v43;
	(erf) = vpow2.f32 v19  }
0x1c5: {  	v61 =	vld.idx.msk [tilespmem:v51+s3+$0x0], $0xffff;
	v7 =	vadd.f32 v41, v7;
	v19 =	vmul.f32 $1.442695020e+00, v59;
	v47 =	vmul.f32 v45, v43  }
0x1c6: {  	v63 =	vld.idx.msk [tilespmem:v51+s4+$0x0], $0xffff;
	v41 =	vor.u32 $0x53, v4;
	v48 =	vpop (erf);
	v25 =	vmul.f32 v45, v45;
	(erf) = vpow2.f32 v9  }
0x1c7: {  	v5 =	vadd.f32 v38, v5;
	v9 =	vmul.f32 $1.442695020e+00, v57;
	v57 =	vmul.f32 $1.442695020e+00, v11;
	v50 =	vpop (erf)  }
0x1c8: {  	v6 =	vadd.f32 v14, v6;
	v45 =	vld.idx.msk [tilespmem:v30+s3+$0x0], $0xffff;
	(erf) = vpow2.f32 v54;
	v52 =	vmul.f32 v50, v48  }
0x1c9: {  	v5 =	vadd.f32 v42, v5;
	(erf) = vpow2.f32 v56;
	v27 =	vmul.f32 v50, v50;
	v50 =	vld.idx.msk [tilespmem:v35+s3+$0x0], $0xffff  }
0x1ca: {  	v38 =	vld.idx.msk [tilespmem:v26+s3+$0x0], $0xffff;
	v7 =	vadd.f32 v21, v7;
	v20 =	vmul.f32 $1.442695020e+00, v61;
	(erf) = vpow2.f32 v58  }
0x1cb: {  	v22 =	vmul.f32 $1.442695020e+00, v63;
	v5 =	vadd.f32 v47, v5;
	v54 =	vld.idx.msk [tilespmem:v41+s3+$0x0], $0xffff;
	(erf) = vpow2.f32 v60  }
0x1cc: {  	v6 =	vadd.f32 v23, v6;
	v23 =	vmul.f32 v48, v48;
	v56 =	vld.idx.msk [tilespmem:v41+s4+$0x0], $0xffff;
	(erf) = vpow2.f32 v62  }
0x1cd: {  	v5 =	vadd.f32 v52, v5;
	v55 =	vmul.f32 $1.442695020e+00, v45;
	(erf) = vpow2.f32 v18  }
0x1ce: {  	v52 =	vor.u32 $0x55, v4;
	(erf) = vpow2.f32 v9;
	v59 =	vmul.f32 $1.442695020e+00, v50  }
0x1cf: {  	v7 =	vadd.f32 v25, v7;
	v18 =	vld.idx.msk [tilespmem:v35+s4+$0x0], $0xffff;
	v21 =	vpop (erf);
	(erf) = vpow2.f32 v19;
	v19 =	vmul.f32 $1.442695020e+00, v38  }
0x1d0: {  	v47 =	vor.u32 $0x54, v4;
	v63 =	vmul.f32 $1.442695020e+00, v54;
	v24 =	vpop (erf);
	(erf) = vpow2.f32 v20  }
0x1d1: {  	v35 =	vor.u32 $0x57, v4;
	v9 =	vld.idx.msk [tilespmem:v26+s4+$0x0], $0xffff;
	v10 =	vmul.f32 v21, v21;
	v20 =	vmul.f32 $1.442695020e+00, v56  }
0x1d2: {  	v6 =	vadd.f32 v23, v6;
	v28 =	vpop (erf);
	(erf) = vpow2.f32 v22;
	v31 =	vmul.f32 v24, v21  }
0x1d3: {  	v7 =	vadd.f32 v27, v7;
	v62 =	vld.idx.msk [tilespmem:v52+s3+$0x0], $0xffff;
	v12 =	vmul.f32 v24, v24;
	v36 =	vmul.f32 v28, v28  }
0x1d4: {  	v29 =	vpop (erf);
	v6 =	vadd.f32 v10, v6;
	v61 =	vmul.f32 $1.442695020e+00, v18;
	v18 =	vld.idx.msk [tilespmem:v52+s4+$0x0], $0xffff;
	v52 =	vor.u32 $0x5A, v4  }
0x1d5: {  	v33 =	vmul.f32 v29, v28;
	v5 =	vadd.f32 v31, v5;
	v8 =	vmul.f32 v29, v29  }
0x1d6: {  	v11 =	vld.idx.msk [tilespmem:v35+s4+$0x0], $0xffff;
	v32 =	vpop (erf);
	v7 =	vadd.f32 v12, v7;
	v9 =	vmul.f32 $1.442695020e+00, v9;
	v31 =	vor.u32 $0x56, v4  }
0x1d7: {  	v29 =	vor.u32 $0x69, v4;
	v34 =	vpop (erf);
	v15 =	vmul.f32 v32, v32;
	v6 =	vadd.f32 v36, v6  }
0x1d8: {  	v37 =	vpop (erf);
	v39 =	vmul.f32 v34, v32;
	v42 =	vmul.f32 v34, v34;
	v5 =	vadd.f32 v33, v5  }
0x1d9: {  	v7 =	vadd.f32 v8, v7;
	v22 =	vmul.f32 $1.442695020e+00, v62;
	v40 =	vpop (erf);
	v14 =	vmul.f32 v37, v37  }
0x1da: {  	v58 =	vld.idx.msk [tilespmem:v47+s3+$0x0], $0xffff;
	v6 =	vadd.f32 v15, v6;
	v43 =	vmul.f32 v40, v37;
	v21 =	vmul.f32 v40, v40  }
0x1db: {  	v60 =	vld.idx.msk [tilespmem:v47+s4+$0x0], $0xffff;
	v44 =	vpop (erf);
	v5 =	vadd.f32 v39, v5;
	v26 =	vmul.f32 $1.442695020e+00, v18;
	v62 =	vmul.f32 $1.442695020e+00, v11  }
0x1dc: {  	v50 =	vld.idx.msk [tilespmem:v35+s3+$0x0], $0xffff;
	v7 =	vadd.f32 v42, v7;
	v46 =	vpop (erf);
	v23 =	vmul.f32 v44, v44;
	(erf) = vpow2.f32 v19  }
0x1dd: {  	v40 =	vor.u32 $0x58, v4;
	v48 =	vmul.f32 v46, v44;
	v49 =	vpop (erf);
	(erf) = vpow2.f32 v9  }
0x1de: {  	v25 =	vmul.f32 v46, v46;
	v5 =	vadd.f32 v43, v5;
	v51 =	vpop (erf);
	(erf) = vpow2.f32 v55  }
0x1df: {  	v9 =	vmul.f32 $1.442695020e+00, v58;
	v46 =	vor.u32 $0x59, v4;
	(erf) = vpow2.f32 v57  }
0x1e0: {  	v7 =	vadd.f32 v21, v7;
	v21 =	vmul.f32 $1.442695020e+00, v60;
	v43 =	vld.idx.msk [tilespmem:v31+s3+$0x0], $0xffff;
	(erf) = vpow2.f32 v59  }
0x1e1: {  	v6 =	vadd.f32 v14, v6;
	v60 =	vmul.f32 $1.442695020e+00, v50;
	(erf) = vpow2.f32 v61  }
0x1e2: {  	v28 =	vmul.f32 v49, v49;
	v57 =	vor.u32 $0x5B, v4;
	v55 =	vld.idx.msk [tilespmem:v40+s3+$0x0], $0xffff;
	(erf) = vpow2.f32 v63  }
0x1e3: {  	v50 =	vor.u32 $0x5E, v4;
	v53 =	vmul.f32 v51, v49;
	v18 =	vld.idx.msk [tilespmem:v40+s4+$0x0], $0xffff;
	(erf) = vpow2.f32 v20  }
0x1e4: {  	v6 =	vadd.f32 v23, v6;
	v32 =	vmul.f32 v51, v51;
	v59 =	vld.idx.msk [tilespmem:v46+s3+$0x0], $0xffff;
	(erf) = vpow2.f32 v9  }
0x1e5: {  	v5 =	vadd.f32 v48, v5;
	v19 =	vmul.f32 $1.442695020e+00, v43;
	v61 =	vld.idx.msk [tilespmem:v46+s4+$0x0], $0xffff;
	v24 =	vpop (erf);
	(erf) = vpow2.f32 v21  }
0x1e6: {  	v7 =	vadd.f32 v25, v7;
	v9 =	vld.idx.msk [tilespmem:v31+s4+$0x0], $0xffff;
	v30 =	vpop (erf);
	(erf) = vpow2.f32 v22;
	v10 =	vmul.f32 v24, v24  }
0x1e7: {  	v6 =	vadd.f32 v28, v6;
	v28 =	vld.idx.msk [tilespmem:v57+s3+$0x0], $0xffff;
	v22 =	vmul.f32 $1.442695020e+00, v55;
	v33 =	vpop (erf);
	(erf) = vpow2.f32 v26  }
0x1e8: {  	v5 =	vadd.f32 v53, v5;
	v36 =	vmul.f32 v30, v24;
	v12 =	vmul.f32 v30, v30  }
0x1e9: {  	v7 =	vadd.f32 v32, v7;
	v26 =	vmul.f32 $1.442695020e+00, v18;
	v32 =	vmul.f32 $1.442695020e+00, v59;
	v34 =	vpop (erf)  }
0x1ea: {  	v24 =	vld.idx.msk [tilespmem:v52+s4+$0x0], $0xffff;
	v41 =	vmul.f32 v33, v33;
	v6 =	vadd.f32 v10, v6;
	v38 =	vmul.f32 v34, v33  }
0x1eb: {  	v5 =	vadd.f32 v36, v5;
	v8 =	vmul.f32 v34, v34;
	v9 =	vmul.f32 $1.442695020e+00, v9  }
0x1ec: {  	v37 =	vpop (erf);
	v7 =	vadd.f32 v12, v7;
	v34 =	vmul.f32 $1.442695020e+00, v61;
	v36 =	vmul.f32 $1.442695020e+00, v28  }
0x1ed: {  	v33 =	vld.idx.msk [tilespmem:v57+s4+$0x0], $0xffff;
	v39 =	vpop (erf);
	v15 =	vmul.f32 v37, v37;
	v6 =	vadd.f32 v41, v6;
	v41 =	vor.u32 $0x5C, v4  }
0x1ee: {  	v42 =	vpop (erf);
	v44 =	vmul.f32 v39, v37;
	v47 =	vmul.f32 v39, v39;
	v5 =	vadd.f32 v38, v5  }
0x1ef: {  	v7 =	vadd.f32 v8, v7;
	v45 =	vpop (erf);
	v14 =	vmul.f32 v42, v42;
	v35 =	vmul.f32 $1.442695020e+00, v24  }
0x1f0: {  	v63 =	vld.idx.msk [tilespmem:v52+s3+$0x0], $0xffff;
	v6 =	vadd.f32 v15, v6;
	v48 =	vmul.f32 v45, v42;
	v49 =	vpop (erf);
	v21 =	vmul.f32 v45, v45  }
0x1f1: {  	v5 =	vadd.f32 v44, v5;
	v45 =	vor.u32 $0x5D, v4;
	v23 =	vmul.f32 v49, v49  }
0x1f2: {  	v7 =	vadd.f32 v47, v7;
	v51 =	vpop (erf);
	(erf) = vpow2.f32 v19;
	v38 =	vmul.f32 $1.442695020e+00, v33  }
0x1f3: {  	v53 =	vmul.f32 v51, v49;
	v54 =	vpop (erf);
	(erf) = vpow2.f32 v9;
	v5 =	vadd.f32 v48, v5  }
0x1f4: {  	v18 =	vld.idx.msk [tilespmem:v50+s4+$0x0], $0xffff;
	v6 =	vadd.f32 v14, v6;
	v25 =	vmul.f32 v51, v51;
	v56 =	vpop (erf);
	(erf) = vpow2.f32 v60  }
0x1f5: {  	v9 =	vmul.f32 $1.442695020e+00, v63;
	(erf) = vpow2.f32 v62;
	v5 =	vadd.f32 v53, v5;
	v53 =	vld.idx.msk [tilespmem:v41+s3+$0x0], $0xffff  }
0x1f6: {  	v7 =	vadd.f32 v21, v7;
	v39 =	vmul.f32 v54, v54;
	(erf) = vpow2.f32 v22;
	v60 =	vld.idx.msk [tilespmem:v45+s3+$0x0], $0xffff  }
0x1f7: {  	v6 =	vadd.f32 v23, v6;
	v58 =	vmul.f32 v56, v54;
	v11 =	vld.idx.msk [tilespmem:v45+s4+$0x0], $0xffff;
	(erf) = vpow2.f32 v26  }
0x1f8: {  	v7 =	vadd.f32 v25, v7;
	v42 =	vmul.f32 v56, v56;
	(erf) = vpow2.f32 v32  }
0x1f9: {  	v56 =	vor.u32 $0x5F, v4;
	v62 =	vor.u32 $0x60, v4;
	(erf) = vpow2.f32 v34  }
0x1fa: {  	v6 =	vadd.f32 v39, v6;
	v45 =	vmul.f32 $1.442695020e+00, v18;
	(erf) = vpow2.f32 v9  }
0x1fb: {  	v5 =	vadd.f32 v58, v5;
	v34 =	vld.idx.msk [tilespmem:v50+s3+$0x0], $0xffff;
	v19 =	vmul.f32 $1.442695020e+00, v53;
	v37 =	vpop (erf);
	(erf) = vpow2.f32 v35  }
0x1fc: {  	v7 =	vadd.f32 v42, v7;
	v9 =	vld.idx.msk [tilespmem:v41+s4+$0x0], $0xffff;
	v39 =	vmul.f32 $1.442695020e+00, v60;
	v41 =	vmul.f32 $1.442695020e+00, v11  }
0x1fd: {  	v60 =	vor.u32 $0x63, v4;
	v40 =	vpop (erf);
	(erf) = vpow2.f32 v36;
	v10 =	vmul.f32 v37, v37  }
0x1fe: {  	v36 =	vor.u32 $0x61, v4;
	v43 =	vpop (erf);
	(erf) = vpow2.f32 v38;
	v46 =	vmul.f32 v40, v37;
	v38 =	vld.idx.msk [tilespmem:v56+s3+$0x0], $0xffff  }
0x1ff: {  	v12 =	vmul.f32 v40, v40;
	v40 =	vld.idx.msk [tilespmem:v56+s4+$0x0], $0xffff;
	v56 =	vor.u32 $0x62, v4;
	v44 =	vpop (erf);
	v51 =	vmul.f32 v43, v43  }
0x200: {  	v6 =	vadd.f32 v10, v6;
	v47 =	vpop (erf);
	v48 =	vmul.f32 v44, v43;
	v8 =	vmul.f32 v44, v44  }
0x201: {  	v5 =	vadd.f32 v46, v5;
	v9 =	vmul.f32 $1.442695020e+00, v9;
	v43 =	vmul.f32 $1.442695020e+00, v34;
	v49 =	vpop (erf)  }
0x202: {  	v7 =	vadd.f32 v12, v7;
	v44 =	vld.idx.msk [tilespmem:v62+s4+$0x0], $0xffff;
	v15 =	vmul.f32 v47, v47;
	v52 =	vpop (erf);
	v54 =	vmul.f32 v49, v47  }
0x203: {  	v6 =	vadd.f32 v51, v6;
	v57 =	vmul.f32 v49, v49;
	v14 =	vmul.f32 v52, v52  }
0x204: {  	v42 =	vld.idx.msk [tilespmem:v62+s3+$0x0], $0xffff;
	v5 =	vadd.f32 v48, v5;
	v55 =	vpop (erf);
	v47 =	vmul.f32 $1.442695020e+00, v38;
	v49 =	vmul.f32 $1.442695020e+00, v40  }
0x205: {  	v7 =	vadd.f32 v8, v7;
	v46 =	vld.idx.msk [tilespmem:v36+s3+$0x0], $0xffff;
	v58 =	vmul.f32 v55, v52;
	v59 =	vpop (erf);
	v21 =	vmul.f32 v55, v55  }
0x206: {  	v48 =	vld.idx.msk [tilespmem:v36+s4+$0x0], $0xffff;
	v6 =	vadd.f32 v15, v6;
	v61 =	vpop (erf);
	v23 =	vmul.f32 v59, v59;
	(erf) = vpow2.f32 v19  }
0x207: {  	v5 =	vadd.f32 v54, v5;
	v50 =	vmul.f32 $1.442695020e+00, v44;
	v63 =	vmul.f32 v61, v59  }
0x208: {  	v7 =	vadd.f32 v57, v7;
	v33 =	vpop (erf);
	v25 =	vmul.f32 v61, v61;
	(erf) = vpow2.f32 v9  }
0x209: {  	v6 =	vadd.f32 v14, v6;
	v9 =	vmul.f32 $1.442695020e+00, v42;
	v35 =	vpop (erf);
	(erf) = vpow2.f32 v39  }
0x20a: {  	v5 =	vadd.f32 v58, v5;
	v51 =	vmul.f32 $1.442695020e+00, v46;
	(erf) = vpow2.f32 v41  }
0x20b: {  	v36 =	vld.idx.msk [tilespmem:v56+s3+$0x0], $0xffff;
	v7 =	vadd.f32 v21, v7;
	v53 =	vmul.f32 $1.442695020e+00, v48;
	(erf) = vpow2.f32 v43  }
0x20c: {  	v6 =	vadd.f32 v23, v6;
	v54 =	vmul.f32 v33, v33;
	(erf) = vpow2.f32 v45  }
0x20d: {  	v37 =	vmul.f32 v35, v33;
	v33 =	vor.u32 $0x64, v4;
	(erf) = vpow2.f32 v47  }
0x20e: {  	v11 =	vld.idx.msk [tilespmem:v60+s4+$0x0], $0xffff;
	v39 =	vor.u32 $0x65, v4;
	v5 =	vadd.f32 v63, v5;
	(erf) = vpow2.f32 v49  }
0x20f: {  	v7 =	vadd.f32 v25, v7;
	v57 =	vmul.f32 v35, v35;
	v43 =	vld.idx.msk [tilespmem:v60+s3+$0x0], $0xffff;
	(erf) = vpow2.f32 v9  }
0x210: {  	v19 =	vmul.f32 $1.442695020e+00, v36;
	v6 =	vadd.f32 v54, v6;
	v52 =	vpop (erf);
	(erf) = vpow2.f32 v50  }
0x211: {  	v5 =	vadd.f32 v37, v5;
	v7 =	vadd.f32 v57, v7;
	v9 =	vld.idx.msk [tilespmem:v56+s4+$0x0], $0xffff;
	v55 =	vpop (erf);
	(erf) = vpow2.f32 v51  }
0x212: {  	v45 =	vor.u32 $0x66, v4;
	v48 =	vld.idx.msk [tilespmem:v33+s3+$0x0], $0xffff;
	v10 =	vmul.f32 v52, v52;
	v58 =	vpop (erf);
	(erf) = vpow2.f32 v53  }
0x213: {  	v18 =	vld.idx.msk [tilespmem:v33+s4+$0x0], $0xffff;
	v33 =	vor.u32 $0x6A, v4;
	v61 =	vmul.f32 v55, v52;
	v12 =	vmul.f32 v55, v55  }
0x214: {  	v54 =	vld.idx.msk [tilespmem:v39+s4+$0x0], $0xffff;
	v50 =	vor.u32 $0x67, v4;
	v53 =	vmul.f32 $1.442695020e+00, v43;
	v55 =	vmul.f32 $1.442695020e+00, v11  }
0x215: {  	v52 =	vld.idx.msk [tilespmem:v39+s3+$0x0], $0xffff;
	v39 =	vor.u32 $0x6B, v4;
	v59 =	vpop (erf);
	v34 =	vmul.f32 v58, v58;
	v6 =	vadd.f32 v10, v6  }
0x216: {  	v63 =	vmul.f32 v59, v58;
	v5 =	vadd.f32 v61, v5;
	v8 =	vmul.f32 v59, v59  }
0x217: {  	v56 =	vld.idx.msk [tilespmem:v45+s3+$0x0], $0xffff;
	v62 =	vpop (erf);
	v7 =	vadd.f32 v12, v7;
	v9 =	vmul.f32 $1.442695020e+00, v9;
	v57 =	vmul.f32 $1.442695020e+00, v48  }
0x218: {  	v58 =	vld.idx.msk [tilespmem:v45+s4+$0x0], $0xffff;
	v59 =	vmul.f32 $1.442695020e+00, v18;
	v45 =	vor.u32 $0x6C, v4;
	v32 =	vpop (erf);
	v15 =	vmul.f32 v62, v62  }
0x219: {  	v6 =	vadd.f32 v34, v6;
	v37 =	vmul.f32 v32, v62;
	v40 =	vmul.f32 v32, v32  }
0x21a: {  	v35 =	vpop (erf);
	v5 =	vadd.f32 v63, v5;
	v7 =	vadd.f32 v8, v7;
	v63 =	vmul.f32 $1.442695020e+00, v54  }
0x21b: {  	v60 =	vld.idx.msk [tilespmem:v50+s3+$0x0], $0xffff;
	v38 =	vpop (erf);
	v14 =	vmul.f32 v35, v35;
	v6 =	vadd.f32 v15, v6;
	v61 =	vmul.f32 $1.442695020e+00, v52  }
0x21c: {  	v11 =	vld.idx.msk [tilespmem:v29+s4+$0x0], $0xffff;
	v41 =	vmul.f32 v38, v35;
	v42 =	vpop (erf);
	v21 =	vmul.f32 v38, v38;
	v5 =	vadd.f32 v37, v5  }
0x21d: {  	v7 =	vadd.f32 v40, v7;
	v44 =	vpop (erf);
	v23 =	vmul.f32 v42, v42;
	(erf) = vpow2.f32 v19  }
0x21e: {  	v6 =	vadd.f32 v14, v6;
	v17 =	vmul.f32 $1.442695020e+00, v58;
	v46 =	vmul.f32 v44, v42  }
0x21f: {  	v62 =	vld.idx.msk [tilespmem:v50+s4+$0x0], $0xffff;
	v47 =	vpop (erf);
	v25 =	vmul.f32 v44, v44;
	(erf) = vpow2.f32 v9;
	v5 =	vadd.f32 v41, v5  }
0x220: {  	v9 =	vmul.f32 $1.442695020e+00, v56;
	v7 =	vadd.f32 v21, v7;
	v18 =	vmul.f32 $1.442695020e+00, v60  }
0x221: {  	v42 =	vld.idx.msk [tilespmem:v29+s3+$0x0], $0xffff;
	v56 =	vmul.f32 $1.442695020e+00, v11;
	v49 =	vpop (erf);
	(erf) = vpow2.f32 v53;
	v6 =	vadd.f32 v23, v6  }
0x222: {  	v53 =	vld.idx.msk [tilespmem:v39+s3+$0x0], $0xffff;
	v51 =	vmul.f32 v49, v47;
	(erf) = vpow2.f32 v55;
	v7 =	vadd.f32 v25, v7  }
0x223: {  	v23 =	vmul.f32 v49, v49;
	v25 =	vor.u32 $0x68, v4;
	v49 =	vld.idx.msk [tilespmem:v33+s3+$0x0], $0xffff;
	(erf) = vpow2.f32 v57  }
0x224: {  	v20 =	vmul.f32 $1.442695020e+00, v62;
	v5 =	vadd.f32 v46, v5;
	(erf) = vpow2.f32 v59  }
0x225: {  	v21 =	vmul.f32 v47, v47;
	(erf) = vpow2.f32 v61  }
0x226: {  	v5 =	vadd.f32 v51, v5;
	v59 =	vld.idx.msk [tilespmem:v45+s4+$0x0], $0xffff;
	v54 =	vmul.f32 $1.442695020e+00, v42;
	(erf) = vpow2.f32 v63  }
0x227: {  	v51 =	vor.u32 $0x6D, v4;
	v62 =	vmul.f32 $1.442695020e+00, v53;
	(erf) = vpow2.f32 v9  }
0x228: {  	v37 =	vld.idx.msk [tilespmem:v25+s3+$0x0], $0xffff;
	v58 =	vmul.f32 $1.442695020e+00, v49;
	v19 =	vpop (erf);
	(erf) = vpow2.f32 v17  }
0x229: {  	v8 =	vld.idx.msk [tilespmem:v25+s4+$0x0], $0xffff;
	v22 =	vpop (erf);
	(erf) = vpow2.f32 v18;
	v10 =	vmul.f32 v19, v19  }
0x22a: {  	v55 =	vld.idx.msk [tilespmem:v39+s4+$0x0], $0xffff;
	v6 =	vadd.f32 v21, v6;
	v24 =	vpop (erf);
	(erf) = vpow2.f32 v20;
	v26 =	vmul.f32 v22, v19  }
0x22b: {  	v7 =	vadd.f32 v23, v7;
	v18 =	vld.idx.msk [tilespmem:v33+s4+$0x0], $0xffff;
	v12 =	vmul.f32 v22, v22;
	v22 =	vmul.f32 $1.442695020e+00, v59  }
0x22c: {  	v61 =	vld.idx.msk [tilespmem:v51+s3+$0x0], $0xffff;
	v59 =	vor.u32 $0x74, v4;
	v27 =	vpop (erf);
	v13 =	vmul.f32 v24, v24;
	v6 =	vadd.f32 v10, v6  }
0x22d: {  	v63 =	vld.idx.msk [tilespmem:v51+s4+$0x0], $0xffff;
	v28 =	vpop (erf);
	v5 =	vadd.f32 v26, v5;
	v31 =	vmul.f32 v27, v24;
	v34 =	vmul.f32 v27, v27  }
0x22e: {  	v7 =	vadd.f32 v12, v7;
	v20 =	vmul.f32 $1.442695020e+00, v37;
	v8 =	vmul.f32 $1.442695020e+00, v8;
	v30 =	vpop (erf)  }
0x22f: {  	v9 =	vmul.f32 v28, v28;
	v6 =	vadd.f32 v13, v6;
	v35 =	vmul.f32 v30, v28  }
0x230: {  	v57 =	vld.idx.msk [tilespmem:v45+s3+$0x0], $0xffff;
	v14 =	vmul.f32 v30, v30;
	v5 =	vadd.f32 v31, v5;
	v60 =	vmul.f32 $1.442695020e+00, v18  }
0x231: {  	v32 =	vpop (erf);
	v7 =	vadd.f32 v34, v7;
	v18 =	vmul.f32 $1.442695020e+00, v55;
	v24 =	vmul.f32 $1.442695020e+00, v61  }
0x232: {  	v26 =	vmul.f32 $1.442695020e+00, v63;
	v30 =	vor.u32 $0x6E, v4;
	v34 =	vor.u32 $0x6F, v4;
	v36 =	vpop (erf)  }
0x233: {  	v55 =	vor.u32 $0x73, v4;
	v17 =	vmul.f32 v32, v32;
	v38 =	vpop (erf);
	v40 =	vmul.f32 v36, v32  }
0x234: {  	v6 =	vadd.f32 v9, v6;
	v19 =	vmul.f32 v36, v36;
	v46 =	vmul.f32 v38, v38  }
0x235: {  	v5 =	vadd.f32 v35, v5;
	v41 =	vpop (erf);
	(erf) = vpow2.f32 v20;
	v20 =	vmul.f32 $1.442695020e+00, v57  }
0x236: {  	v7 =	vadd.f32 v14, v7;
	v43 =	vmul.f32 v41, v38;
	v44 =	vpop (erf);
	(erf) = vpow2.f32 v8  }
0x237: {  	v47 =	vmul.f32 v41, v41;
	v38 =	vor.u32 $0x70, v4;
	v48 =	vpop (erf);
	(erf) = vpow2.f32 v54;
	v41 =	vld.idx.msk [tilespmem:v30+s3+$0x0], $0xffff  }
0x238: {  	v6 =	vadd.f32 v17, v6;
	v52 =	vmul.f32 v44, v44;
	v9 =	vld.idx.msk [tilespmem:v30+s4+$0x0], $0xffff;
	(erf) = vpow2.f32 v56  }
0x239: {  	v5 =	vadd.f32 v40, v5;
	v13 =	vld.idx.msk [tilespmem:v34+s4+$0x0], $0xffff;
	v50 =	vmul.f32 v48, v44;
	(erf) = vpow2.f32 v58  }
0x23a: {  	v27 =	vmul.f32 v48, v48;
	v44 =	vor.u32 $0x71, v4;
	v48 =	vld.idx.msk [tilespmem:v34+s3+$0x0], $0xffff;
	(erf) = vpow2.f32 v60  }
0x23b: {  	v7 =	vadd.f32 v19, v7;
	v5 =	vadd.f32 v43, v5;
	(erf) = vpow2.f32 v62  }
0x23c: {  	v6 =	vadd.f32 v46, v6;
	v53 =	vld.idx.msk [tilespmem:v38+s3+$0x0], $0xffff;
	(erf) = vpow2.f32 v18;
	v18 =	vmul.f32 $1.442695020e+00, v41  }
0x23d: {  	v5 =	vadd.f32 v50, v5;
	v17 =	vld.idx.msk [tilespmem:v38+s4+$0x0], $0xffff;
	v9 =	vmul.f32 $1.442695020e+00, v9;
	(erf) = vpow2.f32 v20  }
0x23e: {  	v50 =	vor.u32 $0x72, v4;
	v60 =	vmul.f32 $1.442695020e+00, v13;
	v25 =	vpop (erf);
	(erf) = vpow2.f32 v22  }
0x23f: {  	v7 =	vadd.f32 v47, v7;
	v57 =	vld.idx.msk [tilespmem:v44+s3+$0x0], $0xffff;
	v58 =	vmul.f32 $1.442695020e+00, v48;
	v28 =	vpop (erf);
	(erf) = vpow2.f32 v24  }
0x240: {  	v6 =	vadd.f32 v52, v6;
	v21 =	vld.idx.msk [tilespmem:v44+s4+$0x0], $0xffff;
	v10 =	vmul.f32 v25, v25;
	v31 =	vmul.f32 v28, v25  }
0x241: {  	v7 =	vadd.f32 v27, v7;
	v32 =	vpop (erf);
	(erf) = vpow2.f32 v26;
	v12 =	vmul.f32 v28, v28  }
0x242: {  	v48 =	vor.u32 $0x77, v4;
	v62 =	vmul.f32 $1.442695020e+00, v53;
	v25 =	vmul.f32 $1.442695020e+00, v17  }
0x243: {  	v63 =	vld.idx.msk [tilespmem:v50+s4+$0x0], $0xffff;
	v33 =	vpop (erf);
	v6 =	vadd.f32 v10, v6;
	v39 =	vmul.f32 v32, v32;
	v5 =	vadd.f32 v31, v5  }
0x244: {  	v27 =	vld.idx.msk [tilespmem:v55+s3+$0x0], $0xffff;
	v36 =	vmul.f32 v33, v32;
	v8 =	vmul.f32 v33, v33;
	v7 =	vadd.f32 v12, v7  }
0x245: {  	v34 =	vld.idx.msk [tilespmem:v59+s3+$0x0], $0xffff;
	v35 =	vpop (erf);
	v30 =	vmul.f32 $1.442695020e+00, v57;
	v32 =	vor.u32 $0x75, v4;
	v33 =	vmul.f32 $1.442695020e+00, v21  }
0x246: {  	v31 =	vld.idx.msk [tilespmem:v55+s4+$0x0], $0xffff;
	v55 =	vor.u32 $0x78, v4;
	v37 =	vpop (erf);
	v11 =	vmul.f32 v35, v35;
	v6 =	vadd.f32 v39, v6  }
0x247: {  	v40 =	vpop (erf);
	v42 =	vmul.f32 v37, v35;
	v45 =	vmul.f32 v37, v37;
	v5 =	vadd.f32 v36, v5  }
0x248: {  	v7 =	vadd.f32 v8, v7;
	v36 =	vmul.f32 $1.442695020e+00, v63;
	v43 =	vpop (erf);
	v15 =	vmul.f32 v40, v40  }
0x249: {  	v61 =	vld.idx.msk [tilespmem:v50+s3+$0x0], $0xffff;
	v6 =	vadd.f32 v11, v6;
	v11 =	vmul.f32 $1.442695020e+00, v27;
	v46 =	vmul.f32 v43, v40  }
0x24a: {  	v35 =	vld.idx.msk [tilespmem:v59+s4+$0x0], $0xffff;
	v47 =	vpop (erf);
	v20 =	vmul.f32 v43, v43;
	v5 =	vadd.f32 v42, v5;
	v40 =	vmul.f32 $1.442695020e+00, v34  }
0x24b: {  	v7 =	vadd.f32 v45, v7;
	v49 =	vpop (erf);
	v22 =	vmul.f32 v47, v47;
	(erf) = vpow2.f32 v18  }
0x24c: {  	v21 =	vld.idx.msk [tilespmem:v48+s4+$0x0], $0xffff;
	v45 =	vor.u32 $0x76, v4;
	v37 =	vmul.f32 $1.442695020e+00, v31;
	v51 =	vmul.f32 v49, v47  }
0x24d: {  	v6 =	vadd.f32 v15, v6;
	v38 =	vld.idx.msk [tilespmem:v32+s3+$0x0], $0xffff;
	v52 =	vpop (erf);
	v24 =	vmul.f32 v49, v49;
	(erf) = vpow2.f32 v9  }
0x24e: {  	v43 =	vld.idx.msk [tilespmem:v32+s4+$0x0], $0xffff;
	v5 =	vadd.f32 v46, v5;
	v9 =	vmul.f32 $1.442695020e+00, v61;
	v54 =	vpop (erf);
	(erf) = vpow2.f32 v58  }
0x24f: {  	v26 =	vld.idx.msk [tilespmem:v55+s4+$0x0], $0xffff;
	v7 =	vadd.f32 v20, v7;
	v42 =	vmul.f32 $1.442695020e+00, v35;
	v44 =	vmul.f32 v52, v52  }
0x250: {  	v61 =	vor.u32 $0x79, v4;
	v56 =	vmul.f32 v54, v52;
	(erf) = vpow2.f32 v60;
	v60 =	vld.idx.msk [tilespmem:v48+s3+$0x0], $0xffff  }
0x251: {  	v39 =	vadd.f32 v22, v6;
	v46 =	vmul.f32 v54, v54;
	(erf) = vpow2.f32 v62;
	v54 =	vld.idx.msk [tilespmem:v45+s3+$0x0], $0xffff  }
0x252: {  	v5 =	vadd.f32 v51, v5;
	v41 =	vadd.f32 v24, v7;
	v57 =	vld.idx.msk [tilespmem:v45+s4+$0x0], $0xffff;
	(erf) = vpow2.f32 v25  }
0x253: {  	v13 =	vadd.f32 v44, v39;
	v39 =	vld.idx.msk [tilespmem:v55+s3+$0x0], $0xffff;
	v15 =	vmul.f32 $1.442695020e+00, v38;
	v51 =	vmul.f32 $1.442695020e+00, v43  }
0x254: {  	v18 =	vadd.f32 v46, v41;
	v46 =	vmul.f32 $1.442695020e+00, v21;
	(erf) = vpow2.f32 v30  }
0x255: {  	v26 =	vmul.f32 $1.442695020e+00, v26;
	(erf) = vpow2.f32 v33  }
0x256: {  	v32 =	vld.idx.msk [tilespmem:v61+s4+$0x0], $0xffff;
	(erf) = vpow2.f32 v9;
	v44 =	vmul.f32 $1.442695020e+00, v60  }
0x257: {  	v16 =	vadd.f32 v56, v5;
	v9 =	vpop (erf);
	(erf) = vpow2.f32 v36;
	v25 =	vmul.f32 $1.442695020e+00, v54  }
0x258: {  	v38 =	vor.u32 $0x7A, v4;
	v28 =	vmul.f32 $1.442695020e+00, v57;
	v48 =	vmul.f32 $1.442695020e+00, v39  }
0x259: {  	v41 =	vor.u32 $0x7B, v4;
	v14 =	vpop (erf);
	(erf) = vpow2.f32 v11;
	v47 =	vmul.f32 v9, v9  }
0x25a: {  	v45 =	vld.idx.msk [tilespmem:v61+s3+$0x0], $0xffff;
	v61 =	vor.u32 $0x7E, v4;
	v6 =	vpop (erf);
	(erf) = vpow2.f32 v37;
	v49 =	vmul.f32 v14, v14  }
0x25b: {  	v55 =	vmul.f32 $1.442695020e+00, v32;
	v12 =	vpop (erf);
	v50 =	vmul.f32 v6, v6;
	v20 =	vadd.f32 v47, v13  }
0x25c: {  	v54 =	vor.u32 $0x7D, v4;
	(erf) = vpow2.f32 v40;
	v5 =	vpop (erf);
	v52 =	vmul.f32 v12, v12  }
0x25d: {  	v62 =	vadd.f32 v49, v18;
	v49 =	vld.idx.msk [tilespmem:v38+s4+$0x0], $0xffff;
	v10 =	vpop (erf);
	v20 =	vadd.f32 v50, v20;
	v50 =	vor.u32 $0x7C, v4  }
0x25e: {  	(erf) = vpow2.f32 v42;
	v53 =	vmul.f32 v5, v5;
	v4 =	vor.u32 $0x7F, v4;
	v7 =	vpop (erf)  }
0x25f: {  	v47 =	vld.idx.msk [tilespmem:v38+s3+$0x0], $0xffff;
	v56 =	vmul.f32 v10, v10;
	v23 =	vadd.f32 v52, v62;
	v11 =	vpop (erf);
	(erf) = vpow2.f32 v15  }
0x260: {  	v52 =	vld.idx.msk [tilespmem:v41+s3+$0x0], $0xffff;
	v58 =	vmul.f32 v7, v7;
	v24 =	vadd.f32 v53, v20;
	v53 =	vmul.f32 $1.442695020e+00, v45  }
0x261: {  	v8 =	vpop (erf);
	(erf) = vpow2.f32 v51;
	v59 =	vmul.f32 v11, v11;
	v23 =	vadd.f32 v56, v23;
	v56 =	vld.idx.msk [tilespmem:v41+s4+$0x0], $0xffff  }
0x262: {  	v13 =	vpop (erf);
	v63 =	vmul.f32 v8, v8;
	v24 =	vadd.f32 v58, v24;
	v57 =	vmul.f32 $1.442695020e+00, v49;
	v58 =	vld.idx.msk [tilespmem:v50+s3+$0x0], $0xffff  }
0x263: {  	v15 =	vpop (erf);
	v35 =	vmul.f32 v13, v13;
	(erf) = vpow2.f32 v25;
	v60 =	vld.idx.msk [tilespmem:v50+s4+$0x0], $0xffff  }
0x264: {  	v25 =	vmul.f32 $1.442695020e+00, v47;
	v47 =	vld.idx.msk [tilespmem:v61+s3+$0x0], $0xffff;
	v36 =	vmul.f32 v15, v15  }
0x265: {  	v23 =	vadd.f32 v59, v23;
	v49 =	vld.idx.msk [tilespmem:v4+s3+$0x0], $0xffff;
	v17 =	vpop (erf);
	(erf) = vpow2.f32 v28;
	v59 =	vmul.f32 $1.442695020e+00, v52  }
0x266: {  	v4 =	vld.idx.msk [tilespmem:v4+s4+$0x0], $0xffff;
	v37 =	vmul.f32 v17, v17;
	v18 =	vpop (erf);
	(erf) = vpow2.f32 v44  }
0x267: {  	v24 =	vadd.f32 v63, v24;
	v63 =	vld.idx.msk [tilespmem:v54+s3+$0x0], $0xffff;
	v19 =	vpop (erf);
	v22 =	vmul.f32 v18, v18;
	(erf) = vpow2.f32 v46  }
0x268: {  	v28 =	vmul.f32 $1.442695020e+00, v56;
	(erf) = vpow2.f32 v48  }
0x269: {  	v43 =	vld.idx.msk [tilespmem:v54+s4+$0x0], $0xffff;
	v40 =	vmul.f32 v19, v19;
	(erf) = vpow2.f32 v26  }
0x26a: {  	v48 =	vld.idx.msk [tilespmem:v61+s4+$0x0], $0xffff;
	v30 =	vmul.f32 $1.442695020e+00, v58;
	v46 =	vmul.f32 $1.442695020e+00, v60  }
0x26b: {  	v24 =	vadd.f32 v36, v24;
	v33 =	vmul.f32 $1.442695020e+00, v47;
	v4 =	vmul.f32 $1.442695020e+00, v4  }
0x26c: {  	v23 =	vadd.f32 v35, v23;
	v20 =	vpop (erf);
	(erf) = vpow2.f32 v53;
	v26 =	vmul.f32 $1.442695020e+00, v63  }
0x26d: {  	v22 =	vadd.f32 v22, v24;
	v27 =	vmul.f32 v20, v20;
	v21 =	vpop (erf);
	(erf) = vpow2.f32 v55  }
0x26e: {  	v23 =	vadd.f32 v37, v23;
	v51 =	vmul.f32 v21, v21;
	(erf) = vpow2.f32 v25  }
0x26f: {  	v25 =	vmul.f32 $1.442695020e+00, v43;
	v32 =	vpop (erf);
	v22 =	vadd.f32 v27, v22;
	v27 =	vmul.f32 $1.442695020e+00, v48  }
0x270: {  	v23 =	vadd.f32 v40, v23;
	v35 =	vpop (erf);
	v62 =	vmul.f32 v32, v32;
	(erf) = vpow2.f32 v57  }
0x271: {  	v42 =	vmul.f32 v35, v35;
	v39 =	vpop (erf);
	(erf) = vpow2.f32 v59  }
0x272: {  	v23 =	vadd.f32 v51, v23;
	v44 =	vmul.f32 v39, v39;
	(erf) = vpow2.f32 v28  }
0x273: {  	v31 =	vpop (erf);
	v22 =	vadd.f32 v62, v22;
	v28 =	vmul.f32 $1.442695020e+00, v49;
	(erf) = vpow2.f32 v30  }
0x274: {  	v45 =	vmul.f32 v31, v31;
	v29 =	vpop (erf);
	v23 =	vadd.f32 v42, v23;
	(erf) = vpow2.f32 v46  }
0x275: {  	v30 =	vpop (erf);
	v50 =	vmul.f32 v29, v29;
	v22 =	vadd.f32 v44, v22;
	(erf) = vpow2.f32 v26  }
0x276: {  	v51 =	vmul.f32 v30, v30;
	v36 =	vpop (erf);
	v23 =	vadd.f32 v45, v23;
	(erf) = vpow2.f32 v25  }
0x277: {  	v25 =	vpop (erf);
	v52 =	vmul.f32 v36, v36;
	v22 =	vadd.f32 v50, v22;
	(erf) = vpow2.f32 v33  }
0x278: {  	v53 =	vmul.f32 v25, v25;
	v23 =	vadd.f32 v51, v23;
	v26 =	vpop (erf);
	(erf) = vpow2.f32 v27  }
0x279: {  	v22 =	vadd.f32 v52, v22;
	v54 =	vmul.f32 v26, v26;
	v27 =	vpop (erf);
	(erf) = vpow2.f32 v28  }
0x27a: {  	v23 =	vadd.f32 v53, v23;
	v55 =	vmul.f32 v27, v27;
	v28 =	vpop (erf);
	(erf) = vpow2.f32 v4  }
0x27b: {  	v9 =	vmul.f32 v14, v9;
	v56 =	vadd.f32 v54, v22;
	v4 =	vpop (erf);
	v57 =	vmul.f32 v28, v28  }
0x27c: {  	v33 =	vpop (erf);
	v23 =	vadd.f32 v55, v23;
	v58 =	vmul.f32 v4, v4  }
0x27d: {  	v9 =	vadd.f32 v9, v16;
	v34 =	vpop (erf);
	v14 =	vadd.f32 v57, v56;
	v59 =	vmul.f32 v33, v33  }
0x27e: {  	v6 =	vmul.f32 v12, v6;
	v22 =	vpop (erf);
	v60 =	vadd.f32 v58, v23;
	v61 =	vmul.f32 v34, v34  }
0x27f: {  	v24 =	vpop (erf);
	v14 =	vadd.f32 v59, v14;
	v62 =	vmul.f32 v22, v22  }
0x280: {  	v6 =	vadd.f32 v6, v9;
	v63 =	vpop (erf);
	v38 =	vadd.f32 v61, v60;
	v40 =	vmul.f32 v24, v24  }
0x281: {  	v5 =	vmul.f32 v10, v5;
	v41 =	vpop (erf);
	v42 =	vadd.f32 v62, v14;
	v43 =	vmul.f32 v63, v63  }
0x282: {  	v44 =	vpop (erf);
	v9 =	vadd.f32 v40, v38;
	v45 =	vmul.f32 v41, v41  }
0x283: {  	v5 =	vadd.f32 v5, v6;
	v46 =	vmul.f32 v11, v7;
	v47 =	vadd.f32 v43, v42;
	v48 =	vpop (erf)  }
0x284: {  	v49 =	vmul.f32 v44, v44;
	v9 =	vadd.f32 v45, v9;
	v50 =	vmul.f32 v48, v48  }
0x285: {  	v5 =	vadd.f32 v46, v5  }
0x286: {  	v51 =	vmul.f32 v13, v8;
	v7 =	vadd.f32 v49, v47;
	v52 =	vadd.f32 v50, v9;
	_ =	sdelay $0x1  }
0x287: {  	v5 =	vadd.f32 v51, v5;
	v53 =	vmul.f32 v17, v15;
	v7 =	vmul.f32 v52, v7  }
0x288: {  	v54 =	vmul.f32 v19, v18  }
0x289: {  	v5 =	vadd.f32 v53, v5;
	v8 =	vshra.s32 v7, $0x1;
	v7 =	vmul.f32 $5.000000000e-01, v7  }
0x28a: {  	v8 =	vsub.s32 $0x5F3759DF, v8  }
0x28b: {  	v55 =	vmul.f32 v21, v20;
	v5 =	vadd.f32 v54, v5;
	v56 =	vmul.f32 v8, v7;
	_ =	sdelay $0x1  }
0x28c: {  	v57 =	vmul.f32 v35, v32;
	v5 =	vadd.f32 v55, v5;
	v9 =	vmul.f32 v8, v56;
	_ =	sdelay $0x1  }
0x28d: {  	v58 =	vmul.f32 v31, v39;
	v5 =	vadd.f32 v57, v5;
	v9 =	vsub.f32 $1.500000000e+00, v9;
	_ =	sdelay $0x1  }
0x28e: {  	v59 =	vmul.f32 v30, v29;
	v5 =	vadd.f32 v58, v5;
	v8 =	vmul.f32 v8, v9;
	_ =	sdelay $0x1  }
0x28f: {  	v60 =	vmul.f32 v25, v36;
	v5 =	vadd.f32 v59, v5;
	v9 =	vmul.f32 v8, v7;
	_ =	sdelay $0x1  }
0x290: {  	v61 =	vmul.f32 v27, v26;
	v5 =	vadd.f32 v60, v5;
	v9 =	vmul.f32 v9, v8;
	_ =	sdelay $0x1  }
0x291: {  	v4 =	vmul.f32 v4, v28;
	v5 =	vadd.f32 v61, v5;
	v62 =	vsub.f32 $1.500000000e+00, v9;
	_ =	sdelay $0x1  }
0x292: {  	v4 =	vadd.f32 v4, v5;
	v5 =	vmul.f32 v34, v33;
	v6 =	vmul.f32 v62, v8;
	_ =	sdelay $0x1  }
0x293: {  	v4 =	vadd.f32 v5, v4;
	v5 =	vmul.f32 v24, v22;
	v7 =	vmul.f32 v6, v7;
	_ =	sdelay $0x1  }
0x294: {  	v4 =	vadd.f32 v5, v4;
	v5 =	vmul.f32 v41, v63;
	v7 =	vmul.f32 v7, v6;
	_ =	sdelay $0x1  }
0x295: {  	v4 =	vadd.f32 v5, v4;
	v5 =	vmul.f32 v48, v44;
	v7 =	vsub.f32 $1.500000000e+00, v7  }
0x296: {  	v63 =	vld [tilespmem:s5+$0x0]  }
0x297: {  	v4 =	vadd.f32 v5, v4;
	v5 =	vmul.f32 v7, v6;
	_ =	sdelay $0x1  }
0x298: {  	v4 =	vmul.f32 v5, v4;
	_ =	sdelay $0x1  }
0x299: {  	v5 =	vsub.f32 v63, v2;
	v4 =	vadd.f32 $1.000000000e+00, v4;
	_ =	sdelay $0x1  }
0x29a: {  	v5 =	vmul.f32 v5, v0;
	v4 =	vmul.f32 $5.000000000e-01, v4  }
0x29b: {  	p0 =	sne.s32 s2, $0xF0  }
.Ltmp0:
0x29c: {  	v4 =	vsub.f32 v4, v5;
	(pc) =	sbr.rel @p0 .LBB2_1-.Ltmp0, $3  }
0x29d: {  	_ = 	snop  }
0x29e: {  	v4 =	vmul.f32 v4, v4;
	_ =	sdelay $0x1  }
0x29f: {  	s2 =	sadd.s32 $0x10, s2;
	s5 =	sadd.s32 $0x10, s5;
	v1 =	vadd.f32 v4, v1  }
0x2a0: {  	s2 =	sshll.u32 s1, $0x4;
	s3 =	simm.s32 $0x0  }
0x2a1: {  	s4 =	simm.s32 $0x11400;
	s31 =	simm.s32 $0x2;
	s2 =	sadd.s32 s6, s2;
	[tilespmem:$0x11400] =	vst v1  }
0x2a2: {  	[hbm4b:s2+s3] =	stream.linear.scatter [tilespmem:s4], [sflag:$0x2], $0x80, $0x38;
	[tilespmem:$0x114A0] =	vst v63  }
0x2a3: {  	_ =	swait.ge [sflag:s31], $0x80  }
0x2a4: {  	[sflag:s31] =	ssyncset.done $0x0  }
0x2a5: {  	[sflag:s31] =	ssyncadd.s32 $0xFFFFFF80  }
0x2a6: {  	_ =	sfence.sel $0x180000  }
0x2a7: {  	[bflag:$0x0] =	sbarrier.arrive $0xFFFF  }
0x2a8: {  	p0 =	sne.s32 s1, $0x0;
	_ =	strace $0x90000047  }
0x2a9: {  	s0 =	sadd.s32 @!p0 $0x100000, s0;
	[bflag:$0x2] =	sbarrier.arrive $0xFFFF  }
0x2aa: {  	[sflag:s0] =	ssyncadd.tile.s32 @!p0 $0x1;
	_ =	shalt  }
.Lfunc_end2:
_tile_overlayer_lowered:
.L_overlay_start_2:
0x2ab: {  	(tag) =	ssettag $0x2  }
0x2ac: {  	s0 =	rddreg [dreg:$0x0];
	s2 =	stileid.u32  }
0x2ad: {  	s1 =	rddreg [dreg:$0x1];
	p0 =	sne.s32 s2, $0x0  }
0x2ae: {  	s3 =	rddreg [dreg:$0x2];
	[bflag:$0x3] =	sbarrier.arrive $0xFFFF;
	s2 =	simm.s32 @!p0 $0x1C02  }
0x2af: {  	[timem:s3], [sflag:s2] =	dma.local @!p0 [hbm:s0], s1  }
0x2b0: {  	s0 =	simm.s32 @!p0 $0x2  }
0x2b1: {  	_ =	swait.ge @!p0 [sflag:s0], s1  }
0x2b2: {  	s1 =	ssub.s32 @!p0 $0x0, s1;
	[sflag:s0] =	ssyncset.done @!p0 $0x0  }
0x2b3: {  	[sflag:s0] =	ssyncadd.s32 @!p0 s1  }
0x2b4: {  	[bflag:$0x3] =	sbarrier.arrive $0xFFFF  }
0x2b5: {  	_ =	shalt  }

</sc_bundles>
